<compile_context>
chip_gen: v7x
topology: tpu7x:2x2x1
jax: 0.10.2.dev20260603
libtpu: 0.0.44.dev20260713+nightly
codegen_flags: <defaults>
</compile_context>

<pallas_src>
import functools

import jax
import jax.numpy as jnp
from jax import lax
from jax.experimental import pallas as pl
from jax.experimental.pallas import tpu as pltpu
from jax.experimental.pallas import tpu_sc as plsc

H = 1024
E = 64
I = 256
G = 8
TKG = 4
K = 2
IS = 512
T = 2048
EPG = E // G
TM = 128
NT = (T * K) // TM + E
NS = NT * TM
NA = T * K
NW = 32
RPW = NS // NW
TPW = T // NW


def _gate_kernel(x_ref, wgate_ref, bias_ref,
                 slot0_ref, slot1_ref, w0_ref, w1_ref, te_ref, nv_ref):
    x = x_ref[...]
    logits = jnp.dot(x, wgate_ref[...], preferred_element_type=jnp.float32)
    scores = jax.nn.sigmoid(logits) + bias_ref[...]
    gs = jnp.concatenate(
        [jnp.max(scores[:, g * EPG:(g + 1) * EPG], axis=1, keepdims=True)
         for g in range(G)], axis=1)
    giota = lax.broadcasted_iota(jnp.int32, (T, G), 1)
    gmask = jnp.zeros((T, G), jnp.float32)
    cur = gs
    for _ in range(TKG):
        m = jnp.max(cur, axis=1, keepdims=True)
        sel_idx = jnp.min(jnp.where(cur == m, giota, G), axis=1, keepdims=True)
        sel = giota == sel_idx
        gmask = gmask + sel.astype(jnp.float32)
        cur = jnp.where(sel, -jnp.inf, cur)
    emask = jnp.concatenate(
        [jnp.broadcast_to(gmask[:, g:g + 1], (T, EPG)) for g in range(G)],
        axis=1)
    masked = scores * emask
    eiota = lax.broadcasted_iota(jnp.int32, (T, E), 1)
    cur = masked
    ws, sels = [], []
    for _ in range(K):
        m = jnp.max(cur, axis=1, keepdims=True)
        si = jnp.min(jnp.where(cur == m, eiota, E), axis=1, keepdims=True)
        sel = (eiota == si).astype(jnp.float32)
        ws.append(m)
        sels.append(sel)
        cur = jnp.where(sel > 0, -jnp.inf, cur)
    denom = ws[0] + ws[1] + 1e-8

    cnt = sels[0] + sels[1]
    inc = cnt
    d = 1
    while d < T:
        inc = inc + jnp.concatenate(
            [jnp.zeros((d, E), jnp.float32), inc[:-d, :]], axis=0)
        d *= 2
    exc = jnp.concatenate([jnp.zeros((1, E), jnp.float32), inc[:-1, :]], axis=0)
    counts = inc[T - 1:T, :].astype(jnp.int32)
    tiles = jnp.right_shift(counts + (TM - 1), 7)
    acc = tiles
    d = 1
    while d < E:
        acc = acc + jnp.concatenate(
            [jnp.zeros((1, d), jnp.int32), acc[:, :-d]], axis=1)
        d *= 2
    tstart = acc - tiles
    nv = jnp.sum(tiles, axis=1, keepdims=True)
    po = (tstart * TM).astype(jnp.float32)

    slots = []
    for k in range(K):
        rank = jnp.sum(exc * sels[k], axis=1, keepdims=True)
        base = jnp.sum(po * sels[k], axis=1, keepdims=True)
        slots.append((base + rank).astype(jnp.int32))
    slot0_ref[...] = slots[0]
    slot1_ref[...] = slots[1]
    w0_ref[...] = ws[0] / denom
    w1_ref[...] = ws[1] / denom

    i_row = lax.broadcasted_iota(jnp.int32, (1, 128), 1)
    i_row = jnp.minimum(i_row, nv - 1)
    ident = (lax.broadcasted_iota(jnp.int32, (E, E), 0)
             == lax.broadcasted_iota(jnp.int32, (E, E), 1)).astype(jnp.int32)
    tstart_col = jnp.sum(tstart * ident, axis=1, keepdims=True)
    te_ref[...] = jnp.sum((tstart_col <= i_row).astype(jnp.int32),
                          axis=0, keepdims=True) - 1
    nv_ref[...] = nv


def _shared_kernel(x_ref, wsg_ref, wsu_ref, wsd_ref, shared_ref):
    x16 = x_ref[...].astype(jnp.bfloat16)
    g = jnp.dot(x16, wsg_ref[...].astype(jnp.bfloat16),
                preferred_element_type=jnp.float32)
    u = jnp.dot(x16, wsu_ref[...].astype(jnp.bfloat16),
                preferred_element_type=jnp.float32)
    h = (jax.nn.silu(g) * u).astype(jnp.bfloat16)
    shared_ref[...] = jnp.dot(h, wsd_ref[...].astype(jnp.bfloat16),
                              preferred_element_type=jnp.float32)


def _dispatch_sc_kernel(x_hbm, s0_hbm, s1_hbm, w0_hbm, w1_hbm, xs_hbm,
                        wsort_hbm, s0_v, s1_v, w0_v, w1_v, wsort_v, idx2_v,
                        rows_v, sem):
    c = lax.axis_index("c")
    s = lax.axis_index("s")

    @pl.when(jnp.logical_and(s == 0, c == 0))
    def _wsort():
        pltpu.sync_copy(s0_hbm, s0_v)
        pltpu.sync_copy(s1_hbm, s1_v)
        pltpu.sync_copy(w0_hbm, w0_v)
        pltpu.sync_copy(w1_hbm, w1_v)
        zero_f = jnp.zeros((16,), jnp.float32)

        def _zero(j, carry):
            wsort_v[pl.ds(j * 16, 16)] = zero_f
            return carry

        lax.fori_loop(0, NS // 16, _zero, 0, unroll=8)

        def _scatter(j, carry):
            base = j * 16
            plsc.store_scatter(wsort_v, [s0_v[pl.ds(base, 16)]],
                               w0_v[pl.ds(base, 16)])
            plsc.store_scatter(wsort_v, [s1_v[pl.ds(base, 16)]],
                               w1_v[pl.ds(base, 16)])
            return carry

        lax.fori_loop(0, T // 16, _scatter, 0, unroll=4)
        pltpu.sync_copy(wsort_v, wsort_hbm)

    wid = c * 16 + s
    t0 = wid * TPW
    pltpu.sync_copy(s0_hbm.at[pl.ds(t0, TPW)], idx2_v.at[0])
    pltpu.sync_copy(s1_hbm.at[pl.ds(t0, TPW)], idx2_v.at[1])
    pltpu.sync_copy(x_hbm.at[pl.ds(t0, TPW)], rows_v)
    cp0 = pltpu.async_copy(rows_v, xs_hbm.at[idx2_v.at[0]], sem)
    cp1 = pltpu.async_copy(rows_v, xs_hbm.at[idx2_v.at[1]], sem)
    cp0.wait()
    cp1.wait()


def _gemm_kernel(te_ref, nv_ref, xs_ref, wg_ref, wu_ref, wd_ref, ws_ref,
                 y_ref):
    i = pl.program_id(0)

    @pl.when(i < nv_ref[0])
    def _():
        x = xs_ref[...].astype(jnp.bfloat16)
        g = jnp.dot(x, wg_ref[0].astype(jnp.bfloat16),
                    preferred_element_type=jnp.float32)
        u = jnp.dot(x, wu_ref[0].astype(jnp.bfloat16),
                    preferred_element_type=jnp.float32)
        h = (jax.nn.silu(g) * u).astype(jnp.bfloat16)
        y = jnp.dot(h, wd_ref[0].astype(jnp.bfloat16),
                    preferred_element_type=jnp.float32)
        ident = (lax.broadcasted_iota(jnp.int32, (TM, TM), 0)
                 == lax.broadcasted_iota(jnp.int32, (TM, TM), 1)
                 ).astype(jnp.float32)
        wcol = jnp.sum(ws_ref[0] * ident, axis=1, keepdims=True)
        y_ref[...] = y * wcol


def _combine_sc_kernel(s0_hbm, s1_hbm, y_hbm, shared_hbm, out_hbm,
                       idx2_v, rows_v, sh_v, sem):
    c = lax.axis_index("c")
    s = lax.axis_index("s")
    wid = c * 16 + s
    tok0 = wid * TPW
    HT = TPW // 2
    pltpu.sync_copy(s0_hbm.at[pl.ds(tok0, TPW)], idx2_v.at[0])
    pltpu.sync_copy(s1_hbm.at[pl.ds(tok0, TPW)], idx2_v.at[1])
    for half in range(2):
        t0 = tok0 + half * HT
        toff = half * HT
        g0 = pltpu.async_copy(
            y_hbm.at[idx2_v.at[0, pl.ds(toff, HT)]],
            rows_v.at[pl.ds(0, HT)], sem)
        g1 = pltpu.async_copy(
            y_hbm.at[idx2_v.at[1, pl.ds(toff, HT)]],
            rows_v.at[pl.ds(HT, HT)], sem)
        pltpu.sync_copy(shared_hbm.at[pl.ds(t0, HT)], sh_v)
        g0.wait()
        g1.wait()

        def _tok(t, carry):
            def _chunk(j, carry2):
                cs = pl.ds(j * 16, 16)
                sh_v[t, cs] = (sh_v[t, cs] + rows_v[t, cs]
                               + rows_v[HT + t, cs])
                return carry2

            lax.fori_loop(0, H // 16, _chunk, 0, unroll=8)
            return carry

        lax.fori_loop(0, HT, _tok, 0)
        pltpu.sync_copy(sh_v, out_hbm.at[pl.ds(t0, HT)])


def kernel(hidden_states, W_gate, bias_corr, Wg, Wu, Wd, Ws_g, Ws_u, Ws_d):
    x = hidden_states.reshape(T, H)
    bias2d = bias_corr.reshape(1, E)

    slot0, slot1, w0, w1, te, nv = pl.pallas_call(
        _gate_kernel,
        out_shape=(
            jax.ShapeDtypeStruct((T, 1), jnp.int32),
            jax.ShapeDtypeStruct((T, 1), jnp.int32),
            jax.ShapeDtypeStruct((T, 1), jnp.float32),
            jax.ShapeDtypeStruct((T, 1), jnp.float32),
            jax.ShapeDtypeStruct((1, 128), jnp.int32),
            jax.ShapeDtypeStruct((1, 1), jnp.int32),
        ),
    )(x, W_gate, bias2d)

    s0 = slot0.reshape(T)
    s1 = slot1.reshape(T)
    w0f = w0.reshape(T)
    w1f = w1.reshape(T)

    mesh = plsc.VectorSubcoreMesh(core_axis_name="c", subcore_axis_name="s",
                                  num_cores=2, num_subcores=16)
    sc_params = pltpu.CompilerParams(needs_layout_passes=False)
    dispatch = functools.partial(
        pl.kernel, _dispatch_sc_kernel, mesh=mesh,
        compiler_params=sc_params,
        out_type=(
            jax.ShapeDtypeStruct((NS, H), jnp.float32),
            jax.ShapeDtypeStruct((NS,), jnp.float32),
        ),
        scratch_types=[
            pltpu.VMEM((T,), jnp.int32),
            pltpu.VMEM((T,), jnp.int32),
            pltpu.VMEM((T,), jnp.float32),
            pltpu.VMEM((T,), jnp.float32),
            pltpu.VMEM((NS,), jnp.float32),
            pltpu.VMEM((K, TPW), jnp.int32),
            pltpu.VMEM((TPW, H), jnp.float32),
            pltpu.SemaphoreType.DMA,
        ],
    )()
    xs, wsort = dispatch(x, s0, s1, w0f, w1f)

    shared = pl.pallas_call(
        _shared_kernel,
        out_shape=jax.ShapeDtypeStruct((T, H), jnp.float32),
    )(x, Ws_g, Ws_u, Ws_d)

    y = pl.pallas_call(
        _gemm_kernel,
        grid_spec=pltpu.PrefetchScalarGridSpec(
            num_scalar_prefetch=2,
            grid=(NT,),
            in_specs=[
                pl.BlockSpec((TM, H),
                             lambda i, te, nv: (jnp.minimum(i, nv[0] - 1), 0)),
                pl.BlockSpec((1, H, I), lambda i, te, nv: (te[i], 0, 0)),
                pl.BlockSpec((1, H, I), lambda i, te, nv: (te[i], 0, 0)),
                pl.BlockSpec((1, I, H), lambda i, te, nv: (te[i], 0, 0)),
                pl.BlockSpec((1, 1, TM),
                             lambda i, te, nv: (jnp.minimum(i, nv[0] - 1), 0, 0)),
            ],
            out_specs=pl.BlockSpec(
                (TM, H),
                lambda i, te, nv: (jnp.where(i < nv[0], i, NT - 1), 0)),
        ),
        out_shape=jax.ShapeDtypeStruct((NS, H), jnp.float32),
    )(te.reshape(128), nv.reshape(1), xs, Wg, Wu, Wd,
      wsort.reshape(NT, 1, TM))

    combine = functools.partial(
        pl.kernel, _combine_sc_kernel, mesh=mesh,
        compiler_params=sc_params,
        out_type=jax.ShapeDtypeStruct((T, H), jnp.float32),
        scratch_types=[
            pltpu.VMEM((K, TPW), jnp.int32),
            pltpu.VMEM((TPW, H), jnp.float32),
            pltpu.VMEM((TPW // 2, H), jnp.float32),
            pltpu.SemaphoreType.DMA,
        ],
    )()
    out = combine(s0, s1, y, shared)

    return out.reshape(1, T, H)

# --- scband reference (transcript-rebuilt; emitter-appended) ---
"""Pipeline reference for scband-deep-seek-mo-e-63909113364650 (READ-ONLY COPY).

The authoritative reference and input builder live on the scoring server;
editing this copy changes nothing except your own understanding.
"""

import jax, jax.numpy as jnp
import numpy as np

H = 1024
E = 64
I = 256
G = 8
TKG = 4
K = 2
NSH = 2
B = 1
S = 2048
IS = I * NSH


def setup_inputs(seed: int = 0) -> dict:
    key = jax.random.key(seed)
    ks = jax.random.split(key, 10)
    hidden_states = jax.random.normal(ks[0], (B, S, H), dtype=jnp.float32)
    W_gate = jax.random.normal(ks[1], (H, E), dtype=jnp.float32) * 0.02
    bias_corr = jnp.zeros((E,), dtype=jnp.float32)
    Wg = jax.random.normal(ks[2], (E, H, I), dtype=jnp.float32) * 0.02
    Wu = jax.random.normal(ks[3], (E, H, I), dtype=jnp.float32) * 0.02
    Wd = jax.random.normal(ks[4], (E, I, H), dtype=jnp.float32) * 0.02
    Ws_g = jax.random.normal(ks[5], (H, IS), dtype=jnp.float32) * 0.02
    Ws_u = jax.random.normal(ks[6], (H, IS), dtype=jnp.float32) * 0.02
    Ws_d = jax.random.normal(ks[7], (IS, H), dtype=jnp.float32) * 0.02
    return {"hidden_states": hidden_states, "W_gate": W_gate, "bias_corr": bias_corr,
            "Wg": Wg, "Wu": Wu, "Wd": Wd, "Ws_g": Ws_g, "Ws_u": Ws_u, "Ws_d": Ws_d}


def _gate(x_flat, W_gate, bias_corr):
    T = x_flat.shape[0]
    logits = x_flat @ W_gate
    scores = jax.nn.sigmoid(logits) + bias_corr
    scores_reshaped = scores.reshape(T, G, E // G)
    group_scores = scores_reshaped.max(axis=-1)
    _, selected_groups = jax.lax.top_k(group_scores, TKG)
    group_mask = jnp.zeros((T, G), dtype=scores.dtype).at[jnp.arange(T)[:, None], selected_groups].set(1.0)
    mask = jnp.repeat(group_mask[:, :, None], E // G, axis=2).reshape(T, E)
    masked_scores = scores * mask
    topk_weights, topk_indices = jax.lax.top_k(masked_scores, K)
    topk_weights = topk_weights / (topk_weights.sum(axis=-1, keepdims=True) + 1e-08)
    return topk_weights, topk_indices


def reference(hidden_states, W_gate, bias_corr, Wg, Wu, Wd, Ws_g, Ws_u, Ws_d):
    b, s, h = hidden_states.shape
    x_flat = hidden_states.reshape(-1, h)
    # shared expert
    shared = (jax.nn.silu(x_flat @ Ws_g) * (x_flat @ Ws_u)) @ Ws_d
    # routing
    topk_weights, topk_indices = _gate(x_flat, W_gate, bias_corr)
    num_experts = Wg.shape[0]

    def body(routed, xs):
        e, Wg_e, Wu_e, Wd_e = xs
        is_e = (topk_indices == e)
        w_e = (topk_weights * is_e.astype(topk_weights.dtype)).sum(axis=-1)
        out_e = (jax.nn.silu(x_flat @ Wg_e) * (x_flat @ Wu_e)) @ Wd_e
        routed = routed + out_e * w_e[:, None]
        return routed, None

    routed, _ = jax.lax.scan(
        body,
        jnp.zeros_like(x_flat),
        (jnp.arange(num_experts), Wg, Wu, Wd),
    )
    return (shared + routed).reshape(b, s, h)

if __name__ == "__main__":
    import jax
    _d = setup_inputs()
    print(jax.jit(kernel)(*tuple(_d.values())))

</pallas_src>

<mosaic_0001>
#map = affine_map<(d0, d1) -> (0)>
#map1 = affine_map<(d0, d1) -> (0, 0)>
module attributes {stable_mosaic.version = 14 : i64} {
  func.func @_combine_sc_kernel(%arg0: i32, %arg1: i32, %arg2: memref<2048xi32, #tpu.memory_space<hbm>>, %arg3: memref<2048xi32, #tpu.memory_space<hbm>>, %arg4: memref<12288x1024xf32, #tpu.memory_space<hbm>>, %arg5: memref<2048x1024xf32, #tpu.memory_space<hbm>>, %arg6: memref<2048x1024xf32, #tpu.memory_space<hbm>>, %arg7: memref<2x64xi32, #tpu.memory_space<vmem>>, %arg8: memref<64x1024xf32, #tpu.memory_space<vmem>>, %arg9: memref<32x1024xf32, #tpu.memory_space<vmem>>, %arg10: memref<!tpu.dma_semaphore, #tpu.memory_space<semaphore_mem>>) attributes {dimension_semantics = [#tpu.dimension_semantics<core_parallel>, #tpu.dimension_semantics<subcore_parallel>], iteration_bounds = array<i64: 2, 16>, scalar_prefetch = 0 : i64, scratch_operands = 4 : i64, tpu.core_type = #tpu.core_type<sc_vector_subcore>, window_params = [{transform_indices = #map}, {transform_indices = #map}, {transform_indices = #map1}, {transform_indices = #map1}, {transform_indices = #map1}]} {
    %mul3A = arith.constant 16 : i32
    %mul3A_0 = arith.muli %arg0, %mul3A : i32
    %add3A = arith.addi %mul3A_0, %arg1 : i32
    %mul3A_1 = arith.constant 64 : i32
    %mul3A_2 = arith.muli %add3A, %mul3A_1 : i32
    %run_scoped3A = arith.constant 0 : i32
    "tpu.region"() ({
      %run_scoped3A_97 = tpu.sem_alloc : memref<!tpu.dma_semaphore, #tpu.memory_space<semaphore_mem>>
      %dma_start3A_98 = arith.constant 0 : i32
      %dma_start3A_99 = tpu.memref_slice %arg7[%run_scoped3A, %dma_start3A_98] : memref<2x64xi32, #tpu.memory_space<vmem>> -> memref<1x64xi32, #tpu.memory_space<vmem>>
      %dma_start3A_100 = tpu.memref_squeeze %dma_start3A_99 : memref<1x64xi32, #tpu.memory_space<vmem>> -> memref<64xi32, #tpu.memory_space<vmem>>
      %dma_start3A_101 = tpu.memref_slice %arg2[%mul3A_2] : memref<2048xi32, #tpu.memory_space<hbm>> -> memref<64xi32, #tpu.memory_space<hbm>>
      %dma_start3A_102 = arith.constant 0 : i32
      %dma_start3A_103 = tpu.memref_slice %arg7[%run_scoped3A, %dma_start3A_102] : memref<2x64xi32, #tpu.memory_space<vmem>> -> memref<1x64xi32, #tpu.memory_space<vmem>>
      %dma_start3A_104 = tpu.memref_squeeze %dma_start3A_103 : memref<1x64xi32, #tpu.memory_space<vmem>> -> memref<64xi32, #tpu.memory_space<vmem>>
      %dma_start3A_105 = tpu.memref_slice %arg2[%mul3A_2] : memref<2048xi32, #tpu.memory_space<hbm>> -> memref<64xi32, #tpu.memory_space<hbm>>
      tpu.enqueue_dma source(%dma_start3A_105 : memref<64xi32, #tpu.memory_space<hbm>>) target(%dma_start3A_104 : memref<64xi32, #tpu.memory_space<vmem>>) target_semaphore(%run_scoped3A_97 : memref<!tpu.dma_semaphore, #tpu.memory_space<semaphore_mem>>)
      %dma_wait3A_106 = arith.constant 0 : i32
      %dma_wait3A_107 = tpu.memref_slice %arg7[%run_scoped3A, %dma_wait3A_106] : memref<2x64xi32, #tpu.memory_space<vmem>> -> memref<1x64xi32, #tpu.memory_space<vmem>>
      %dma_wait3A_108 = tpu.memref_squeeze %dma_wait3A_107 : memref<1x64xi32, #tpu.memory_space<vmem>> -> memref<64xi32, #tpu.memory_space<vmem>>
      %dma_wait3A_109 = tpu.memref_slice %arg2[%mul3A_2] : memref<2048xi32, #tpu.memory_space<hbm>> -> memref<64xi32, #tpu.memory_space<hbm>>
      %dma_wait3A_110 = arith.constant 0 : i32
      %dma_wait3A_111 = tpu.memref_slice %arg7[%run_scoped3A, %dma_wait3A_110] : memref<2x64xi32, #tpu.memory_space<vmem>> -> memref<1x64xi32, #tpu.memory_space<vmem>>
      %dma_wait3A_112 = tpu.memref_squeeze %dma_wait3A_111 : memref<1x64xi32, #tpu.memory_space<vmem>> -> memref<64xi32, #tpu.memory_space<vmem>>
      %dma_wait3A_113 = tpu.memref_slice %arg2[%mul3A_2] : memref<2048xi32, #tpu.memory_space<hbm>> -> memref<64xi32, #tpu.memory_space<hbm>>
      tpu.wait_dma2 semaphore(%run_scoped3A_97 : memref<!tpu.dma_semaphore, #tpu.memory_space<semaphore_mem>>) src(%dma_wait3A_113 : memref<64xi32, #tpu.memory_space<hbm>>) dst(%dma_wait3A_112 : memref<64xi32, #tpu.memory_space<vmem>>)
      tpu.yield
    }) : () -> ()
    %run_scoped3A_3 = arith.constant 1 : i32
    "tpu.region"() ({
      %run_scoped3A_97 = tpu.sem_alloc : memref<!tpu.dma_semaphore, #tpu.memory_space<semaphore_mem>>
      %dma_start3A_98 = arith.constant 0 : i32
      %dma_start3A_99 = tpu.memref_slice %arg7[%run_scoped3A_3, %dma_start3A_98] : memref<2x64xi32, #tpu.memory_space<vmem>> -> memref<1x64xi32, #tpu.memory_space<vmem>>
      %dma_start3A_100 = tpu.memref_squeeze %dma_start3A_99 : memref<1x64xi32, #tpu.memory_space<vmem>> -> memref<64xi32, #tpu.memory_space<vmem>>
      %dma_start3A_101 = tpu.memref_slice %arg3[%mul3A_2] : memref<2048xi32, #tpu.memory_space<hbm>> -> memref<64xi32, #tpu.memory_space<hbm>>
      %dma_start3A_102 = arith.constant 0 : i32
      %dma_start3A_103 = tpu.memref_slice %arg7[%run_scoped3A_3, %dma_start3A_102] : memref<2x64xi32, #tpu.memory_space<vmem>> -> memref<1x64xi32, #tpu.memory_space<vmem>>
      %dma_start3A_104 = tpu.memref_squeeze %dma_start3A_103 : memref<1x64xi32, #tpu.memory_space<vmem>> -> memref<64xi32, #tpu.memory_space<vmem>>
      %dma_start3A_105 = tpu.memref_slice %arg3[%mul3A_2] : memref<2048xi32, #tpu.memory_space<hbm>> -> memref<64xi32, #tpu.memory_space<hbm>>
      tpu.enqueue_dma source(%dma_start3A_105 : memref<64xi32, #tpu.memory_space<hbm>>) target(%dma_start3A_104 : memref<64xi32, #tpu.memory_space<vmem>>) target_semaphore(%run_scoped3A_97 : memref<!tpu.dma_semaphore, #tpu.memory_space<semaphore_mem>>)
      %dma_wait3A_106 = arith.constant 0 : i32
      %dma_wait3A_107 = tpu.memref_slice %arg7[%run_scoped3A_3, %dma_wait3A_106] : memref<2x64xi32, #tpu.memory_space<vmem>> -> memref<1x64xi32, #tpu.memory_space<vmem>>
      %dma_wait3A_108 = tpu.memref_squeeze %dma_wait3A_107 : memref<1x64xi32, #tpu.memory_space<vmem>> -> memref<64xi32, #tpu.memory_space<vmem>>
      %dma_wait3A_109 = tpu.memref_slice %arg3[%mul3A_2] : memref<2048xi32, #tpu.memory_space<hbm>> -> memref<64xi32, #tpu.memory_space<hbm>>
      %dma_wait3A_110 = arith.constant 0 : i32
      %dma_wait3A_111 = tpu.memref_slice %arg7[%run_scoped3A_3, %dma_wait3A_110] : memref<2x64xi32, #tpu.memory_space<vmem>> -> memref<1x64xi32, #tpu.memory_space<vmem>>
      %dma_wait3A_112 = tpu.memref_squeeze %dma_wait3A_111 : memref<1x64xi32, #tpu.memory_space<vmem>> -> memref<64xi32, #tpu.memory_space<vmem>>
      %dma_wait3A_113 = tpu.memref_slice %arg3[%mul3A_2] : memref<2048xi32, #tpu.memory_space<hbm>> -> memref<64xi32, #tpu.memory_space<hbm>>
      tpu.wait_dma2 semaphore(%run_scoped3A_97 : memref<!tpu.dma_semaphore, #tpu.memory_space<semaphore_mem>>) src(%dma_wait3A_113 : memref<64xi32, #tpu.memory_space<hbm>>) dst(%dma_wait3A_112 : memref<64xi32, #tpu.memory_space<vmem>>)
      tpu.yield
    }) : () -> ()
    %add3A_4 = arith.constant 0 : i32
    %add3A_5 = arith.addi %mul3A_2, %add3A_4 : i32
    %dma_start3A = arith.constant 0 : i32
    %dma_start3A_6 = arith.constant 0 : i32
    %dma_start3A_7 = arith.constant 0 : i32
    %dma_start3A_8 = tpu.memref_slice %arg8[%dma_start3A_6, %dma_start3A_7] : memref<64x1024xf32, #tpu.memory_space<vmem>> -> memref<32x1024xf32, #tpu.memory_space<vmem>>
    %dma_start3A_9 = arith.constant 0 : i32
    %dma_start3A_10 = tpu.memref_slice %arg7[%dma_start3A, %dma_start3A_9] : memref<2x64xi32, #tpu.memory_space<vmem>> -> memref<1x32xi32, #tpu.memory_space<vmem>>
    %dma_start3A_11 = tpu.memref_squeeze %dma_start3A_10 : memref<1x32xi32, #tpu.memory_space<vmem>> -> memref<32xi32, #tpu.memory_space<vmem>>
    %dma_start3A_12 = arith.constant 0 : i32
    %dma_start3A_13 = arith.constant 0 : i32
    %dma_start3A_14 = tpu.memref_slice %arg4[%dma_start3A_12, %dma_start3A_13] : memref<12288x1024xf32, #tpu.memory_space<hbm>> -> memref<12288x1024xf32, #tpu.memory_space<hbm>>
    tpu.enqueue_indirect_dma source(%dma_start3A_14 : memref<12288x1024xf32, #tpu.memory_space<hbm>>) target(%dma_start3A_8 : memref<32x1024xf32, #tpu.memory_space<vmem>>) offsets(%dma_start3A_11 : memref<32xi32, #tpu.memory_space<vmem>>) semaphore(%arg10 : memref<!tpu.dma_semaphore, #tpu.memory_space<semaphore_mem>>)
    %dma_start3A_15 = arith.constant 1 : i32
    %dma_start3A_16 = arith.constant 32 : i32
    %dma_start3A_17 = arith.constant 0 : i32
    %dma_start3A_18 = tpu.memref_slice %arg8[%dma_start3A_16, %dma_start3A_17] : memref<64x1024xf32, #tpu.memory_space<vmem>> -> memref<32x1024xf32, #tpu.memory_space<vmem>>
    %dma_start3A_19 = arith.constant 0 : i32
    %dma_start3A_20 = tpu.memref_slice %arg7[%dma_start3A_15, %dma_start3A_19] : memref<2x64xi32, #tpu.memory_space<vmem>> -> memref<1x32xi32, #tpu.memory_space<vmem>>
    %dma_start3A_21 = tpu.memref_squeeze %dma_start3A_20 : memref<1x32xi32, #tpu.memory_space<vmem>> -> memref<32xi32, #tpu.memory_space<vmem>>
    %dma_start3A_22 = arith.constant 0 : i32
    %dma_start3A_23 = arith.constant 0 : i32
    %dma_start3A_24 = tpu.memref_slice %arg4[%dma_start3A_22, %dma_start3A_23] : memref<12288x1024xf32, #tpu.memory_space<hbm>> -> memref<12288x1024xf32, #tpu.memory_space<hbm>>
    tpu.enqueue_indirect_dma source(%dma_start3A_24 : memref<12288x1024xf32, #tpu.memory_space<hbm>>) target(%dma_start3A_18 : memref<32x1024xf32, #tpu.memory_space<vmem>>) offsets(%dma_start3A_21 : memref<32xi32, #tpu.memory_space<vmem>>) semaphore(%arg10 : memref<!tpu.dma_semaphore, #tpu.memory_space<semaphore_mem>>)
    "tpu.region"() ({
      %run_scoped3A_97 = tpu.sem_alloc : memref<!tpu.dma_semaphore, #tpu.memory_space<semaphore_mem>>
      %dma_start3A_98 = arith.constant 0 : i32
      %dma_start3A_99 = tpu.memref_slice %arg5[%add3A_5, %dma_start3A_98] : memref<2048x1024xf32, #tpu.memory_space<hbm>> -> memref<32x1024xf32, #tpu.memory_space<hbm>>
      %dma_start3A_100 = arith.constant 0 : i32
      %dma_start3A_101 = tpu.memref_slice %arg5[%add3A_5, %dma_start3A_100] : memref<2048x1024xf32, #tpu.memory_space<hbm>> -> memref<32x1024xf32, #tpu.memory_space<hbm>>
      tpu.enqueue_dma source(%dma_start3A_101 : memref<32x1024xf32, #tpu.memory_space<hbm>>) target(%arg9 : memref<32x1024xf32, #tpu.memory_space<vmem>>) target_semaphore(%run_scoped3A_97 : memref<!tpu.dma_semaphore, #tpu.memory_space<semaphore_mem>>)
      %dma_wait3A_102 = arith.constant 0 : i32
      %dma_wait3A_103 = tpu.memref_slice %arg5[%add3A_5, %dma_wait3A_102] : memref<2048x1024xf32, #tpu.memory_space<hbm>> -> memref<32x1024xf32, #tpu.memory_space<hbm>>
      %dma_wait3A_104 = arith.constant 0 : i32
      %dma_wait3A_105 = tpu.memref_slice %arg5[%add3A_5, %dma_wait3A_104] : memref<2048x1024xf32, #tpu.memory_space<hbm>> -> memref<32x1024xf32, #tpu.memory_space<hbm>>
      tpu.wait_dma2 semaphore(%run_scoped3A_97 : memref<!tpu.dma_semaphore, #tpu.memory_space<semaphore_mem>>) src(%dma_wait3A_105 : memref<32x1024xf32, #tpu.memory_space<hbm>>) dst(%arg9 : memref<32x1024xf32, #tpu.memory_space<vmem>>)
      tpu.yield
    }) : () -> ()
    %dma_wait3A = arith.constant 0 : i32
    %dma_wait3A_25 = arith.constant 0 : i32
    %dma_wait3A_26 = arith.constant 0 : i32
    %dma_wait3A_27 = tpu.memref_slice %arg8[%dma_wait3A_25, %dma_wait3A_26] : memref<64x1024xf32, #tpu.memory_space<vmem>> -> memref<32x1024xf32, #tpu.memory_space<vmem>>
    %dma_wait3A_28 = arith.constant 0 : i32
    %dma_wait3A_29 = tpu.memref_slice %arg7[%dma_wait3A, %dma_wait3A_28] : memref<2x64xi32, #tpu.memory_space<vmem>> -> memref<1x32xi32, #tpu.memory_space<vmem>>
    %dma_wait3A_30 = tpu.memref_squeeze %dma_wait3A_29 : memref<1x32xi32, #tpu.memory_space<vmem>> -> memref<32xi32, #tpu.memory_space<vmem>>
    %dma_wait3A_31 = arith.constant 0 : i32
    %dma_wait3A_32 = arith.constant 0 : i32
    %dma_wait3A_33 = tpu.memref_slice %arg4[%dma_wait3A_31, %dma_wait3A_32] : memref<12288x1024xf32, #tpu.memory_space<hbm>> -> memref<12288x1024xf32, #tpu.memory_space<hbm>>
    tpu.wait_indirect_dma semaphore(%arg10 : memref<!tpu.dma_semaphore, #tpu.memory_space<semaphore_mem>>) src(%dma_wait3A_33 : memref<12288x1024xf32, #tpu.memory_space<hbm>>) dst(%dma_wait3A_27 : memref<32x1024xf32, #tpu.memory_space<vmem>>)
    %dma_wait3A_34 = arith.constant 1 : i32
    %dma_wait3A_35 = arith.constant 32 : i32
    %dma_wait3A_36 = arith.constant 0 : i32
    %dma_wait3A_37 = tpu.memref_slice %arg8[%dma_wait3A_35, %dma_wait3A_36] : memref<64x1024xf32, #tpu.memory_space<vmem>> -> memref<32x1024xf32, #tpu.memory_space<vmem>>
    %dma_wait3A_38 = arith.constant 0 : i32
    %dma_wait3A_39 = tpu.memref_slice %arg7[%dma_wait3A_34, %dma_wait3A_38] : memref<2x64xi32, #tpu.memory_space<vmem>> -> memref<1x32xi32, #tpu.memory_space<vmem>>
    %dma_wait3A_40 = tpu.memref_squeeze %dma_wait3A_39 : memref<1x32xi32, #tpu.memory_space<vmem>> -> memref<32xi32, #tpu.memory_space<vmem>>
    %dma_wait3A_41 = arith.constant 0 : i32
    %dma_wait3A_42 = arith.constant 0 : i32
    %dma_wait3A_43 = tpu.memref_slice %arg4[%dma_wait3A_41, %dma_wait3A_42] : memref<12288x1024xf32, #tpu.memory_space<hbm>> -> memref<12288x1024xf32, #tpu.memory_space<hbm>>
    tpu.wait_indirect_dma semaphore(%arg10 : memref<!tpu.dma_semaphore, #tpu.memory_space<semaphore_mem>>) src(%dma_wait3A_43 : memref<12288x1024xf32, #tpu.memory_space<hbm>>) dst(%dma_wait3A_37 : memref<32x1024xf32, #tpu.memory_space<vmem>>)
    %scan3A = arith.constant 0 : i32
    %scan3A_44 = arith.constant 0 : i32
    %scan3A_45 = arith.constant 32 : i32
    %scan3A_46 = arith.addi %scan3A_44, %scan3A_45 : i32
    %scan3A_47 = arith.constant 1 : i32
    scf.for %scan3A_97 = %scan3A_44 to %scan3A_46 step %scan3A_47  : i32 {
      %scan3A_98 = arith.constant 0 : i32
      %scan3A_99 = arith.constant 0 : i32
      %scan3A_100 = arith.constant 64 : i32
      %scan3A_101 = arith.addi %scan3A_99, %scan3A_100 : i32
      %scan3A_102 = arith.constant 8 : i32
      scf.for %scan3A_104 = %scan3A_99 to %scan3A_101 step %scan3A_102  : i32 {
        %mul3A_105 = arith.constant 16 : i32
        %mul3A_106 = arith.muli %scan3A_104, %mul3A_105 : i32
        %get3A = arith.index_cast %scan3A_97 : i32 to index
        %get3A_107 = arith.index_cast %mul3A_106 : i32 to index
        %get3A_108 = tpu.vector_load %arg9[%get3A, %get3A_107] {strides = array<i32>} : memref<32x1024xf32, #tpu.memory_space<vmem>>, vector<16xf32>,
        %get3A_109 = arith.index_cast %scan3A_97 : i32 to index
        %get3A_110 = arith.index_cast %mul3A_106 : i32 to index
        %get3A_111 = tpu.vector_load %arg8[%get3A_109, %get3A_110] {strides = array<i32>} : memref<64x1024xf32, #tpu.memory_space<vmem>>, vector<16xf32>,
        %add3A_112 = arith.addf %get3A_108, %get3A_111 : vector<16xf32>
        %add3A_113 = arith.constant 32 : i32
        %add3A_114 = arith.addi %add3A_113, %scan3A_97 : i32
        %get3A_115 = arith.index_cast %add3A_114 : i32 to index
        %get3A_116 = arith.index_cast %mul3A_106 : i32 to index
        %get3A_117 = tpu.vector_load %arg8[%get3A_115, %get3A_116] {strides = array<i32>} : memref<64x1024xf32, #tpu.memory_space<vmem>>, vector<16xf32>,
        %add3A_118 = arith.addf %add3A_112, %get3A_117 : vector<16xf32>
        %swap3A = arith.index_cast %scan3A_97 : i32 to index
        %swap3A_119 = arith.index_cast %mul3A_106 : i32 to index
        %swap3A_120 = tpu.vector_load %arg9[%swap3A, %swap3A_119] {strides = array<i32>} : memref<32x1024xf32, #tpu.memory_space<vmem>>, vector<16xf32>,
        tpu.vector_store %arg9[%swap3A, %swap3A_119], %add3A_118 {strides = array<i32>} : memref<32x1024xf32, #tpu.memory_space<vmem>>, vector<16xf32>,
        %scan3A_121 = arith.constant 1 : i32
        %scan3A_122 = arith.addi %scan3A_104, %scan3A_121 : i32
        %mul3A_123 = arith.constant 16 : i32
        %mul3A_124 = arith.muli %scan3A_122, %mul3A_123 : i32
        %get3A_125 = arith.index_cast %scan3A_97 : i32 to index
        %get3A_126 = arith.index_cast %mul3A_124 : i32 to index
        %get3A_127 = tpu.vector_load %arg9[%get3A_125, %get3A_126] {strides = array<i32>} : memref<32x1024xf32, #tpu.memory_space<vmem>>, vector<16xf32>,
        %get3A_128 = arith.index_cast %scan3A_97 : i32 to index
        %get3A_129 = arith.index_cast %mul3A_124 : i32 to index
        %get3A_130 = tpu.vector_load %arg8[%get3A_128, %get3A_129] {strides = array<i32>} : memref<64x1024xf32, #tpu.memory_space<vmem>>, vector<16xf32>,
        %add3A_131 = arith.addf %get3A_127, %get3A_130 : vector<16xf32>
        %add3A_132 = arith.constant 32 : i32
        %add3A_133 = arith.addi %add3A_132, %scan3A_97 : i32
        %get3A_134 = arith.index_cast %add3A_133 : i32 to index
        %get3A_135 = arith.index_cast %mul3A_124 : i32 to index
        %get3A_136 = tpu.vector_load %arg8[%get3A_134, %get3A_135] {strides = array<i32>} : memref<64x1024xf32, #tpu.memory_space<vmem>>, vector<16xf32>,
        %add3A_137 = arith.addf %add3A_131, %get3A_136 : vector<16xf32>
        %swap3A_138 = arith.index_cast %scan3A_97 : i32 to index
        %swap3A_139 = arith.index_cast %mul3A_124 : i32 to index
        %swap3A_140 = tpu.vector_load %arg9[%swap3A_138, %swap3A_139] {strides = array<i32>} : memref<32x1024xf32, #tpu.memory_space<vmem>>, vector<16xf32>,
        tpu.vector_store %arg9[%swap3A_138, %swap3A_139], %add3A_137 {strides = array<i32>} : memref<32x1024xf32, #tpu.memory_space<vmem>>, vector<16xf32>,
        %scan3A_141 = arith.constant 2 : i32
        %scan3A_142 = arith.addi %scan3A_104, %scan3A_141 : i32
        %mul3A_143 = arith.constant 16 : i32
        %mul3A_144 = arith.muli %scan3A_142, %mul3A_143 : i32
        %get3A_145 = arith.index_cast %scan3A_97 : i32 to index
        %get3A_146 = arith.index_cast %mul3A_144 : i32 to index
        %get3A_147 = tpu.vector_load %arg9[%get3A_145, %get3A_146] {strides = array<i32>} : memref<32x1024xf32, #tpu.memory_space<vmem>>, vector<16xf32>,
        %get3A_148 = arith.index_cast %scan3A_97 : i32 to index
        %get3A_149 = arith.index_cast %mul3A_144 : i32 to index
        %get3A_150 = tpu.vector_load %arg8[%get3A_148, %get3A_149] {strides = array<i32>} : memref<64x1024xf32, #tpu.memory_space<vmem>>, vector<16xf32>,
        %add3A_151 = arith.addf %get3A_147, %get3A_150 : vector<16xf32>
        %add3A_152 = arith.constant 32 : i32
        %add3A_153 = arith.addi %add3A_152, %scan3A_97 : i32
        %get3A_154 = arith.index_cast %add3A_153 : i32 to index
        %get3A_155 = arith.index_cast %mul3A_144 : i32 to index
        %get3A_156 = tpu.vector_load %arg8[%get3A_154, %get3A_155] {strides = array<i32>} : memref<64x1024xf32, #tpu.memory_space<vmem>>, vector<16xf32>,
        %add3A_157 = arith.addf %add3A_151, %get3A_156 : vector<16xf32>
        %swap3A_158 = arith.index_cast %scan3A_97 : i32 to index
        %swap3A_159 = arith.index_cast %mul3A_144 : i32 to index
        %swap3A_160 = tpu.vector_load %arg9[%swap3A_158, %swap3A_159] {strides = array<i32>} : memref<32x1024xf32, #tpu.memory_space<vmem>>, vector<16xf32>,
        tpu.vector_store %arg9[%swap3A_158, %swap3A_159], %add3A_157 {strides = array<i32>} : memref<32x1024xf32, #tpu.memory_space<vmem>>, vector<16xf32>,
        %scan3A_161 = arith.constant 3 : i32
        %scan3A_162 = arith.addi %scan3A_104, %scan3A_161 : i32
        %mul3A_163 = arith.constant 16 : i32
        %mul3A_164 = arith.muli %scan3A_162, %mul3A_163 : i32
        %get3A_165 = arith.index_cast %scan3A_97 : i32 to index
        %get3A_166 = arith.index_cast %mul3A_164 : i32 to index
        %get3A_167 = tpu.vector_load %arg9[%get3A_165, %get3A_166] {strides = array<i32>} : memref<32x1024xf32, #tpu.memory_space<vmem>>, vector<16xf32>,
        %get3A_168 = arith.index_cast %scan3A_97 : i32 to index
        %get3A_169 = arith.index_cast %mul3A_164 : i32 to index
        %get3A_170 = tpu.vector_load %arg8[%get3A_168, %get3A_169] {strides = array<i32>} : memref<64x1024xf32, #tpu.memory_space<vmem>>, vector<16xf32>,
        %add3A_171 = arith.addf %get3A_167, %get3A_170 : vector<16xf32>
        %add3A_172 = arith.constant 32 : i32
        %add3A_173 = arith.addi %add3A_172, %scan3A_97 : i32
        %get3A_174 = arith.index_cast %add3A_173 : i32 to index
        %get3A_175 = arith.index_cast %mul3A_164 : i32 to index
        %get3A_176 = tpu.vector_load %arg8[%get3A_174, %get3A_175] {strides = array<i32>} : memref<64x1024xf32, #tpu.memory_space<vmem>>, vector<16xf32>,
        %add3A_177 = arith.addf %add3A_171, %get3A_176 : vector<16xf32>
        %swap3A_178 = arith.index_cast %scan3A_97 : i32 to index
        %swap3A_179 = arith.index_cast %mul3A_164 : i32 to index
        %swap3A_180 = tpu.vector_load %arg9[%swap3A_178, %swap3A_179] {strides = array<i32>} : memref<32x1024xf32, #tpu.memory_space<vmem>>, vector<16xf32>,
        tpu.vector_store %arg9[%swap3A_178, %swap3A_179], %add3A_177 {strides = array<i32>} : memref<32x1024xf32, #tpu.memory_space<vmem>>, vector<16xf32>,
        %scan3A_181 = arith.constant 4 : i32
        %scan3A_182 = arith.addi %scan3A_104, %scan3A_181 : i32
        %mul3A_183 = arith.constant 16 : i32
        %mul3A_184 = arith.muli %scan3A_182, %mul3A_183 : i32
        %get3A_185 = arith.index_cast %scan3A_97 : i32 to index
        %get3A_186 = arith.index_cast %mul3A_184 : i32 to index
        %get3A_187 = tpu.vector_load %arg9[%get3A_185, %get3A_186] {strides = array<i32>} : memref<32x1024xf32, #tpu.memory_space<vmem>>, vector<16xf32>,
        %get3A_188 = arith.index_cast %scan3A_97 : i32 to index
        %get3A_189 = arith.index_cast %mul3A_184 : i32 to index
        %get3A_190 = tpu.vector_load %arg8[%get3A_188, %get3A_189] {strides = array<i32>} : memref<64x1024xf32, #tpu.memory_space<vmem>>, vector<16xf32>,
        %add3A_191 = arith.addf %get3A_187, %get3A_190 : vector<16xf32>
        %add3A_192 = arith.constant 32 : i32
        %add3A_193 = arith.addi %add3A_192, %scan3A_97 : i32
        %get3A_194 = arith.index_cast %add3A_193 : i32 to index
        %get3A_195 = arith.index_cast %mul3A_184 : i32 to index
        %get3A_196 = tpu.vector_load %arg8[%get3A_194, %get3A_195] {strides = array<i32>} : memref<64x1024xf32, #tpu.memory_space<vmem>>, vector<16xf32>,
        %add3A_197 = arith.addf %add3A_191, %get3A_196 : vector<16xf32>
        %swap3A_198 = arith.index_cast %scan3A_97 : i32 to index
        %swap3A_199 = arith.index_cast %mul3A_184 : i32 to index
        %swap3A_200 = tpu.vector_load %arg9[%swap3A_198, %swap3A_199] {strides = array<i32>} : memref<32x1024xf32, #tpu.memory_space<vmem>>, vector<16xf32>,
        tpu.vector_store %arg9[%swap3A_198, %swap3A_199], %add3A_197 {strides = array<i32>} : memref<32x1024xf32, #tpu.memory_space<vmem>>, vector<16xf32>,
        %scan3A_201 = arith.constant 5 : i32
        %scan3A_202 = arith.addi %scan3A_104, %scan3A_201 : i32
        %mul3A_203 = arith.constant 16 : i32
        %mul3A_204 = arith.muli %scan3A_202, %mul3A_203 : i32
        %get3A_205 = arith.index_cast %scan3A_97 : i32 to index
        %get3A_206 = arith.index_cast %mul3A_204 : i32 to index
        %get3A_207 = tpu.vector_load %arg9[%get3A_205, %get3A_206] {strides = array<i32>} : memref<32x1024xf32, #tpu.memory_space<vmem>>, vector<16xf32>,
        %get3A_208 = arith.index_cast %scan3A_97 : i32 to index
        %get3A_209 = arith.index_cast %mul3A_204 : i32 to index
        %get3A_210 = tpu.vector_load %arg8[%get3A_208, %get3A_209] {strides = array<i32>} : memref<64x1024xf32, #tpu.memory_space<vmem>>, vector<16xf32>,
        %add3A_211 = arith.addf %get3A_207, %get3A_210 : vector<16xf32>
        %add3A_212 = arith.constant 32 : i32
        %add3A_213 = arith.addi %add3A_212, %scan3A_97 : i32
        %get3A_214 = arith.index_cast %add3A_213 : i32 to index
        %get3A_215 = arith.index_cast %mul3A_204 : i32 to index
        %get3A_216 = tpu.vector_load %arg8[%get3A_214, %get3A_215] {strides = array<i32>} : memref<64x1024xf32, #tpu.memory_space<vmem>>, vector<16xf32>,
        %add3A_217 = arith.addf %add3A_211, %get3A_216 : vector<16xf32>
        %swap3A_218 = arith.index_cast %scan3A_97 : i32 to index
        %swap3A_219 = arith.index_cast %mul3A_204 : i32 to index
        %swap3A_220 = tpu.vector_load %arg9[%swap3A_218, %swap3A_219] {strides = array<i32>} : memref<32x1024xf32, #tpu.memory_space<vmem>>, vector<16xf32>,
        tpu.vector_store %arg9[%swap3A_218, %swap3A_219], %add3A_217 {strides = array<i32>} : memref<32x1024xf32, #tpu.memory_space<vmem>>, vector<16xf32>,
        %scan3A_221 = arith.constant 6 : i32
        %scan3A_222 = arith.addi %scan3A_104, %scan3A_221 : i32
        %mul3A_223 = arith.constant 16 : i32
        %mul3A_224 = arith.muli %scan3A_222, %mul3A_223 : i32
        %get3A_225 = arith.index_cast %scan3A_97 : i32 to index
        %get3A_226 = arith.index_cast %mul3A_224 : i32 to index
        %get3A_227 = tpu.vector_load %arg9[%get3A_225, %get3A_226] {strides = array<i32>} : memref<32x1024xf32, #tpu.memory_space<vmem>>, vector<16xf32>,
        %get3A_228 = arith.index_cast %scan3A_97 : i32 to index
        %get3A_229 = arith.index_cast %mul3A_224 : i32 to index
        %get3A_230 = tpu.vector_load %arg8[%get3A_228, %get3A_229] {strides = array<i32>} : memref<64x1024xf32, #tpu.memory_space<vmem>>, vector<16xf32>,
        %add3A_231 = arith.addf %get3A_227, %get3A_230 : vector<16xf32>
        %add3A_232 = arith.constant 32 : i32
        %add3A_233 = arith.addi %add3A_232, %scan3A_97 : i32
        %get3A_234 = arith.index_cast %add3A_233 : i32 to index
        %get3A_235 = arith.index_cast %mul3A_224 : i32 to index
        %get3A_236 = tpu.vector_load %arg8[%get3A_234, %get3A_235] {strides = array<i32>} : memref<64x1024xf32, #tpu.memory_space<vmem>>, vector<16xf32>,
        %add3A_237 = arith.addf %add3A_231, %get3A_236 : vector<16xf32>
        %swap3A_238 = arith.index_cast %scan3A_97 : i32 to index
        %swap3A_239 = arith.index_cast %mul3A_224 : i32 to index
        %swap3A_240 = tpu.vector_load %arg9[%swap3A_238, %swap3A_239] {strides = array<i32>} : memref<32x1024xf32, #tpu.memory_space<vmem>>, vector<16xf32>,
        tpu.vector_store %arg9[%swap3A_238, %swap3A_239], %add3A_237 {strides = array<i32>} : memref<32x1024xf32, #tpu.memory_space<vmem>>, vector<16xf32>,
        %scan3A_241 = arith.constant 7 : i32
        %scan3A_242 = arith.addi %scan3A_104, %scan3A_241 : i32
        %mul3A_243 = arith.constant 16 : i32
        %mul3A_244 = arith.muli %scan3A_242, %mul3A_243 : i32
        %get3A_245 = arith.index_cast %scan3A_97 : i32 to index
        %get3A_246 = arith.index_cast %mul3A_244 : i32 to index
        %get3A_247 = tpu.vector_load %arg9[%get3A_245, %get3A_246] {strides = array<i32>} : memref<32x1024xf32, #tpu.memory_space<vmem>>, vector<16xf32>,
        %get3A_248 = arith.index_cast %scan3A_97 : i32 to index
        %get3A_249 = arith.index_cast %mul3A_244 : i32 to index
        %get3A_250 = tpu.vector_load %arg8[%get3A_248, %get3A_249] {strides = array<i32>} : memref<64x1024xf32, #tpu.memory_space<vmem>>, vector<16xf32>,
        %add3A_251 = arith.addf %get3A_247, %get3A_250 : vector<16xf32>
        %add3A_252 = arith.constant 32 : i32
        %add3A_253 = arith.addi %add3A_252, %scan3A_97 : i32
        %get3A_254 = arith.index_cast %add3A_253 : i32 to index
        %get3A_255 = arith.index_cast %mul3A_244 : i32 to index
        %get3A_256 = tpu.vector_load %arg8[%get3A_254, %get3A_255] {strides = array<i32>} : memref<64x1024xf32, #tpu.memory_space<vmem>>, vector<16xf32>,
        %add3A_257 = arith.addf %add3A_251, %get3A_256 : vector<16xf32>
        %swap3A_258 = arith.index_cast %scan3A_97 : i32 to index
        %swap3A_259 = arith.index_cast %mul3A_244 : i32 to index
        %swap3A_260 = tpu.vector_load %arg9[%swap3A_258, %swap3A_259] {strides = array<i32>} : memref<32x1024xf32, #tpu.memory_space<vmem>>, vector<16xf32>,
        tpu.vector_store %arg9[%swap3A_258, %swap3A_259], %add3A_257 {strides = array<i32>} : memref<32x1024xf32, #tpu.memory_space<vmem>>, vector<16xf32>,
      }
      %scan3A_103 = arith.constant 64 : i32
    }
    %scan3A_48 = arith.constant 32 : i32
    "tpu.region"() ({
      %run_scoped3A_97 = tpu.sem_alloc : memref<!tpu.dma_semaphore, #tpu.memory_space<semaphore_mem>>
      %dma_start3A_98 = arith.constant 0 : i32
      %dma_start3A_99 = tpu.memref_slice %arg6[%add3A_5, %dma_start3A_98] : memref<2048x1024xf32, #tpu.memory_space<hbm>> -> memref<32x1024xf32, #tpu.memory_space<hbm>>
      %dma_start3A_100 = arith.constant 0 : i32
      %dma_start3A_101 = tpu.memref_slice %arg6[%add3A_5, %dma_start3A_100] : memref<2048x1024xf32, #tpu.memory_space<hbm>> -> memref<32x1024xf32, #tpu.memory_space<hbm>>
      tpu.enqueue_dma source(%arg9 : memref<32x1024xf32, #tpu.memory_space<vmem>>) target(%dma_start3A_101 : memref<32x1024xf32, #tpu.memory_space<hbm>>) target_semaphore(%run_scoped3A_97 : memref<!tpu.dma_semaphore, #tpu.memory_space<semaphore_mem>>)
      %dma_wait3A_102 = arith.constant 0 : i32
      %dma_wait3A_103 = tpu.memref_slice %arg6[%add3A_5, %dma_wait3A_102] : memref<2048x1024xf32, #tpu.memory_space<hbm>> -> memref<32x1024xf32, #tpu.memory_space<hbm>>
      %dma_wait3A_104 = arith.constant 0 : i32
      %dma_wait3A_105 = tpu.memref_slice %arg6[%add3A_5, %dma_wait3A_104] : memref<2048x1024xf32, #tpu.memory_space<hbm>> -> memref<32x1024xf32, #tpu.memory_space<hbm>>
      tpu.wait_dma2 semaphore(%run_scoped3A_97 : memref<!tpu.dma_semaphore, #tpu.memory_space<semaphore_mem>>) src(%arg9 : memref<32x1024xf32, #tpu.memory_space<vmem>>) dst(%dma_wait3A_105 : memref<32x1024xf32, #tpu.memory_space<hbm>>)
      tpu.yield
    }) : () -> ()
    %add3A_49 = arith.constant 32 : i32
    %add3A_50 = arith.addi %mul3A_2, %add3A_49 : i32
    %dma_start3A_51 = arith.constant 0 : i32
    %dma_start3A_52 = arith.constant 0 : i32
    %dma_start3A_53 = arith.constant 0 : i32
    %dma_start3A_54 = tpu.memref_slice %arg8[%dma_start3A_52, %dma_start3A_53] : memref<64x1024xf32, #tpu.memory_space<vmem>> -> memref<32x1024xf32, #tpu.memory_space<vmem>>
    %dma_start3A_55 = arith.constant 32 : i32
    %dma_start3A_56 = tpu.memref_slice %arg7[%dma_start3A_51, %dma_start3A_55] : memref<2x64xi32, #tpu.memory_space<vmem>> -> memref<1x32xi32, #tpu.memory_space<vmem>>
    %dma_start3A_57 = tpu.memref_squeeze %dma_start3A_56 : memref<1x32xi32, #tpu.memory_space<vmem>> -> memref<32xi32, #tpu.memory_space<vmem>>
    %dma_start3A_58 = arith.constant 0 : i32
    %dma_start3A_59 = arith.constant 0 : i32
    %dma_start3A_60 = tpu.memref_slice %arg4[%dma_start3A_58, %dma_start3A_59] : memref<12288x1024xf32, #tpu.memory_space<hbm>> -> memref<12288x1024xf32, #tpu.memory_space<hbm>>
    tpu.enqueue_indirect_dma source(%dma_start3A_60 : memref<12288x1024xf32, #tpu.memory_space<hbm>>) target(%dma_start3A_54 : memref<32x1024xf32, #tpu.memory_space<vmem>>) offsets(%dma_start3A_57 : memref<32xi32, #tpu.memory_space<vmem>>) semaphore(%arg10 : memref<!tpu.dma_semaphore, #tpu.memory_space<semaphore_mem>>)
    %dma_start3A_61 = arith.constant 1 : i32
    %dma_start3A_62 = arith.constant 32 : i32
    %dma_start3A_63 = arith.constant 0 : i32
    %dma_start3A_64 = tpu.memref_slice %arg8[%dma_start3A_62, %dma_start3A_63] : memref<64x1024xf32, #tpu.memory_space<vmem>> -> memref<32x1024xf32, #tpu.memory_space<vmem>>
    %dma_start3A_65 = arith.constant 32 : i32
    %dma_start3A_66 = tpu.memref_slice %arg7[%dma_start3A_61, %dma_start3A_65] : memref<2x64xi32, #tpu.memory_space<vmem>> -> memref<1x32xi32, #tpu.memory_space<vmem>>
    %dma_start3A_67 = tpu.memref_squeeze %dma_start3A_66 : memref<1x32xi32, #tpu.memory_space<vmem>> -> memref<32xi32, #tpu.memory_space<vmem>>
    %dma_start3A_68 = arith.constant 0 : i32
    %dma_start3A_69 = arith.constant 0 : i32
    %dma_start3A_70 = tpu.memref_slice %arg4[%dma_start3A_68, %dma_start3A_69] : memref<12288x1024xf32, #tpu.memory_space<hbm>> -> memref<12288x1024xf32, #tpu.memory_space<hbm>>
    tpu.enqueue_indirect_dma source(%dma_start3A_70 : memref<12288x1024xf32, #tpu.memory_space<hbm>>) target(%dma_start3A_64 : memref<32x1024xf32, #tpu.memory_space<vmem>>) offsets(%dma_start3A_67 : memref<32xi32, #tpu.memory_space<vmem>>) semaphore(%arg10 : memref<!tpu.dma_semaphore, #tpu.memory_space<semaphore_mem>>)
    "tpu.region"() ({
      %run_scoped3A_97 = tpu.sem_alloc : memref<!tpu.dma_semaphore, #tpu.memory_space<semaphore_mem>>
      %dma_start3A_98 = arith.constant 0 : i32
      %dma_start3A_99 = tpu.memref_slice %arg5[%add3A_50, %dma_start3A_98] : memref<2048x1024xf32, #tpu.memory_space<hbm>> -> memref<32x1024xf32, #tpu.memory_space<hbm>>
      %dma_start3A_100 = arith.constant 0 : i32
      %dma_start3A_101 = tpu.memref_slice %arg5[%add3A_50, %dma_start3A_100] : memref<2048x1024xf32, #tpu.memory_space<hbm>> -> memref<32x1024xf32, #tpu.memory_space<hbm>>
      tpu.enqueue_dma source(%dma_start3A_101 : memref<32x1024xf32, #tpu.memory_space<hbm>>) target(%arg9 : memref<32x1024xf32, #tpu.memory_space<vmem>>) target_semaphore(%run_scoped3A_97 : memref<!tpu.dma_semaphore, #tpu.memory_space<semaphore_mem>>)
      %dma_wait3A_102 = arith.constant 0 : i32
      %dma_wait3A_103 = tpu.memref_slice %arg5[%add3A_50, %dma_wait3A_102] : memref<2048x1024xf32, #tpu.memory_space<hbm>> -> memref<32x1024xf32, #tpu.memory_space<hbm>>
      %dma_wait3A_104 = arith.constant 0 : i32
      %dma_wait3A_105 = tpu.memref_slice %arg5[%add3A_50, %dma_wait3A_104] : memref<2048x1024xf32, #tpu.memory_space<hbm>> -> memref<32x1024xf32, #tpu.memory_space<hbm>>
      tpu.wait_dma2 semaphore(%run_scoped3A_97 : memref<!tpu.dma_semaphore, #tpu.memory_space<semaphore_mem>>) src(%dma_wait3A_105 : memref<32x1024xf32, #tpu.memory_space<hbm>>) dst(%arg9 : memref<32x1024xf32, #tpu.memory_space<vmem>>)
      tpu.yield
    }) : () -> ()
    %dma_wait3A_71 = arith.constant 0 : i32
    %dma_wait3A_72 = arith.constant 0 : i32
    %dma_wait3A_73 = arith.constant 0 : i32
    %dma_wait3A_74 = tpu.memref_slice %arg8[%dma_wait3A_72, %dma_wait3A_73] : memref<64x1024xf32, #tpu.memory_space<vmem>> -> memref<32x1024xf32, #tpu.memory_space<vmem>>
    %dma_wait3A_75 = arith.constant 32 : i32
    %dma_wait3A_76 = tpu.memref_slice %arg7[%dma_wait3A_71, %dma_wait3A_75] : memref<2x64xi32, #tpu.memory_space<vmem>> -> memref<1x32xi32, #tpu.memory_space<vmem>>
    %dma_wait3A_77 = tpu.memref_squeeze %dma_wait3A_76 : memref<1x32xi32, #tpu.memory_space<vmem>> -> memref<32xi32, #tpu.memory_space<vmem>>
    %dma_wait3A_78 = arith.constant 0 : i32
    %dma_wait3A_79 = arith.constant 0 : i32
    %dma_wait3A_80 = tpu.memref_slice %arg4[%dma_wait3A_78, %dma_wait3A_79] : memref<12288x1024xf32, #tpu.memory_space<hbm>> -> memref<12288x1024xf32, #tpu.memory_space<hbm>>
    tpu.wait_indirect_dma semaphore(%arg10 : memref<!tpu.dma_semaphore, #tpu.memory_space<semaphore_mem>>) src(%dma_wait3A_80 : memref<12288x1024xf32, #tpu.memory_space<hbm>>) dst(%dma_wait3A_74 : memref<32x1024xf32, #tpu.memory_space<vmem>>)
    %dma_wait3A_81 = arith.constant 1 : i32
    %dma_wait3A_82 = arith.constant 32 : i32
    %dma_wait3A_83 = arith.constant 0 : i32
    %dma_wait3A_84 = tpu.memref_slice %arg8[%dma_wait3A_82, %dma_wait3A_83] : memref<64x1024xf32, #tpu.memory_space<vmem>> -> memref<32x1024xf32, #tpu.memory_space<vmem>>
    %dma_wait3A_85 = arith.constant 32 : i32
    %dma_wait3A_86 = tpu.memref_slice %arg7[%dma_wait3A_81, %dma_wait3A_85] : memref<2x64xi32, #tpu.memory_space<vmem>> -> memref<1x32xi32, #tpu.memory_space<vmem>>
    %dma_wait3A_87 = tpu.memref_squeeze %dma_wait3A_86 : memref<1x32xi32, #tpu.memory_space<vmem>> -> memref<32xi32, #tpu.memory_space<vmem>>
    %dma_wait3A_88 = arith.constant 0 : i32
    %dma_wait3A_89 = arith.constant 0 : i32
    %dma_wait3A_90 = tpu.memref_slice %arg4[%dma_wait3A_88, %dma_wait3A_89] : memref<12288x1024xf32, #tpu.memory_space<hbm>> -> memref<12288x1024xf32, #tpu.memory_space<hbm>>
    tpu.wait_indirect_dma semaphore(%arg10 : memref<!tpu.dma_semaphore, #tpu.memory_space<semaphore_mem>>) src(%dma_wait3A_90 : memref<12288x1024xf32, #tpu.memory_space<hbm>>) dst(%dma_wait3A_84 : memref<32x1024xf32, #tpu.memory_space<vmem>>)
    %scan3A_91 = arith.constant 0 : i32
    %scan3A_92 = arith.constant 0 : i32
    %scan3A_93 = arith.constant 32 : i32
    %scan3A_94 = arith.addi %scan3A_92, %scan3A_93 : i32
    %scan3A_95 = arith.constant 1 : i32
    scf.for %scan3A_97 = %scan3A_92 to %scan3A_94 step %scan3A_95  : i32 {
      %scan3A_98 = arith.constant 0 : i32
      %scan3A_99 = arith.constant 0 : i32
      %scan3A_100 = arith.constant 64 : i32
      %scan3A_101 = arith.addi %scan3A_99, %scan3A_100 : i32
      %scan3A_102 = arith.constant 8 : i32
      scf.for %scan3A_104 = %scan3A_99 to %scan3A_101 step %scan3A_102  : i32 {
        %mul3A_105 = arith.constant 16 : i32
        %mul3A_106 = arith.muli %scan3A_104, %mul3A_105 : i32
        %get3A = arith.index_cast %scan3A_97 : i32 to index
        %get3A_107 = arith.index_cast %mul3A_106 : i32 to index
        %get3A_108 = tpu.vector_load %arg9[%get3A, %get3A_107] {strides = array<i32>} : memref<32x1024xf32, #tpu.memory_space<vmem>>, vector<16xf32>,
        %get3A_109 = arith.index_cast %scan3A_97 : i32 to index
        %get3A_110 = arith.index_cast %mul3A_106 : i32 to index
        %get3A_111 = tpu.vector_load %arg8[%get3A_109, %get3A_110] {strides = array<i32>} : memref<64x1024xf32, #tpu.memory_space<vmem>>, vector<16xf32>,
        %add3A_112 = arith.addf %get3A_108, %get3A_111 : vector<16xf32>
        %add3A_113 = arith.constant 32 : i32
        %add3A_114 = arith.addi %add3A_113, %scan3A_97 : i32
        %get3A_115 = arith.index_cast %add3A_114 : i32 to index
        %get3A_116 = arith.index_cast %mul3A_106 : i32 to index
        %get3A_117 = tpu.vector_load %arg8[%get3A_115, %get3A_116] {strides = array<i32>} : memref<64x1024xf32, #tpu.memory_space<vmem>>, vector<16xf32>,
        %add3A_118 = arith.addf %add3A_112, %get3A_117 : vector<16xf32>
        %swap3A = arith.index_cast %scan3A_97 : i32 to index
        %swap3A_119 = arith.index_cast %mul3A_106 : i32 to index
        %swap3A_120 = tpu.vector_load %arg9[%swap3A, %swap3A_119] {strides = array<i32>} : memref<32x1024xf32, #tpu.memory_space<vmem>>, vector<16xf32>,
        tpu.vector_store %arg9[%swap3A, %swap3A_119], %add3A_118 {strides = array<i32>} : memref<32x1024xf32, #tpu.memory_space<vmem>>, vector<16xf32>,
        %scan3A_121 = arith.constant 1 : i32
        %scan3A_122 = arith.addi %scan3A_104, %scan3A_121 : i32
        %mul3A_123 = arith.constant 16 : i32
        %mul3A_124 = arith.muli %scan3A_122, %mul3A_123 : i32
        %get3A_125 = arith.index_cast %scan3A_97 : i32 to index
        %get3A_126 = arith.index_cast %mul3A_124 : i32 to index
        %get3A_127 = tpu.vector_load %arg9[%get3A_125, %get3A_126] {strides = array<i32>} : memref<32x1024xf32, #tpu.memory_space<vmem>>, vector<16xf32>,
        %get3A_128 = arith.index_cast %scan3A_97 : i32 to index
        %get3A_129 = arith.index_cast %mul3A_124 : i32 to index
        %get3A_130 = tpu.vector_load %arg8[%get3A_128, %get3A_129] {strides = array<i32>} : memref<64x1024xf32, #tpu.memory_space<vmem>>, vector<16xf32>,
        %add3A_131 = arith.addf %get3A_127, %get3A_130 : vector<16xf32>
        %add3A_132 = arith.constant 32 : i32
        %add3A_133 = arith.addi %add3A_132, %scan3A_97 : i32
        %get3A_134 = arith.index_cast %add3A_133 : i32 to index
        %get3A_135 = arith.index_cast %mul3A_124 : i32 to index
        %get3A_136 = tpu.vector_load %arg8[%get3A_134, %get3A_135] {strides = array<i32>} : memref<64x1024xf32, #tpu.memory_space<vmem>>, vector<16xf32>,
        %add3A_137 = arith.addf %add3A_131, %get3A_136 : vector<16xf32>
        %swap3A_138 = arith.index_cast %scan3A_97 : i32 to index
        %swap3A_139 = arith.index_cast %mul3A_124 : i32 to index
        %swap3A_140 = tpu.vector_load %arg9[%swap3A_138, %swap3A_139] {strides = array<i32>} : memref<32x1024xf32, #tpu.memory_space<vmem>>, vector<16xf32>,
        tpu.vector_store %arg9[%swap3A_138, %swap3A_139], %add3A_137 {strides = array<i32>} : memref<32x1024xf32, #tpu.memory_space<vmem>>, vector<16xf32>,
        %scan3A_141 = arith.constant 2 : i32
        %scan3A_142 = arith.addi %scan3A_104, %scan3A_141 : i32
        %mul3A_143 = arith.constant 16 : i32
        %mul3A_144 = arith.muli %scan3A_142, %mul3A_143 : i32
        %get3A_145 = arith.index_cast %scan3A_97 : i32 to index
        %get3A_146 = arith.index_cast %mul3A_144 : i32 to index
        %get3A_147 = tpu.vector_load %arg9[%get3A_145, %get3A_146] {strides = array<i32>} : memref<32x1024xf32, #tpu.memory_space<vmem>>, vector<16xf32>,
        %get3A_148 = arith.index_cast %scan3A_97 : i32 to index
        %get3A_149 = arith.index_cast %mul3A_144 : i32 to index
        %get3A_150 = tpu.vector_load %arg8[%get3A_148, %get3A_149] {strides = array<i32>} : memref<64x1024xf32, #tpu.memory_space<vmem>>, vector<16xf32>,
        %add3A_151 = arith.addf %get3A_147, %get3A_150 : vector<16xf32>
        %add3A_152 = arith.constant 32 : i32
        %add3A_153 = arith.addi %add3A_152, %scan3A_97 : i32
        %get3A_154 = arith.index_cast %add3A_153 : i32 to index
        %get3A_155 = arith.index_cast %mul3A_144 : i32 to index
        %get3A_156 = tpu.vector_load %arg8[%get3A_154, %get3A_155] {strides = array<i32>} : memref<64x1024xf32, #tpu.memory_space<vmem>>, vector<16xf32>,
        %add3A_157 = arith.addf %add3A_151, %get3A_156 : vector<16xf32>
        %swap3A_158 = arith.index_cast %scan3A_97 : i32 to index
        %swap3A_159 = arith.index_cast %mul3A_144 : i32 to index
        %swap3A_160 = tpu.vector_load %arg9[%swap3A_158, %swap3A_159] {strides = array<i32>} : memref<32x1024xf32, #tpu.memory_space<vmem>>, vector<16xf32>,
        tpu.vector_store %arg9[%swap3A_158, %swap3A_159], %add3A_157 {strides = array<i32>} : memref<32x1024xf32, #tpu.memory_space<vmem>>, vector<16xf32>,
        %scan3A_161 = arith.constant 3 : i32
        %scan3A_162 = arith.addi %scan3A_104, %scan3A_161 : i32
        %mul3A_163 = arith.constant 16 : i32
        %mul3A_164 = arith.muli %scan3A_162, %mul3A_163 : i32
        %get3A_165 = arith.index_cast %scan3A_97 : i32 to index
        %get3A_166 = arith.index_cast %mul3A_164 : i32 to index
        %get3A_167 = tpu.vector_load %arg9[%get3A_165, %get3A_166] {strides = array<i32>} : memref<32x1024xf32, #tpu.memory_space<vmem>>, vector<16xf32>,
        %get3A_168 = arith.index_cast %scan3A_97 : i32 to index
        %get3A_169 = arith.index_cast %mul3A_164 : i32 to index
        %get3A_170 = tpu.vector_load %arg8[%get3A_168, %get3A_169] {strides = array<i32>} : memref<64x1024xf32, #tpu.memory_space<vmem>>, vector<16xf32>,
        %add3A_171 = arith.addf %get3A_167, %get3A_170 : vector<16xf32>
        %add3A_172 = arith.constant 32 : i32
        %add3A_173 = arith.addi %add3A_172, %scan3A_97 : i32
        %get3A_174 = arith.index_cast %add3A_173 : i32 to index
        %get3A_175 = arith.index_cast %mul3A_164 : i32 to index
        %get3A_176 = tpu.vector_load %arg8[%get3A_174, %get3A_175] {strides = array<i32>} : memref<64x1024xf32, #tpu.memory_space<vmem>>, vector<16xf32>,
        %add3A_177 = arith.addf %add3A_171, %get3A_176 : vector<16xf32>
        %swap3A_178 = arith.index_cast %scan3A_97 : i32 to index
        %swap3A_179 = arith.index_cast %mul3A_164 : i32 to index
        %swap3A_180 = tpu.vector_load %arg9[%swap3A_178, %swap3A_179] {strides = array<i32>} : memref<32x1024xf32, #tpu.memory_space<vmem>>, vector<16xf32>,
        tpu.vector_store %arg9[%swap3A_178, %swap3A_179], %add3A_177 {strides = array<i32>} : memref<32x1024xf32, #tpu.memory_space<vmem>>, vector<16xf32>,
        %scan3A_181 = arith.constant 4 : i32
        %scan3A_182 = arith.addi %scan3A_104, %scan3A_181 : i32
        %mul3A_183 = arith.constant 16 : i32
        %mul3A_184 = arith.muli %scan3A_182, %mul3A_183 : i32
        %get3A_185 = arith.index_cast %scan3A_97 : i32 to index
        %get3A_186 = arith.index_cast %mul3A_184 : i32 to index
        %get3A_187 = tpu.vector_load %arg9[%get3A_185, %get3A_186] {strides = array<i32>} : memref<32x1024xf32, #tpu.memory_space<vmem>>, vector<16xf32>,
        %get3A_188 = arith.index_cast %scan3A_97 : i32 to index
        %get3A_189 = arith.index_cast %mul3A_184 : i32 to index
        %get3A_190 = tpu.vector_load %arg8[%get3A_188, %get3A_189] {strides = array<i32>} : memref<64x1024xf32, #tpu.memory_space<vmem>>, vector<16xf32>,
        %add3A_191 = arith.addf %get3A_187, %get3A_190 : vector<16xf32>
        %add3A_192 = arith.constant 32 : i32
        %add3A_193 = arith.addi %add3A_192, %scan3A_97 : i32
        %get3A_194 = arith.index_cast %add3A_193 : i32 to index
        %get3A_195 = arith.index_cast %mul3A_184 : i32 to index
        %get3A_196 = tpu.vector_load %arg8[%get3A_194, %get3A_195] {strides = array<i32>} : memref<64x1024xf32, #tpu.memory_space<vmem>>, vector<16xf32>,
        %add3A_197 = arith.addf %add3A_191, %get3A_196 : vector<16xf32>
        %swap3A_198 = arith.index_cast %scan3A_97 : i32 to index
        %swap3A_199 = arith.index_cast %mul3A_184 : i32 to index
        %swap3A_200 = tpu.vector_load %arg9[%swap3A_198, %swap3A_199] {strides = array<i32>} : memref<32x1024xf32, #tpu.memory_space<vmem>>, vector<16xf32>,
        tpu.vector_store %arg9[%swap3A_198, %swap3A_199], %add3A_197 {strides = array<i32>} : memref<32x1024xf32, #tpu.memory_space<vmem>>, vector<16xf32>,
        %scan3A_201 = arith.constant 5 : i32
        %scan3A_202 = arith.addi %scan3A_104, %scan3A_201 : i32
        %mul3A_203 = arith.constant 16 : i32
        %mul3A_204 = arith.muli %scan3A_202, %mul3A_203 : i32
        %get3A_205 = arith.index_cast %scan3A_97 : i32 to index
        %get3A_206 = arith.index_cast %mul3A_204 : i32 to index
        %get3A_207 = tpu.vector_load %arg9[%get3A_205, %get3A_206] {strides = array<i32>} : memref<32x1024xf32, #tpu.memory_space<vmem>>, vector<16xf32>,
        %get3A_208 = arith.index_cast %scan3A_97 : i32 to index
        %get3A_209 = arith.index_cast %mul3A_204 : i32 to index
        %get3A_210 = tpu.vector_load %arg8[%get3A_208, %get3A_209] {strides = array<i32>} : memref<64x1024xf32, #tpu.memory_space<vmem>>, vector<16xf32>,
        %add3A_211 = arith.addf %get3A_207, %get3A_210 : vector<16xf32>
        %add3A_212 = arith.constant 32 : i32
        %add3A_213 = arith.addi %add3A_212, %scan3A_97 : i32
        %get3A_214 = arith.index_cast %add3A_213 : i32 to index
        %get3A_215 = arith.index_cast %mul3A_204 : i32 to index
        %get3A_216 = tpu.vector_load %arg8[%get3A_214, %get3A_215] {strides = array<i32>} : memref<64x1024xf32, #tpu.memory_space<vmem>>, vector<16xf32>,
        %add3A_217 = arith.addf %add3A_211, %get3A_216 : vector<16xf32>
        %swap3A_218 = arith.index_cast %scan3A_97 : i32 to index
        %swap3A_219 = arith.index_cast %mul3A_204 : i32 to index
        %swap3A_220 = tpu.vector_load %arg9[%swap3A_218, %swap3A_219] {strides = array<i32>} : memref<32x1024xf32, #tpu.memory_space<vmem>>, vector<16xf32>,
        tpu.vector_store %arg9[%swap3A_218, %swap3A_219], %add3A_217 {strides = array<i32>} : memref<32x1024xf32, #tpu.memory_space<vmem>>, vector<16xf32>,
        %scan3A_221 = arith.constant 6 : i32
        %scan3A_222 = arith.addi %scan3A_104, %scan3A_221 : i32
        %mul3A_223 = arith.constant 16 : i32
        %mul3A_224 = arith.muli %scan3A_222, %mul3A_223 : i32
        %get3A_225 = arith.index_cast %scan3A_97 : i32 to index
        %get3A_226 = arith.index_cast %mul3A_224 : i32 to index
        %get3A_227 = tpu.vector_load %arg9[%get3A_225, %get3A_226] {strides = array<i32>} : memref<32x1024xf32, #tpu.memory_space<vmem>>, vector<16xf32>,
        %get3A_228 = arith.index_cast %scan3A_97 : i32 to index
        %get3A_229 = arith.index_cast %mul3A_224 : i32 to index
        %get3A_230 = tpu.vector_load %arg8[%get3A_228, %get3A_229] {strides = array<i32>} : memref<64x1024xf32, #tpu.memory_space<vmem>>, vector<16xf32>,
        %add3A_231 = arith.addf %get3A_227, %get3A_230 : vector<16xf32>
        %add3A_232 = arith.constant 32 : i32
        %add3A_233 = arith.addi %add3A_232, %scan3A_97 : i32
        %get3A_234 = arith.index_cast %add3A_233 : i32 to index
        %get3A_235 = arith.index_cast %mul3A_224 : i32 to index
        %get3A_236 = tpu.vector_load %arg8[%get3A_234, %get3A_235] {strides = array<i32>} : memref<64x1024xf32, #tpu.memory_space<vmem>>, vector<16xf32>,
        %add3A_237 = arith.addf %add3A_231, %get3A_236 : vector<16xf32>
        %swap3A_238 = arith.index_cast %scan3A_97 : i32 to index
        %swap3A_239 = arith.index_cast %mul3A_224 : i32 to index
        %swap3A_240 = tpu.vector_load %arg9[%swap3A_238, %swap3A_239] {strides = array<i32>} : memref<32x1024xf32, #tpu.memory_space<vmem>>, vector<16xf32>,
        tpu.vector_store %arg9[%swap3A_238, %swap3A_239], %add3A_237 {strides = array<i32>} : memref<32x1024xf32, #tpu.memory_space<vmem>>, vector<16xf32>,
        %scan3A_241 = arith.constant 7 : i32
        %scan3A_242 = arith.addi %scan3A_104, %scan3A_241 : i32
        %mul3A_243 = arith.constant 16 : i32
        %mul3A_244 = arith.muli %scan3A_242, %mul3A_243 : i32
        %get3A_245 = arith.index_cast %scan3A_97 : i32 to index
        %get3A_246 = arith.index_cast %mul3A_244 : i32 to index
        %get3A_247 = tpu.vector_load %arg9[%get3A_245, %get3A_246] {strides = array<i32>} : memref<32x1024xf32, #tpu.memory_space<vmem>>, vector<16xf32>,
        %get3A_248 = arith.index_cast %scan3A_97 : i32 to index
        %get3A_249 = arith.index_cast %mul3A_244 : i32 to index
        %get3A_250 = tpu.vector_load %arg8[%get3A_248, %get3A_249] {strides = array<i32>} : memref<64x1024xf32, #tpu.memory_space<vmem>>, vector<16xf32>,
        %add3A_251 = arith.addf %get3A_247, %get3A_250 : vector<16xf32>
        %add3A_252 = arith.constant 32 : i32
        %add3A_253 = arith.addi %add3A_252, %scan3A_97 : i32
        %get3A_254 = arith.index_cast %add3A_253 : i32 to index
        %get3A_255 = arith.index_cast %mul3A_244 : i32 to index
        %get3A_256 = tpu.vector_load %arg8[%get3A_254, %get3A_255] {strides = array<i32>} : memref<64x1024xf32, #tpu.memory_space<vmem>>, vector<16xf32>,
        %add3A_257 = arith.addf %add3A_251, %get3A_256 : vector<16xf32>
        %swap3A_258 = arith.index_cast %scan3A_97 : i32 to index
        %swap3A_259 = arith.index_cast %mul3A_244 : i32 to index
        %swap3A_260 = tpu.vector_load %arg9[%swap3A_258, %swap3A_259] {strides = array<i32>} : memref<32x1024xf32, #tpu.memory_space<vmem>>, vector<16xf32>,
        tpu.vector_store %arg9[%swap3A_258, %swap3A_259], %add3A_257 {strides = array<i32>} : memref<32x1024xf32, #tpu.memory_space<vmem>>, vector<16xf32>,
      }
      %scan3A_103 = arith.constant 64 : i32
    }
    %scan3A_96 = arith.constant 32 : i32
    "tpu.region"() ({
      %run_scoped3A_97 = tpu.sem_alloc : memref<!tpu.dma_semaphore, #tpu.memory_space<semaphore_mem>>
      %dma_start3A_98 = arith.constant 0 : i32
      %dma_start3A_99 = tpu.memref_slice %arg6[%add3A_50, %dma_start3A_98] : memref<2048x1024xf32, #tpu.memory_space<hbm>> -> memref<32x1024xf32, #tpu.memory_space<hbm>>
      %dma_start3A_100 = arith.constant 0 : i32
      %dma_start3A_101 = tpu.memref_slice %arg6[%add3A_50, %dma_start3A_100] : memref<2048x1024xf32, #tpu.memory_space<hbm>> -> memref<32x1024xf32, #tpu.memory_space<hbm>>
      tpu.enqueue_dma source(%arg9 : memref<32x1024xf32, #tpu.memory_space<vmem>>) target(%dma_start3A_101 : memref<32x1024xf32, #tpu.memory_space<hbm>>) target_semaphore(%run_scoped3A_97 : memref<!tpu.dma_semaphore, #tpu.memory_space<semaphore_mem>>)
      %dma_wait3A_102 = arith.constant 0 : i32
      %dma_wait3A_103 = tpu.memref_slice %arg6[%add3A_50, %dma_wait3A_102] : memref<2048x1024xf32, #tpu.memory_space<hbm>> -> memref<32x1024xf32, #tpu.memory_space<hbm>>
      %dma_wait3A_104 = arith.constant 0 : i32
      %dma_wait3A_105 = tpu.memref_slice %arg6[%add3A_50, %dma_wait3A_104] : memref<2048x1024xf32, #tpu.memory_space<hbm>> -> memref<32x1024xf32, #tpu.memory_space<hbm>>
      tpu.wait_dma2 semaphore(%run_scoped3A_97 : memref<!tpu.dma_semaphore, #tpu.memory_space<semaphore_mem>>) src(%arg9 : memref<32x1024xf32, #tpu.memory_space<vmem>>) dst(%dma_wait3A_105 : memref<32x1024xf32, #tpu.memory_space<hbm>>)
      tpu.yield
    }) : () -> ()
    return
  }
}

#map = affine_map<(d0, d1) -> (0, 0)>
#map1 = affine_map<(d0, d1) -> (0)>
module attributes {stable_mosaic.version = 14 : i64} {
  func.func @_dispatch_sc_kernel(%arg0: i32, %arg1: i32, %arg2: memref<2048x1024xf32, #tpu.memory_space<hbm>>, %arg3: memref<2048xi32, #tpu.memory_space<hbm>>, %arg4: memref<2048xi32, #tpu.memory_space<hbm>>, %arg5: memref<2048xf32, #tpu.memory_space<hbm>>, %arg6: memref<2048xf32, #tpu.memory_space<hbm>>, %arg7: memref<12288x1024xf32, #tpu.memory_space<hbm>>, %arg8: memref<12288xf32, #tpu.memory_space<hbm>>, %arg9: memref<2048xi32, #tpu.memory_space<vmem>>, %arg10: memref<2048xi32, #tpu.memory_space<vmem>>, %arg11: memref<2048xf32, #tpu.memory_space<vmem>>, %arg12: memref<2048xf32, #tpu.memory_space<vmem>>, %arg13: memref<12288xf32, #tpu.memory_space<vmem>>, %arg14: memref<2x64xi32, #tpu.memory_space<vmem>>, %arg15: memref<64x1024xf32, #tpu.memory_space<vmem>>, %arg16: memref<!tpu.dma_semaphore, #tpu.memory_space<semaphore_mem>>) attributes {dimension_semantics = [#tpu.dimension_semantics<core_parallel>, #tpu.dimension_semantics<subcore_parallel>], iteration_bounds = array<i64: 2, 16>, scalar_prefetch = 0 : i64, scratch_operands = 8 : i64, tpu.core_type = #tpu.core_type<sc_vector_subcore>, window_params = [{transform_indices = #map}, {transform_indices = #map1}, {transform_indices = #map1}, {transform_indices = #map1}, {transform_indices = #map1}, {transform_indices = #map}, {transform_indices = #map1}]} {
    %eq3A = arith.constant 0 : i32
    %eq3A_0 = arith.cmpi eq, %arg1, %eq3A : i32
    %eq3A_1 = arith.constant 0 : i32
    %eq3A_2 = arith.cmpi eq, %arg0, %eq3A_1 : i32
    %and3A = arith.andi %eq3A_0, %eq3A_2 : i1
    %convert_element_type3A = arith.extui %and3A : i1 to i32
    %cond3A = arith.constant 0 : i32
    %cond3A_3 = arith.cmpi ne, %convert_element_type3A, %cond3A : i32
    scf.if %cond3A_3 {
      "tpu.region"() ({
        %run_scoped3A_46 = tpu.sem_alloc : memref<!tpu.dma_semaphore, #tpu.memory_space<semaphore_mem>>
        tpu.enqueue_dma source(%arg3 : memref<2048xi32, #tpu.memory_space<hbm>>) target(%arg9 : memref<2048xi32, #tpu.memory_space<vmem>>) target_semaphore(%run_scoped3A_46 : memref<!tpu.dma_semaphore, #tpu.memory_space<semaphore_mem>>)
        tpu.wait_dma2 semaphore(%run_scoped3A_46 : memref<!tpu.dma_semaphore, #tpu.memory_space<semaphore_mem>>) src(%arg3 : memref<2048xi32, #tpu.memory_space<hbm>>) dst(%arg9 : memref<2048xi32, #tpu.memory_space<vmem>>)
        tpu.yield
      }) : () -> ()
      "tpu.region"() ({
        %run_scoped3A_46 = tpu.sem_alloc : memref<!tpu.dma_semaphore, #tpu.memory_space<semaphore_mem>>
        tpu.enqueue_dma source(%arg4 : memref<2048xi32, #tpu.memory_space<hbm>>) target(%arg10 : memref<2048xi32, #tpu.memory_space<vmem>>) target_semaphore(%run_scoped3A_46 : memref<!tpu.dma_semaphore, #tpu.memory_space<semaphore_mem>>)
        tpu.wait_dma2 semaphore(%run_scoped3A_46 : memref<!tpu.dma_semaphore, #tpu.memory_space<semaphore_mem>>) src(%arg4 : memref<2048xi32, #tpu.memory_space<hbm>>) dst(%arg10 : memref<2048xi32, #tpu.memory_space<vmem>>)
        tpu.yield
      }) : () -> ()
      "tpu.region"() ({
        %run_scoped3A_46 = tpu.sem_alloc : memref<!tpu.dma_semaphore, #tpu.memory_space<semaphore_mem>>
        tpu.enqueue_dma source(%arg5 : memref<2048xf32, #tpu.memory_space<hbm>>) target(%arg11 : memref<2048xf32, #tpu.memory_space<vmem>>) target_semaphore(%run_scoped3A_46 : memref<!tpu.dma_semaphore, #tpu.memory_space<semaphore_mem>>)
        tpu.wait_dma2 semaphore(%run_scoped3A_46 : memref<!tpu.dma_semaphore, #tpu.memory_space<semaphore_mem>>) src(%arg5 : memref<2048xf32, #tpu.memory_space<hbm>>) dst(%arg11 : memref<2048xf32, #tpu.memory_space<vmem>>)
        tpu.yield
      }) : () -> ()
      "tpu.region"() ({
        %run_scoped3A_46 = tpu.sem_alloc : memref<!tpu.dma_semaphore, #tpu.memory_space<semaphore_mem>>
        tpu.enqueue_dma source(%arg6 : memref<2048xf32, #tpu.memory_space<hbm>>) target(%arg12 : memref<2048xf32, #tpu.memory_space<vmem>>) target_semaphore(%run_scoped3A_46 : memref<!tpu.dma_semaphore, #tpu.memory_space<semaphore_mem>>)
        tpu.wait_dma2 semaphore(%run_scoped3A_46 : memref<!tpu.dma_semaphore, #tpu.memory_space<semaphore_mem>>) src(%arg6 : memref<2048xf32, #tpu.memory_space<hbm>>) dst(%arg12 : memref<2048xf32, #tpu.memory_space<vmem>>)
        tpu.yield
      }) : () -> ()
      %broadcast_in_dim3A = arith.constant 0.000000e+00 : f32
      %broadcast_in_dim3A_34 = vector.broadcast %broadcast_in_dim3A : f32 to vector<16xf32>
      %scan3A = arith.constant 0 : i32
      %scan3A_35 = arith.constant 0 : i32
      %scan3A_36 = arith.constant 768 : i32
      %scan3A_37 = arith.addi %scan3A_35, %scan3A_36 : i32
      %scan3A_38 = arith.constant 8 : i32
      scf.for %scan3A_46 = %scan3A_35 to %scan3A_37 step %scan3A_38  : i32 {
        %mul3A_47 = arith.constant 16 : i32
        %mul3A_48 = arith.muli %scan3A_46, %mul3A_47 : i32
        %swap3A = arith.index_cast %mul3A_48 : i32 to index
        %swap3A_49 = tpu.vector_load %arg13[%swap3A] {strides = array<i32>} : memref<12288xf32, #tpu.memory_space<vmem>>, vector<16xf32>,
        tpu.vector_store %arg13[%swap3A], %broadcast_in_dim3A_34 {strides = array<i32>} : memref<12288xf32, #tpu.memory_space<vmem>>, vector<16xf32>,
        %scan3A_50 = arith.constant 1 : i32
        %scan3A_51 = arith.addi %scan3A_46, %scan3A_50 : i32
        %mul3A_52 = arith.constant 16 : i32
        %mul3A_53 = arith.muli %scan3A_51, %mul3A_52 : i32
        %swap3A_54 = arith.index_cast %mul3A_53 : i32 to index
        %swap3A_55 = tpu.vector_load %arg13[%swap3A_54] {strides = array<i32>} : memref<12288xf32, #tpu.memory_space<vmem>>, vector<16xf32>,
        tpu.vector_store %arg13[%swap3A_54], %broadcast_in_dim3A_34 {strides = array<i32>} : memref<12288xf32, #tpu.memory_space<vmem>>, vector<16xf32>,
        %scan3A_56 = arith.constant 2 : i32
        %scan3A_57 = arith.addi %scan3A_46, %scan3A_56 : i32
        %mul3A_58 = arith.constant 16 : i32
        %mul3A_59 = arith.muli %scan3A_57, %mul3A_58 : i32
        %swap3A_60 = arith.index_cast %mul3A_59 : i32 to index
        %swap3A_61 = tpu.vector_load %arg13[%swap3A_60] {strides = array<i32>} : memref<12288xf32, #tpu.memory_space<vmem>>, vector<16xf32>,
        tpu.vector_store %arg13[%swap3A_60], %broadcast_in_dim3A_34 {strides = array<i32>} : memref<12288xf32, #tpu.memory_space<vmem>>, vector<16xf32>,
        %scan3A_62 = arith.constant 3 : i32
        %scan3A_63 = arith.addi %scan3A_46, %scan3A_62 : i32
        %mul3A_64 = arith.constant 16 : i32
        %mul3A_65 = arith.muli %scan3A_63, %mul3A_64 : i32
        %swap3A_66 = arith.index_cast %mul3A_65 : i32 to index
        %swap3A_67 = tpu.vector_load %arg13[%swap3A_66] {strides = array<i32>} : memref<12288xf32, #tpu.memory_space<vmem>>, vector<16xf32>,
        tpu.vector_store %arg13[%swap3A_66], %broadcast_in_dim3A_34 {strides = array<i32>} : memref<12288xf32, #tpu.memory_space<vmem>>, vector<16xf32>,
        %scan3A_68 = arith.constant 4 : i32
        %scan3A_69 = arith.addi %scan3A_46, %scan3A_68 : i32
        %mul3A_70 = arith.constant 16 : i32
        %mul3A_71 = arith.muli %scan3A_69, %mul3A_70 : i32
        %swap3A_72 = arith.index_cast %mul3A_71 : i32 to index
        %swap3A_73 = tpu.vector_load %arg13[%swap3A_72] {strides = array<i32>} : memref<12288xf32, #tpu.memory_space<vmem>>, vector<16xf32>,
        tpu.vector_store %arg13[%swap3A_72], %broadcast_in_dim3A_34 {strides = array<i32>} : memref<12288xf32, #tpu.memory_space<vmem>>, vector<16xf32>,
        %scan3A_74 = arith.constant 5 : i32
        %scan3A_75 = arith.addi %scan3A_46, %scan3A_74 : i32
        %mul3A_76 = arith.constant 16 : i32
        %mul3A_77 = arith.muli %scan3A_75, %mul3A_76 : i32
        %swap3A_78 = arith.index_cast %mul3A_77 : i32 to index
        %swap3A_79 = tpu.vector_load %arg13[%swap3A_78] {strides = array<i32>} : memref<12288xf32, #tpu.memory_space<vmem>>, vector<16xf32>,
        tpu.vector_store %arg13[%swap3A_78], %broadcast_in_dim3A_34 {strides = array<i32>} : memref<12288xf32, #tpu.memory_space<vmem>>, vector<16xf32>,
        %scan3A_80 = arith.constant 6 : i32
        %scan3A_81 = arith.addi %scan3A_46, %scan3A_80 : i32
        %mul3A_82 = arith.constant 16 : i32
        %mul3A_83 = arith.muli %scan3A_81, %mul3A_82 : i32
        %swap3A_84 = arith.index_cast %mul3A_83 : i32 to index
        %swap3A_85 = tpu.vector_load %arg13[%swap3A_84] {strides = array<i32>} : memref<12288xf32, #tpu.memory_space<vmem>>, vector<16xf32>,
        tpu.vector_store %arg13[%swap3A_84], %broadcast_in_dim3A_34 {strides = array<i32>} : memref<12288xf32, #tpu.memory_space<vmem>>, vector<16xf32>,
        %scan3A_86 = arith.constant 7 : i32
        %scan3A_87 = arith.addi %scan3A_46, %scan3A_86 : i32
        %mul3A_88 = arith.constant 16 : i32
        %mul3A_89 = arith.muli %scan3A_87, %mul3A_88 : i32
        %swap3A_90 = arith.index_cast %mul3A_89 : i32 to index
        %swap3A_91 = tpu.vector_load %arg13[%swap3A_90] {strides = array<i32>} : memref<12288xf32, #tpu.memory_space<vmem>>, vector<16xf32>,
        tpu.vector_store %arg13[%swap3A_90], %broadcast_in_dim3A_34 {strides = array<i32>} : memref<12288xf32, #tpu.memory_space<vmem>>, vector<16xf32>,
      }
      %scan3A_39 = arith.constant 768 : i32
      %scan3A_40 = arith.constant 0 : i32
      %scan3A_41 = arith.constant 0 : i32
      %scan3A_42 = arith.constant 128 : i32
      %scan3A_43 = arith.addi %scan3A_41, %scan3A_42 : i32
      %scan3A_44 = arith.constant 4 : i32
      scf.for %scan3A_46 = %scan3A_41 to %scan3A_43 step %scan3A_44  : i32 {
        %mul3A_47 = arith.constant 16 : i32
        %mul3A_48 = arith.muli %scan3A_46, %mul3A_47 : i32
        %get3A = arith.index_cast %mul3A_48 : i32 to index
        %get3A_49 = tpu.vector_load %arg9[%get3A] {strides = array<i32>} : memref<2048xi32, #tpu.memory_space<vmem>>, vector<16xi32>,
        %get3A_50 = arith.index_cast %mul3A_48 : i32 to index
        %get3A_51 = tpu.vector_load %arg11[%get3A_50] {strides = array<i32>} : memref<2048xf32, #tpu.memory_space<vmem>>, vector<16xf32>,
        tpu.vector_store_idx %arg13[%get3A_49], %get3A_51 : memref<12288xf32, #tpu.memory_space<vmem>>[vector<16xi32>], vector<16xf32>,
        %get3A_52 = arith.index_cast %mul3A_48 : i32 to index
        %get3A_53 = tpu.vector_load %arg10[%get3A_52] {strides = array<i32>} : memref<2048xi32, #tpu.memory_space<vmem>>, vector<16xi32>,
        %get3A_54 = arith.index_cast %mul3A_48 : i32 to index
        %get3A_55 = tpu.vector_load %arg12[%get3A_54] {strides = array<i32>} : memref<2048xf32, #tpu.memory_space<vmem>>, vector<16xf32>,
        tpu.vector_store_idx %arg13[%get3A_53], %get3A_55 : memref<12288xf32, #tpu.memory_space<vmem>>[vector<16xi32>], vector<16xf32>,
        %scan3A_56 = arith.constant 1 : i32
        %scan3A_57 = arith.addi %scan3A_46, %scan3A_56 : i32
        %mul3A_58 = arith.constant 16 : i32
        %mul3A_59 = arith.muli %scan3A_57, %mul3A_58 : i32
        %get3A_60 = arith.index_cast %mul3A_59 : i32 to index
        %get3A_61 = tpu.vector_load %arg9[%get3A_60] {strides = array<i32>} : memref<2048xi32, #tpu.memory_space<vmem>>, vector<16xi32>,
        %get3A_62 = arith.index_cast %mul3A_59 : i32 to index
        %get3A_63 = tpu.vector_load %arg11[%get3A_62] {strides = array<i32>} : memref<2048xf32, #tpu.memory_space<vmem>>, vector<16xf32>,
        tpu.vector_store_idx %arg13[%get3A_61], %get3A_63 : memref<12288xf32, #tpu.memory_space<vmem>>[vector<16xi32>], vector<16xf32>,
        %get3A_64 = arith.index_cast %mul3A_59 : i32 to index
        %get3A_65 = tpu.vector_load %arg10[%get3A_64] {strides = array<i32>} : memref<2048xi32, #tpu.memory_space<vmem>>, vector<16xi32>,
        %get3A_66 = arith.index_cast %mul3A_59 : i32 to index
        %get3A_67 = tpu.vector_load %arg12[%get3A_66] {strides = array<i32>} : memref<2048xf32, #tpu.memory_space<vmem>>, vector<16xf32>,
        tpu.vector_store_idx %arg13[%get3A_65], %get3A_67 : memref<12288xf32, #tpu.memory_space<vmem>>[vector<16xi32>], vector<16xf32>,
        %scan3A_68 = arith.constant 2 : i32
        %scan3A_69 = arith.addi %scan3A_46, %scan3A_68 : i32
        %mul3A_70 = arith.constant 16 : i32
        %mul3A_71 = arith.muli %scan3A_69, %mul3A_70 : i32
        %get3A_72 = arith.index_cast %mul3A_71 : i32 to index
        %get3A_73 = tpu.vector_load %arg9[%get3A_72] {strides = array<i32>} : memref<2048xi32, #tpu.memory_space<vmem>>, vector<16xi32>,
        %get3A_74 = arith.index_cast %mul3A_71 : i32 to index
        %get3A_75 = tpu.vector_load %arg11[%get3A_74] {strides = array<i32>} : memref<2048xf32, #tpu.memory_space<vmem>>, vector<16xf32>,
        tpu.vector_store_idx %arg13[%get3A_73], %get3A_75 : memref<12288xf32, #tpu.memory_space<vmem>>[vector<16xi32>], vector<16xf32>,
        %get3A_76 = arith.index_cast %mul3A_71 : i32 to index
        %get3A_77 = tpu.vector_load %arg10[%get3A_76] {strides = array<i32>} : memref<2048xi32, #tpu.memory_space<vmem>>, vector<16xi32>,
        %get3A_78 = arith.index_cast %mul3A_71 : i32 to index
        %get3A_79 = tpu.vector_load %arg12[%get3A_78] {strides = array<i32>} : memref<2048xf32, #tpu.memory_space<vmem>>, vector<16xf32>,
        tpu.vector_store_idx %arg13[%get3A_77], %get3A_79 : memref<12288xf32, #tpu.memory_space<vmem>>[vector<16xi32>], vector<16xf32>,
        %scan3A_80 = arith.constant 3 : i32
        %scan3A_81 = arith.addi %scan3A_46, %scan3A_80 : i32
        %mul3A_82 = arith.constant 16 : i32
        %mul3A_83 = arith.muli %scan3A_81, %mul3A_82 : i32
        %get3A_84 = arith.index_cast %mul3A_83 : i32 to index
        %get3A_85 = tpu.vector_load %arg9[%get3A_84] {strides = array<i32>} : memref<2048xi32, #tpu.memory_space<vmem>>, vector<16xi32>,
        %get3A_86 = arith.index_cast %mul3A_83 : i32 to index
        %get3A_87 = tpu.vector_load %arg11[%get3A_86] {strides = array<i32>} : memref<2048xf32, #tpu.memory_space<vmem>>, vector<16xf32>,
        tpu.vector_store_idx %arg13[%get3A_85], %get3A_87 : memref<12288xf32, #tpu.memory_space<vmem>>[vector<16xi32>], vector<16xf32>,
        %get3A_88 = arith.index_cast %mul3A_83 : i32 to index
        %get3A_89 = tpu.vector_load %arg10[%get3A_88] {strides = array<i32>} : memref<2048xi32, #tpu.memory_space<vmem>>, vector<16xi32>,
        %get3A_90 = arith.index_cast %mul3A_83 : i32 to index
        %get3A_91 = tpu.vector_load %arg12[%get3A_90] {strides = array<i32>} : memref<2048xf32, #tpu.memory_space<vmem>>, vector<16xf32>,
        tpu.vector_store_idx %arg13[%get3A_89], %get3A_91 : memref<12288xf32, #tpu.memory_space<vmem>>[vector<16xi32>], vector<16xf32>,
      }
      %scan3A_45 = arith.constant 128 : i32
      "tpu.region"() ({
        %run_scoped3A_46 = tpu.sem_alloc : memref<!tpu.dma_semaphore, #tpu.memory_space<semaphore_mem>>
        tpu.enqueue_dma source(%arg13 : memref<12288xf32, #tpu.memory_space<vmem>>) target(%arg8 : memref<12288xf32, #tpu.memory_space<hbm>>) target_semaphore(%run_scoped3A_46 : memref<!tpu.dma_semaphore, #tpu.memory_space<semaphore_mem>>)
        tpu.wait_dma2 semaphore(%run_scoped3A_46 : memref<!tpu.dma_semaphore, #tpu.memory_space<semaphore_mem>>) src(%arg13 : memref<12288xf32, #tpu.memory_space<vmem>>) dst(%arg8 : memref<12288xf32, #tpu.memory_space<hbm>>)
        tpu.yield
      }) : () -> ()
    } else {
    }
    %mul3A = arith.constant 16 : i32
    %mul3A_4 = arith.muli %arg0, %mul3A : i32
    %add3A = arith.addi %mul3A_4, %arg1 : i32
    %mul3A_5 = arith.constant 64 : i32
    %mul3A_6 = arith.muli %add3A, %mul3A_5 : i32
    %run_scoped3A = arith.constant 0 : i32
    "tpu.region"() ({
      %run_scoped3A_34 = tpu.sem_alloc : memref<!tpu.dma_semaphore, #tpu.memory_space<semaphore_mem>>
      %dma_start3A_35 = arith.constant 0 : i32
      %dma_start3A_36 = tpu.memref_slice %arg14[%run_scoped3A, %dma_start3A_35] : memref<2x64xi32, #tpu.memory_space<vmem>> -> memref<1x64xi32, #tpu.memory_space<vmem>>
      %dma_start3A_37 = tpu.memref_squeeze %dma_start3A_36 : memref<1x64xi32, #tpu.memory_space<vmem>> -> memref<64xi32, #tpu.memory_space<vmem>>
      %dma_start3A_38 = tpu.memref_slice %arg3[%mul3A_6] : memref<2048xi32, #tpu.memory_space<hbm>> -> memref<64xi32, #tpu.memory_space<hbm>>
      %dma_start3A_39 = arith.constant 0 : i32
      %dma_start3A_40 = tpu.memref_slice %arg14[%run_scoped3A, %dma_start3A_39] : memref<2x64xi32, #tpu.memory_space<vmem>> -> memref<1x64xi32, #tpu.memory_space<vmem>>
      %dma_start3A_41 = tpu.memref_squeeze %dma_start3A_40 : memref<1x64xi32, #tpu.memory_space<vmem>> -> memref<64xi32, #tpu.memory_space<vmem>>
      %dma_start3A_42 = tpu.memref_slice %arg3[%mul3A_6] : memref<2048xi32, #tpu.memory_space<hbm>> -> memref<64xi32, #tpu.memory_space<hbm>>
      tpu.enqueue_dma source(%dma_start3A_42 : memref<64xi32, #tpu.memory_space<hbm>>) target(%dma_start3A_41 : memref<64xi32, #tpu.memory_space<vmem>>) target_semaphore(%run_scoped3A_34 : memref<!tpu.dma_semaphore, #tpu.memory_space<semaphore_mem>>)
      %dma_wait3A_43 = arith.constant 0 : i32
      %dma_wait3A_44 = tpu.memref_slice %arg14[%run_scoped3A, %dma_wait3A_43] : memref<2x64xi32, #tpu.memory_space<vmem>> -> memref<1x64xi32, #tpu.memory_space<vmem>>
      %dma_wait3A_45 = tpu.memref_squeeze %dma_wait3A_44 : memref<1x64xi32, #tpu.memory_space<vmem>> -> memref<64xi32, #tpu.memory_space<vmem>>
      %dma_wait3A_46 = tpu.memref_slice %arg3[%mul3A_6] : memref<2048xi32, #tpu.memory_space<hbm>> -> memref<64xi32, #tpu.memory_space<hbm>>
      %dma_wait3A_47 = arith.constant 0 : i32
      %dma_wait3A_48 = tpu.memref_slice %arg14[%run_scoped3A, %dma_wait3A_47] : memref<2x64xi32, #tpu.memory_space<vmem>> -> memref<1x64xi32, #tpu.memory_space<vmem>>
      %dma_wait3A_49 = tpu.memref_squeeze %dma_wait3A_48 : memref<1x64xi32, #tpu.memory_space<vmem>> -> memref<64xi32, #tpu.memory_space<vmem>>
      %dma_wait3A_50 = tpu.memref_slice %arg3[%mul3A_6] : memref<2048xi32, #tpu.memory_space<hbm>> -> memref<64xi32, #tpu.memory_space<hbm>>
      tpu.wait_dma2 semaphore(%run_scoped3A_34 : memref<!tpu.dma_semaphore, #tpu.memory_space<semaphore_mem>>) src(%dma_wait3A_50 : memref<64xi32, #tpu.memory_space<hbm>>) dst(%dma_wait3A_49 : memref<64xi32, #tpu.memory_space<vmem>>)
      tpu.yield
    }) : () -> ()
    %run_scoped3A_7 = arith.constant 1 : i32
    "tpu.region"() ({
      %run_scoped3A_34 = tpu.sem_alloc : memref<!tpu.dma_semaphore, #tpu.memory_space<semaphore_mem>>
      %dma_start3A_35 = arith.constant 0 : i32
      %dma_start3A_36 = tpu.memref_slice %arg14[%run_scoped3A_7, %dma_start3A_35] : memref<2x64xi32, #tpu.memory_space<vmem>> -> memref<1x64xi32, #tpu.memory_space<vmem>>
      %dma_start3A_37 = tpu.memref_squeeze %dma_start3A_36 : memref<1x64xi32, #tpu.memory_space<vmem>> -> memref<64xi32, #tpu.memory_space<vmem>>
      %dma_start3A_38 = tpu.memref_slice %arg4[%mul3A_6] : memref<2048xi32, #tpu.memory_space<hbm>> -> memref<64xi32, #tpu.memory_space<hbm>>
      %dma_start3A_39 = arith.constant 0 : i32
      %dma_start3A_40 = tpu.memref_slice %arg14[%run_scoped3A_7, %dma_start3A_39] : memref<2x64xi32, #tpu.memory_space<vmem>> -> memref<1x64xi32, #tpu.memory_space<vmem>>
      %dma_start3A_41 = tpu.memref_squeeze %dma_start3A_40 : memref<1x64xi32, #tpu.memory_space<vmem>> -> memref<64xi32, #tpu.memory_space<vmem>>
      %dma_start3A_42 = tpu.memref_slice %arg4[%mul3A_6] : memref<2048xi32, #tpu.memory_space<hbm>> -> memref<64xi32, #tpu.memory_space<hbm>>
      tpu.enqueue_dma source(%dma_start3A_42 : memref<64xi32, #tpu.memory_space<hbm>>) target(%dma_start3A_41 : memref<64xi32, #tpu.memory_space<vmem>>) target_semaphore(%run_scoped3A_34 : memref<!tpu.dma_semaphore, #tpu.memory_space<semaphore_mem>>)
      %dma_wait3A_43 = arith.constant 0 : i32
      %dma_wait3A_44 = tpu.memref_slice %arg14[%run_scoped3A_7, %dma_wait3A_43] : memref<2x64xi32, #tpu.memory_space<vmem>> -> memref<1x64xi32, #tpu.memory_space<vmem>>
      %dma_wait3A_45 = tpu.memref_squeeze %dma_wait3A_44 : memref<1x64xi32, #tpu.memory_space<vmem>> -> memref<64xi32, #tpu.memory_space<vmem>>
      %dma_wait3A_46 = tpu.memref_slice %arg4[%mul3A_6] : memref<2048xi32, #tpu.memory_space<hbm>> -> memref<64xi32, #tpu.memory_space<hbm>>
      %dma_wait3A_47 = arith.constant 0 : i32
      %dma_wait3A_48 = tpu.memref_slice %arg14[%run_scoped3A_7, %dma_wait3A_47] : memref<2x64xi32, #tpu.memory_space<vmem>> -> memref<1x64xi32, #tpu.memory_space<vmem>>
      %dma_wait3A_49 = tpu.memref_squeeze %dma_wait3A_48 : memref<1x64xi32, #tpu.memory_space<vmem>> -> memref<64xi32, #tpu.memory_space<vmem>>
      %dma_wait3A_50 = tpu.memref_slice %arg4[%mul3A_6] : memref<2048xi32, #tpu.memory_space<hbm>> -> memref<64xi32, #tpu.memory_space<hbm>>
      tpu.wait_dma2 semaphore(%run_scoped3A_34 : memref<!tpu.dma_semaphore, #tpu.memory_space<semaphore_mem>>) src(%dma_wait3A_50 : memref<64xi32, #tpu.memory_space<hbm>>) dst(%dma_wait3A_49 : memref<64xi32, #tpu.memory_space<vmem>>)
      tpu.yield
    }) : () -> ()
    "tpu.region"() ({
      %run_scoped3A_34 = tpu.sem_alloc : memref<!tpu.dma_semaphore, #tpu.memory_space<semaphore_mem>>
      %dma_start3A_35 = arith.constant 0 : i32
      %dma_start3A_36 = tpu.memref_slice %arg2[%mul3A_6, %dma_start3A_35] : memref<2048x1024xf32, #tpu.memory_space<hbm>> -> memref<64x1024xf32, #tpu.memory_space<hbm>>
      %dma_start3A_37 = arith.constant 0 : i32
      %dma_start3A_38 = tpu.memref_slice %arg2[%mul3A_6, %dma_start3A_37] : memref<2048x1024xf32, #tpu.memory_space<hbm>> -> memref<64x1024xf32, #tpu.memory_space<hbm>>
      tpu.enqueue_dma source(%dma_start3A_38 : memref<64x1024xf32, #tpu.memory_space<hbm>>) target(%arg15 : memref<64x1024xf32, #tpu.memory_space<vmem>>) target_semaphore(%run_scoped3A_34 : memref<!tpu.dma_semaphore, #tpu.memory_space<semaphore_mem>>)
      %dma_wait3A_39 = arith.constant 0 : i32
      %dma_wait3A_40 = tpu.memref_slice %arg2[%mul3A_6, %dma_wait3A_39] : memref<2048x1024xf32, #tpu.memory_space<hbm>> -> memref<64x1024xf32, #tpu.memory_space<hbm>>
      %dma_wait3A_41 = arith.constant 0 : i32
      %dma_wait3A_42 = tpu.memref_slice %arg2[%mul3A_6, %dma_wait3A_41] : memref<2048x1024xf32, #tpu.memory_space<hbm>> -> memref<64x1024xf32, #tpu.memory_space<hbm>>
      tpu.wait_dma2 semaphore(%run_scoped3A_34 : memref<!tpu.dma_semaphore, #tpu.memory_space<semaphore_mem>>) src(%dma_wait3A_42 : memref<64x1024xf32, #tpu.memory_space<hbm>>) dst(%arg15 : memref<64x1024xf32, #tpu.memory_space<vmem>>)
      tpu.yield
    }) : () -> ()
    %dma_start3A = arith.constant 0 : i32
    %dma_start3A_8 = arith.constant 0 : i32
    %dma_start3A_9 = tpu.memref_slice %arg14[%dma_start3A, %dma_start3A_8] : memref<2x64xi32, #tpu.memory_space<vmem>> -> memref<1x64xi32, #tpu.memory_space<vmem>>
    %dma_start3A_10 = tpu.memref_squeeze %dma_start3A_9 : memref<1x64xi32, #tpu.memory_space<vmem>> -> memref<64xi32, #tpu.memory_space<vmem>>
    %dma_start3A_11 = arith.constant 0 : i32
    %dma_start3A_12 = arith.constant 0 : i32
    %dma_start3A_13 = tpu.memref_slice %arg7[%dma_start3A_11, %dma_start3A_12] : memref<12288x1024xf32, #tpu.memory_space<hbm>> -> memref<12288x1024xf32, #tpu.memory_space<hbm>>
    tpu.enqueue_indirect_dma source(%arg15 : memref<64x1024xf32, #tpu.memory_space<vmem>>) target(%dma_start3A_13 : memref<12288x1024xf32, #tpu.memory_space<hbm>>) offsets(%dma_start3A_10 : memref<64xi32, #tpu.memory_space<vmem>>) semaphore(%arg16 : memref<!tpu.dma_semaphore, #tpu.memory_space<semaphore_mem>>)
    %dma_start3A_14 = arith.constant 1 : i32
    %dma_start3A_15 = arith.constant 0 : i32
    %dma_start3A_16 = tpu.memref_slice %arg14[%dma_start3A_14, %dma_start3A_15] : memref<2x64xi32, #tpu.memory_space<vmem>> -> memref<1x64xi32, #tpu.memory_space<vmem>>
    %dma_start3A_17 = tpu.memref_squeeze %dma_start3A_16 : memref<1x64xi32, #tpu.memory_space<vmem>> -> memref<64xi32, #tpu.memory_space<vmem>>
    %dma_start3A_18 = arith.constant 0 : i32
    %dma_start3A_19 = arith.constant 0 : i32
    %dma_start3A_20 = tpu.memref_slice %arg7[%dma_start3A_18, %dma_start3A_19] : memref<12288x1024xf32, #tpu.memory_space<hbm>> -> memref<12288x1024xf32, #tpu.memory_space<hbm>>
    tpu.enqueue_indirect_dma source(%arg15 : memref<64x1024xf32, #tpu.memory_space<vmem>>) target(%dma_start3A_20 : memref<12288x1024xf32, #tpu.memory_space<hbm>>) offsets(%dma_start3A_17 : memref<64xi32, #tpu.memory_space<vmem>>) semaphore(%arg16 : memref<!tpu.dma_semaphore, #tpu.memory_space<semaphore_mem>>)
    %dma_wait3A = arith.constant 0 : i32
    %dma_wait3A_21 = arith.constant 0 : i32
    %dma_wait3A_22 = tpu.memref_slice %arg14[%dma_wait3A, %dma_wait3A_21] : memref<2x64xi32, #tpu.memory_space<vmem>> -> memref<1x64xi32, #tpu.memory_space<vmem>>
    %dma_wait3A_23 = tpu.memref_squeeze %dma_wait3A_22 : memref<1x64xi32, #tpu.memory_space<vmem>> -> memref<64xi32, #tpu.memory_space<vmem>>
    %dma_wait3A_24 = arith.constant 0 : i32
    %dma_wait3A_25 = arith.constant 0 : i32
    %dma_wait3A_26 = tpu.memref_slice %arg7[%dma_wait3A_24, %dma_wait3A_25] : memref<12288x1024xf32, #tpu.memory_space<hbm>> -> memref<12288x1024xf32, #tpu.memory_space<hbm>>
    tpu.wait_indirect_dma semaphore(%arg16 : memref<!tpu.dma_semaphore, #tpu.memory_space<semaphore_mem>>) src(%arg15 : memref<64x1024xf32, #tpu.memory_space<vmem>>) dst(%dma_wait3A_26 : memref<12288x1024xf32, #tpu.memory_space<hbm>>)
    %dma_wait3A_27 = arith.constant 1 : i32
    %dma_wait3A_28 = arith.constant 0 : i32
    %dma_wait3A_29 = tpu.memref_slice %arg14[%dma_wait3A_27, %dma_wait3A_28] : memref<2x64xi32, #tpu.memory_space<vmem>> -> memref<1x64xi32, #tpu.memory_space<vmem>>
    %dma_wait3A_30 = tpu.memref_squeeze %dma_wait3A_29 : memref<1x64xi32, #tpu.memory_space<vmem>> -> memref<64xi32, #tpu.memory_space<vmem>>
    %dma_wait3A_31 = arith.constant 0 : i32
    %dma_wait3A_32 = arith.constant 0 : i32
    %dma_wait3A_33 = tpu.memref_slice %arg7[%dma_wait3A_31, %dma_wait3A_32] : memref<12288x1024xf32, #tpu.memory_space<hbm>> -> memref<12288x1024xf32, #tpu.memory_space<hbm>>
    tpu.wait_indirect_dma semaphore(%arg16 : memref<!tpu.dma_semaphore, #tpu.memory_space<semaphore_mem>>) src(%arg15 : memref<64x1024xf32, #tpu.memory_space<vmem>>) dst(%dma_wait3A_33 : memref<12288x1024xf32, #tpu.memory_space<hbm>>)
    return
  }
}

module attributes {stable_mosaic.version = 14 : i64} {
  func.func @_gate_kernel(%arg0: memref<2048x1024xf32, #tpu.memory_space<vmem>>, %arg1: memref<1024x64xf32, #tpu.memory_space<vmem>>, %arg2: memref<1x64xf32, #tpu.memory_space<vmem>>, %arg3: memref<2048x1xi32, #tpu.memory_space<vmem>>, %arg4: memref<2048x1xi32, #tpu.memory_space<vmem>>, %arg5: memref<2048x1xf32, #tpu.memory_space<vmem>>, %arg6: memref<2048x1xf32, #tpu.memory_space<vmem>>, %arg7: memref<1x128xi32, #tpu.memory_space<vmem>>, %arg8: memref<1x1xi32, #tpu.memory_space<vmem>>) attributes {dimension_semantics = [], scalar_prefetch = 0 : i64, scratch_operands = 0 : i64, tpu.core_type = #tpu.core_type<tc>} {
    %get3A = arith.constant 0 : index
    %get3A_0 = arith.constant 0 : index
    %get3A_1 = vector.load %arg0[%get3A, %get3A_0] : memref<2048x1024xf32, #tpu.memory_space<vmem>>, vector<2048x1024xf32>
    %get3A_2 = arith.constant 0 : index
    %get3A_3 = arith.constant 0 : index
    %get3A_4 = vector.load %arg1[%get3A_2, %get3A_3] : memref<1024x64xf32, #tpu.memory_space<vmem>>, vector<1024x64xf32>
    %dot_general3A = arith.constant dense<0.000000e+00> : vector<2048x64xf32>
    %dot_general3A_5 = tpu.matmul %get3A_1, %get3A_4, %dot_general3A {dimension_numbers = #tpu.dot_dimension_numbers<[1], [0], [0], [1], [0, 0, 1, 1], [], []>, transpose_lhs_hint = false} : vector<2048x1024xf32>, vector<1024x64xf32>, vector<2048x64xf32> -> vector<2048x64xf32>
    %logistic3A = arith.negf %dot_general3A_5 : vector<2048x64xf32>
    %logistic3A_6 = math.exp %logistic3A : vector<2048x64xf32>
    %logistic3A_7 = arith.constant 1.000000e+00 : f32
    %logistic3A_8 = vector.broadcast %logistic3A_7 : f32 to vector<2048x64xf32>
    %logistic3A_9 = arith.addf %logistic3A_8, %logistic3A_6 : vector<2048x64xf32>
    %logistic3A_10 = arith.divf %logistic3A_8, %logistic3A_9 : vector<2048x64xf32>
    %get3A_11 = arith.constant 0 : index
    %get3A_12 = arith.constant 0 : index
    %get3A_13 = vector.load %arg2[%get3A_11, %get3A_12] : memref<1x64xf32, #tpu.memory_space<vmem>>, vector<1x64xf32>
    %add3A = vector.broadcast %get3A_13 : vector<1x64xf32> to vector<2048x64xf32>
    %add3A_14 = arith.addf %logistic3A_10, %add3A : vector<2048x64xf32>
    %slice3A = vector.extract_strided_slice %add3A_14 {offsets = [0, 0], sizes = [2048, 8], strides = [1, 1]} : vector<2048x64xf32> to vector<2048x8xf32>
    %reduce_max3A = arith.constant dense<0xFF800000> : vector<2048xf32>
    %reduce_max3A_15 = vector.multi_reduction <maximumf>, %slice3A, %reduce_max3A [1] : vector<2048x8xf32> to vector<2048xf32>
    %broadcast_in_dim3A = vector.shape_cast %reduce_max3A_15 : vector<2048xf32> to vector<2048x1xf32>
    %slice3A_16 = vector.extract_strided_slice %add3A_14 {offsets = [0, 8], sizes = [2048, 8], strides = [1, 1]} : vector<2048x64xf32> to vector<2048x8xf32>
    %reduce_max3A_17 = arith.constant dense<0xFF800000> : vector<2048xf32>
    %reduce_max3A_18 = vector.multi_reduction <maximumf>, %slice3A_16, %reduce_max3A_17 [1] : vector<2048x8xf32> to vector<2048xf32>
    %broadcast_in_dim3A_19 = vector.shape_cast %reduce_max3A_18 : vector<2048xf32> to vector<2048x1xf32>
    %slice3A_20 = vector.extract_strided_slice %add3A_14 {offsets = [0, 16], sizes = [2048, 8], strides = [1, 1]} : vector<2048x64xf32> to vector<2048x8xf32>
    %reduce_max3A_21 = arith.constant dense<0xFF800000> : vector<2048xf32>
    %reduce_max3A_22 = vector.multi_reduction <maximumf>, %slice3A_20, %reduce_max3A_21 [1] : vector<2048x8xf32> to vector<2048xf32>
    %broadcast_in_dim3A_23 = vector.shape_cast %reduce_max3A_22 : vector<2048xf32> to vector<2048x1xf32>
    %slice3A_24 = vector.extract_strided_slice %add3A_14 {offsets = [0, 24], sizes = [2048, 8], strides = [1, 1]} : vector<2048x64xf32> to vector<2048x8xf32>
    %reduce_max3A_25 = arith.constant dense<0xFF800000> : vector<2048xf32>
    %reduce_max3A_26 = vector.multi_reduction <maximumf>, %slice3A_24, %reduce_max3A_25 [1] : vector<2048x8xf32> to vector<2048xf32>
    %broadcast_in_dim3A_27 = vector.shape_cast %reduce_max3A_26 : vector<2048xf32> to vector<2048x1xf32>
    %slice3A_28 = vector.extract_strided_slice %add3A_14 {offsets = [0, 32], sizes = [2048, 8], strides = [1, 1]} : vector<2048x64xf32> to vector<2048x8xf32>
    %reduce_max3A_29 = arith.constant dense<0xFF800000> : vector<2048xf32>
    %reduce_max3A_30 = vector.multi_reduction <maximumf>, %slice3A_28, %reduce_max3A_29 [1] : vector<2048x8xf32> to vector<2048xf32>
    %broadcast_in_dim3A_31 = vector.shape_cast %reduce_max3A_30 : vector<2048xf32> to vector<2048x1xf32>
    %slice3A_32 = vector.extract_strided_slice %add3A_14 {offsets = [0, 40], sizes = [2048, 8], strides = [1, 1]} : vector<2048x64xf32> to vector<2048x8xf32>
    %reduce_max3A_33 = arith.constant dense<0xFF800000> : vector<2048xf32>
    %reduce_max3A_34 = vector.multi_reduction <maximumf>, %slice3A_32, %reduce_max3A_33 [1] : vector<2048x8xf32> to vector<2048xf32>
    %broadcast_in_dim3A_35 = vector.shape_cast %reduce_max3A_34 : vector<2048xf32> to vector<2048x1xf32>
    %slice3A_36 = vector.extract_strided_slice %add3A_14 {offsets = [0, 48], sizes = [2048, 8], strides = [1, 1]} : vector<2048x64xf32> to vector<2048x8xf32>
    %reduce_max3A_37 = arith.constant dense<0xFF800000> : vector<2048xf32>
    %reduce_max3A_38 = vector.multi_reduction <maximumf>, %slice3A_36, %reduce_max3A_37 [1] : vector<2048x8xf32> to vector<2048xf32>
    %broadcast_in_dim3A_39 = vector.shape_cast %reduce_max3A_38 : vector<2048xf32> to vector<2048x1xf32>
    %slice3A_40 = vector.extract_strided_slice %add3A_14 {offsets = [0, 56], sizes = [2048, 8], strides = [1, 1]} : vector<2048x64xf32> to vector<2048x8xf32>
    %reduce_max3A_41 = arith.constant dense<0xFF800000> : vector<2048xf32>
    %reduce_max3A_42 = vector.multi_reduction <maximumf>, %slice3A_40, %reduce_max3A_41 [1] : vector<2048x8xf32> to vector<2048xf32>
    %broadcast_in_dim3A_43 = vector.shape_cast %reduce_max3A_42 : vector<2048xf32> to vector<2048x1xf32>
    %concatenate3A = tpu.concatenate %broadcast_in_dim3A, %broadcast_in_dim3A_19, %broadcast_in_dim3A_23, %broadcast_in_dim3A_27, %broadcast_in_dim3A_31, %broadcast_in_dim3A_35, %broadcast_in_dim3A_39, %broadcast_in_dim3A_43 in 1 : vector<2048x1xf32>, vector<2048x1xf32>, vector<2048x1xf32>, vector<2048x1xf32>, vector<2048x1xf32>, vector<2048x1xf32>, vector<2048x1xf32>, vector<2048x1xf32> -> vector<2048x8xf32>
    %iota3A = tpu.iota {dimensions = array<i32: 1>} : vector<2048x8xi32>
    %broadcast_in_dim3A_44 = arith.constant 0.000000e+00 : f32
    %broadcast_in_dim3A_45 = vector.broadcast %broadcast_in_dim3A_44 : f32 to vector<2048x8xf32>
    %reduce_max3A_46 = arith.constant dense<0xFF800000> : vector<2048xf32>
    %reduce_max3A_47 = vector.multi_reduction <maximumf>, %concatenate3A, %reduce_max3A_46 [1] : vector<2048x8xf32> to vector<2048xf32>
    %broadcast_in_dim3A_48 = vector.shape_cast %reduce_max3A_47 : vector<2048xf32> to vector<2048x1xf32>
    %eq3A = vector.broadcast %broadcast_in_dim3A_48 : vector<2048x1xf32> to vector<2048x8xf32>
    %eq3A_49 = arith.cmpf oeq, %concatenate3A, %eq3A : vector<2048x8xf32>
    %jit3A = arith.constant 8 : i32
    %broadcast_in_dim3A_50 = vector.broadcast %jit3A : i32 to vector<2048x8xi32>
    %select_n3A = arith.select %eq3A_49, %iota3A, %broadcast_in_dim3A_50 : vector<2048x8xi1>, vector<2048x8xi32>
    %reduce_min3A = arith.constant dense<2147483647> : vector<2048xi32>
    %reduce_min3A_51 = vector.multi_reduction <minsi>, %select_n3A, %reduce_min3A [1] : vector<2048x8xi32> to vector<2048xi32>
    %broadcast_in_dim3A_52 = vector.shape_cast %reduce_min3A_51 : vector<2048xi32> to vector<2048x1xi32>
    %eq3A_53 = vector.broadcast %broadcast_in_dim3A_52 : vector<2048x1xi32> to vector<2048x8xi32>
    %eq3A_54 = arith.cmpi eq, %iota3A, %eq3A_53 : vector<2048x8xi32>
    %convert_element_type3A = arith.extui %eq3A_54 : vector<2048x8xi1> to vector<2048x8xi32>
    %convert_element_type3A_55 = arith.sitofp %convert_element_type3A : vector<2048x8xi32> to vector<2048x8xf32>
    %add3A_56 = arith.addf %broadcast_in_dim3A_45, %convert_element_type3A_55 : vector<2048x8xf32>
    %jit3A_57 = arith.constant 0xFF800000 : f32
    %broadcast_in_dim3A_58 = vector.broadcast %jit3A_57 : f32 to vector<2048x8xf32>
    %select_n3A_59 = arith.select %eq3A_54, %broadcast_in_dim3A_58, %concatenate3A : vector<2048x8xi1>, vector<2048x8xf32>
    %reduce_max3A_60 = arith.constant dense<0xFF800000> : vector<2048xf32>
    %reduce_max3A_61 = vector.multi_reduction <maximumf>, %select_n3A_59, %reduce_max3A_60 [1] : vector<2048x8xf32> to vector<2048xf32>
    %broadcast_in_dim3A_62 = vector.shape_cast %reduce_max3A_61 : vector<2048xf32> to vector<2048x1xf32>
    %eq3A_63 = vector.broadcast %broadcast_in_dim3A_62 : vector<2048x1xf32> to vector<2048x8xf32>
    %eq3A_64 = arith.cmpf oeq, %select_n3A_59, %eq3A_63 : vector<2048x8xf32>
    %jit3A_65 = arith.constant 8 : i32
    %broadcast_in_dim3A_66 = vector.broadcast %jit3A_65 : i32 to vector<2048x8xi32>
    %select_n3A_67 = arith.select %eq3A_64, %iota3A, %broadcast_in_dim3A_66 : vector<2048x8xi1>, vector<2048x8xi32>
    %reduce_min3A_68 = arith.constant dense<2147483647> : vector<2048xi32>
    %reduce_min3A_69 = vector.multi_reduction <minsi>, %select_n3A_67, %reduce_min3A_68 [1] : vector<2048x8xi32> to vector<2048xi32>
    %broadcast_in_dim3A_70 = vector.shape_cast %reduce_min3A_69 : vector<2048xi32> to vector<2048x1xi32>
    %eq3A_71 = vector.broadcast %broadcast_in_dim3A_70 : vector<2048x1xi32> to vector<2048x8xi32>
    %eq3A_72 = arith.cmpi eq, %iota3A, %eq3A_71 : vector<2048x8xi32>
    %convert_element_type3A_73 = arith.extui %eq3A_72 : vector<2048x8xi1> to vector<2048x8xi32>
    %convert_element_type3A_74 = arith.sitofp %convert_element_type3A_73 : vector<2048x8xi32> to vector<2048x8xf32>
    %add3A_75 = arith.addf %add3A_56, %convert_element_type3A_74 : vector<2048x8xf32>
    %jit3A_76 = arith.constant 0xFF800000 : f32
    %broadcast_in_dim3A_77 = vector.broadcast %jit3A_76 : f32 to vector<2048x8xf32>
    %select_n3A_78 = arith.select %eq3A_72, %broadcast_in_dim3A_77, %select_n3A_59 : vector<2048x8xi1>, vector<2048x8xf32>
    %reduce_max3A_79 = arith.constant dense<0xFF800000> : vector<2048xf32>
    %reduce_max3A_80 = vector.multi_reduction <maximumf>, %select_n3A_78, %reduce_max3A_79 [1] : vector<2048x8xf32> to vector<2048xf32>
    %broadcast_in_dim3A_81 = vector.shape_cast %reduce_max3A_80 : vector<2048xf32> to vector<2048x1xf32>
    %eq3A_82 = vector.broadcast %broadcast_in_dim3A_81 : vector<2048x1xf32> to vector<2048x8xf32>
    %eq3A_83 = arith.cmpf oeq, %select_n3A_78, %eq3A_82 : vector<2048x8xf32>
    %jit3A_84 = arith.constant 8 : i32
    %broadcast_in_dim3A_85 = vector.broadcast %jit3A_84 : i32 to vector<2048x8xi32>
    %select_n3A_86 = arith.select %eq3A_83, %iota3A, %broadcast_in_dim3A_85 : vector<2048x8xi1>, vector<2048x8xi32>
    %reduce_min3A_87 = arith.constant dense<2147483647> : vector<2048xi32>
    %reduce_min3A_88 = vector.multi_reduction <minsi>, %select_n3A_86, %reduce_min3A_87 [1] : vector<2048x8xi32> to vector<2048xi32>
    %broadcast_in_dim3A_89 = vector.shape_cast %reduce_min3A_88 : vector<2048xi32> to vector<2048x1xi32>
    %eq3A_90 = vector.broadcast %broadcast_in_dim3A_89 : vector<2048x1xi32> to vector<2048x8xi32>
    %eq3A_91 = arith.cmpi eq, %iota3A, %eq3A_90 : vector<2048x8xi32>
    %convert_element_type3A_92 = arith.extui %eq3A_91 : vector<2048x8xi1> to vector<2048x8xi32>
    %convert_element_type3A_93 = arith.sitofp %convert_element_type3A_92 : vector<2048x8xi32> to vector<2048x8xf32>
    %add3A_94 = arith.addf %add3A_75, %convert_element_type3A_93 : vector<2048x8xf32>
    %jit3A_95 = arith.constant 0xFF800000 : f32
    %broadcast_in_dim3A_96 = vector.broadcast %jit3A_95 : f32 to vector<2048x8xf32>
    %select_n3A_97 = arith.select %eq3A_91, %broadcast_in_dim3A_96, %select_n3A_78 : vector<2048x8xi1>, vector<2048x8xf32>
    %reduce_max3A_98 = arith.constant dense<0xFF800000> : vector<2048xf32>
    %reduce_max3A_99 = vector.multi_reduction <maximumf>, %select_n3A_97, %reduce_max3A_98 [1] : vector<2048x8xf32> to vector<2048xf32>
    %broadcast_in_dim3A_100 = vector.shape_cast %reduce_max3A_99 : vector<2048xf32> to vector<2048x1xf32>
    %eq3A_101 = vector.broadcast %broadcast_in_dim3A_100 : vector<2048x1xf32> to vector<2048x8xf32>
    %eq3A_102 = arith.cmpf oeq, %select_n3A_97, %eq3A_101 : vector<2048x8xf32>
    %jit3A_103 = arith.constant 8 : i32
    %broadcast_in_dim3A_104 = vector.broadcast %jit3A_103 : i32 to vector<2048x8xi32>
    %select_n3A_105 = arith.select %eq3A_102, %iota3A, %broadcast_in_dim3A_104 : vector<2048x8xi1>, vector<2048x8xi32>
    %reduce_min3A_106 = arith.constant dense<2147483647> : vector<2048xi32>
    %reduce_min3A_107 = vector.multi_reduction <minsi>, %select_n3A_105, %reduce_min3A_106 [1] : vector<2048x8xi32> to vector<2048xi32>
    %broadcast_in_dim3A_108 = vector.shape_cast %reduce_min3A_107 : vector<2048xi32> to vector<2048x1xi32>
    %eq3A_109 = vector.broadcast %broadcast_in_dim3A_108 : vector<2048x1xi32> to vector<2048x8xi32>
    %eq3A_110 = arith.cmpi eq, %iota3A, %eq3A_109 : vector<2048x8xi32>
    %convert_element_type3A_111 = arith.extui %eq3A_110 : vector<2048x8xi1> to vector<2048x8xi32>
    %convert_element_type3A_112 = arith.sitofp %convert_element_type3A_111 : vector<2048x8xi32> to vector<2048x8xf32>
    %add3A_113 = arith.addf %add3A_94, %convert_element_type3A_112 : vector<2048x8xf32>
    %slice3A_114 = vector.extract_strided_slice %add3A_113 {offsets = [0, 0], sizes = [2048, 1], strides = [1, 1]} : vector<2048x8xf32> to vector<2048x1xf32>
    %broadcast_in_dim3A_115 = vector.shape_cast %slice3A_114 : vector<2048x1xf32> to vector<2048x1xf32>
    %broadcast_in_dim3A_116 = vector.broadcast %broadcast_in_dim3A_115 : vector<2048x1xf32> to vector<2048x8xf32>
    %slice3A_117 = vector.extract_strided_slice %add3A_113 {offsets = [0, 1], sizes = [2048, 1], strides = [1, 1]} : vector<2048x8xf32> to vector<2048x1xf32>
    %broadcast_in_dim3A_118 = vector.shape_cast %slice3A_117 : vector<2048x1xf32> to vector<2048x1xf32>
    %broadcast_in_dim3A_119 = vector.broadcast %broadcast_in_dim3A_118 : vector<2048x1xf32> to vector<2048x8xf32>
    %slice3A_120 = vector.extract_strided_slice %add3A_113 {offsets = [0, 2], sizes = [2048, 1], strides = [1, 1]} : vector<2048x8xf32> to vector<2048x1xf32>
    %broadcast_in_dim3A_121 = vector.shape_cast %slice3A_120 : vector<2048x1xf32> to vector<2048x1xf32>
    %broadcast_in_dim3A_122 = vector.broadcast %broadcast_in_dim3A_121 : vector<2048x1xf32> to vector<2048x8xf32>
    %slice3A_123 = vector.extract_strided_slice %add3A_113 {offsets = [0, 3], sizes = [2048, 1], strides = [1, 1]} : vector<2048x8xf32> to vector<2048x1xf32>
    %broadcast_in_dim3A_124 = vector.shape_cast %slice3A_123 : vector<2048x1xf32> to vector<2048x1xf32>
    %broadcast_in_dim3A_125 = vector.broadcast %broadcast_in_dim3A_124 : vector<2048x1xf32> to vector<2048x8xf32>
    %slice3A_126 = vector.extract_strided_slice %add3A_113 {offsets = [0, 4], sizes = [2048, 1], strides = [1, 1]} : vector<2048x8xf32> to vector<2048x1xf32>
    %broadcast_in_dim3A_127 = vector.shape_cast %slice3A_126 : vector<2048x1xf32> to vector<2048x1xf32>
    %broadcast_in_dim3A_128 = vector.broadcast %broadcast_in_dim3A_127 : vector<2048x1xf32> to vector<2048x8xf32>
    %slice3A_129 = vector.extract_strided_slice %add3A_113 {offsets = [0, 5], sizes = [2048, 1], strides = [1, 1]} : vector<2048x8xf32> to vector<2048x1xf32>
    %broadcast_in_dim3A_130 = vector.shape_cast %slice3A_129 : vector<2048x1xf32> to vector<2048x1xf32>
    %broadcast_in_dim3A_131 = vector.broadcast %broadcast_in_dim3A_130 : vector<2048x1xf32> to vector<2048x8xf32>
    %slice3A_132 = vector.extract_strided_slice %add3A_113 {offsets = [0, 6], sizes = [2048, 1], strides = [1, 1]} : vector<2048x8xf32> to vector<2048x1xf32>
    %broadcast_in_dim3A_133 = vector.shape_cast %slice3A_132 : vector<2048x1xf32> to vector<2048x1xf32>
    %broadcast_in_dim3A_134 = vector.broadcast %broadcast_in_dim3A_133 : vector<2048x1xf32> to vector<2048x8xf32>
    %slice3A_135 = vector.extract_strided_slice %add3A_113 {offsets = [0, 7], sizes = [2048, 1], strides = [1, 1]} : vector<2048x8xf32> to vector<2048x1xf32>
    %broadcast_in_dim3A_136 = vector.shape_cast %slice3A_135 : vector<2048x1xf32> to vector<2048x1xf32>
    %broadcast_in_dim3A_137 = vector.broadcast %broadcast_in_dim3A_136 : vector<2048x1xf32> to vector<2048x8xf32>
    %concatenate3A_138 = tpu.concatenate %broadcast_in_dim3A_116, %broadcast_in_dim3A_119, %broadcast_in_dim3A_122, %broadcast_in_dim3A_125, %broadcast_in_dim3A_128, %broadcast_in_dim3A_131, %broadcast_in_dim3A_134, %broadcast_in_dim3A_137 in 1 : vector<2048x8xf32>, vector<2048x8xf32>, vector<2048x8xf32>, vector<2048x8xf32>, vector<2048x8xf32>, vector<2048x8xf32>, vector<2048x8xf32>, vector<2048x8xf32> -> vector<2048x64xf32>
    %mul3A = arith.mulf %add3A_14, %concatenate3A_138 : vector<2048x64xf32>
    %iota3A_139 = tpu.iota {dimensions = array<i32: 1>} : vector<2048x64xi32>
    %reduce_max3A_140 = arith.constant dense<0xFF800000> : vector<2048xf32>
    %reduce_max3A_141 = vector.multi_reduction <maximumf>, %mul3A, %reduce_max3A_140 [1] : vector<2048x64xf32> to vector<2048xf32>
    %broadcast_in_dim3A_142 = vector.shape_cast %reduce_max3A_141 : vector<2048xf32> to vector<2048x1xf32>
    %eq3A_143 = vector.broadcast %broadcast_in_dim3A_142 : vector<2048x1xf32> to vector<2048x64xf32>
    %eq3A_144 = arith.cmpf oeq, %mul3A, %eq3A_143 : vector<2048x64xf32>
    %jit3A_145 = arith.constant 64 : i32
    %broadcast_in_dim3A_146 = vector.broadcast %jit3A_145 : i32 to vector<2048x64xi32>
    %select_n3A_147 = arith.select %eq3A_144, %iota3A_139, %broadcast_in_dim3A_146 : vector<2048x64xi1>, vector<2048x64xi32>
    %reduce_min3A_148 = arith.constant dense<2147483647> : vector<2048xi32>
    %reduce_min3A_149 = vector.multi_reduction <minsi>, %select_n3A_147, %reduce_min3A_148 [1] : vector<2048x64xi32> to vector<2048xi32>
    %broadcast_in_dim3A_150 = vector.shape_cast %reduce_min3A_149 : vector<2048xi32> to vector<2048x1xi32>
    %eq3A_151 = vector.broadcast %broadcast_in_dim3A_150 : vector<2048x1xi32> to vector<2048x64xi32>
    %eq3A_152 = arith.cmpi eq, %iota3A_139, %eq3A_151 : vector<2048x64xi32>
    %convert_element_type3A_153 = arith.extui %eq3A_152 : vector<2048x64xi1> to vector<2048x64xi32>
    %convert_element_type3A_154 = arith.sitofp %convert_element_type3A_153 : vector<2048x64xi32> to vector<2048x64xf32>
    %gt3A = arith.constant 0.000000e+00 : f32
    %gt3A_155 = vector.broadcast %gt3A : f32 to vector<2048x64xf32>
    %gt3A_156 = arith.cmpf ogt, %convert_element_type3A_154, %gt3A_155 : vector<2048x64xf32>
    %jit3A_157 = arith.constant 0xFF800000 : f32
    %broadcast_in_dim3A_158 = vector.broadcast %jit3A_157 : f32 to vector<2048x64xf32>
    %select_n3A_159 = arith.select %gt3A_156, %broadcast_in_dim3A_158, %mul3A : vector<2048x64xi1>, vector<2048x64xf32>
    %reduce_max3A_160 = arith.constant dense<0xFF800000> : vector<2048xf32>
    %reduce_max3A_161 = vector.multi_reduction <maximumf>, %select_n3A_159, %reduce_max3A_160 [1] : vector<2048x64xf32> to vector<2048xf32>
    %broadcast_in_dim3A_162 = vector.shape_cast %reduce_max3A_161 : vector<2048xf32> to vector<2048x1xf32>
    %eq3A_163 = vector.broadcast %broadcast_in_dim3A_162 : vector<2048x1xf32> to vector<2048x64xf32>
    %eq3A_164 = arith.cmpf oeq, %select_n3A_159, %eq3A_163 : vector<2048x64xf32>
    %jit3A_165 = arith.constant 64 : i32
    %broadcast_in_dim3A_166 = vector.broadcast %jit3A_165 : i32 to vector<2048x64xi32>
    %select_n3A_167 = arith.select %eq3A_164, %iota3A_139, %broadcast_in_dim3A_166 : vector<2048x64xi1>, vector<2048x64xi32>
    %reduce_min3A_168 = arith.constant dense<2147483647> : vector<2048xi32>
    %reduce_min3A_169 = vector.multi_reduction <minsi>, %select_n3A_167, %reduce_min3A_168 [1] : vector<2048x64xi32> to vector<2048xi32>
    %broadcast_in_dim3A_170 = vector.shape_cast %reduce_min3A_169 : vector<2048xi32> to vector<2048x1xi32>
    %eq3A_171 = vector.broadcast %broadcast_in_dim3A_170 : vector<2048x1xi32> to vector<2048x64xi32>
    %eq3A_172 = arith.cmpi eq, %iota3A_139, %eq3A_171 : vector<2048x64xi32>
    %convert_element_type3A_173 = arith.extui %eq3A_172 : vector<2048x64xi1> to vector<2048x64xi32>
    %convert_element_type3A_174 = arith.sitofp %convert_element_type3A_173 : vector<2048x64xi32> to vector<2048x64xf32>
    %add3A_175 = arith.addf %broadcast_in_dim3A_142, %broadcast_in_dim3A_162 : vector<2048x1xf32>
    %add3A_176 = arith.constant 9.99999993E-9 : f32
    %add3A_177 = vector.broadcast %add3A_176 : f32 to vector<2048x1xf32>
    %add3A_178 = arith.addf %add3A_175, %add3A_177 : vector<2048x1xf32>
    %add3A_179 = arith.addf %convert_element_type3A_154, %convert_element_type3A_174 : vector<2048x64xf32>
    %broadcast_in_dim3A_180 = arith.constant 0.000000e+00 : f32
    %broadcast_in_dim3A_181 = vector.broadcast %broadcast_in_dim3A_180 : f32 to vector<1x64xf32>
    %slice3A_182 = vector.extract_strided_slice %add3A_179 {offsets = [0, 0], sizes = [2047, 64], strides = [1, 1]} : vector<2048x64xf32> to vector<2047x64xf32>
    %concatenate3A_183 = tpu.concatenate %broadcast_in_dim3A_181, %slice3A_182 in 0 : vector<1x64xf32>, vector<2047x64xf32> -> vector<2048x64xf32>
    %add3A_184 = arith.addf %add3A_179, %concatenate3A_183 : vector<2048x64xf32>
    %broadcast_in_dim3A_185 = arith.constant 0.000000e+00 : f32
    %broadcast_in_dim3A_186 = vector.broadcast %broadcast_in_dim3A_185 : f32 to vector<2x64xf32>
    %slice3A_187 = vector.extract_strided_slice %add3A_184 {offsets = [0, 0], sizes = [2046, 64], strides = [1, 1]} : vector<2048x64xf32> to vector<2046x64xf32>
    %concatenate3A_188 = tpu.concatenate %broadcast_in_dim3A_186, %slice3A_187 in 0 : vector<2x64xf32>, vector<2046x64xf32> -> vector<2048x64xf32>
    %add3A_189 = arith.addf %add3A_184, %concatenate3A_188 : vector<2048x64xf32>
    %broadcast_in_dim3A_190 = arith.constant 0.000000e+00 : f32
    %broadcast_in_dim3A_191 = vector.broadcast %broadcast_in_dim3A_190 : f32 to vector<4x64xf32>
    %slice3A_192 = vector.extract_strided_slice %add3A_189 {offsets = [0, 0], sizes = [2044, 64], strides = [1, 1]} : vector<2048x64xf32> to vector<2044x64xf32>
    %concatenate3A_193 = tpu.concatenate %broadcast_in_dim3A_191, %slice3A_192 in 0 : vector<4x64xf32>, vector<2044x64xf32> -> vector<2048x64xf32>
    %add3A_194 = arith.addf %add3A_189, %concatenate3A_193 : vector<2048x64xf32>
    %broadcast_in_dim3A_195 = arith.constant 0.000000e+00 : f32
    %broadcast_in_dim3A_196 = vector.broadcast %broadcast_in_dim3A_195 : f32 to vector<8x64xf32>
    %slice3A_197 = vector.extract_strided_slice %add3A_194 {offsets = [0, 0], sizes = [2040, 64], strides = [1, 1]} : vector<2048x64xf32> to vector<2040x64xf32>
    %concatenate3A_198 = tpu.concatenate %broadcast_in_dim3A_196, %slice3A_197 in 0 : vector<8x64xf32>, vector<2040x64xf32> -> vector<2048x64xf32>
    %add3A_199 = arith.addf %add3A_194, %concatenate3A_198 : vector<2048x64xf32>
    %broadcast_in_dim3A_200 = arith.constant 0.000000e+00 : f32
    %broadcast_in_dim3A_201 = vector.broadcast %broadcast_in_dim3A_200 : f32 to vector<16x64xf32>
    %slice3A_202 = vector.extract_strided_slice %add3A_199 {offsets = [0, 0], sizes = [2032, 64], strides = [1, 1]} : vector<2048x64xf32> to vector<2032x64xf32>
    %concatenate3A_203 = tpu.concatenate %broadcast_in_dim3A_201, %slice3A_202 in 0 : vector<16x64xf32>, vector<2032x64xf32> -> vector<2048x64xf32>
    %add3A_204 = arith.addf %add3A_199, %concatenate3A_203 : vector<2048x64xf32>
    %broadcast_in_dim3A_205 = arith.constant 0.000000e+00 : f32
    %broadcast_in_dim3A_206 = vector.broadcast %broadcast_in_dim3A_205 : f32 to vector<32x64xf32>
    %slice3A_207 = vector.extract_strided_slice %add3A_204 {offsets = [0, 0], sizes = [2016, 64], strides = [1, 1]} : vector<2048x64xf32> to vector<2016x64xf32>
    %concatenate3A_208 = tpu.concatenate %broadcast_in_dim3A_206, %slice3A_207 in 0 : vector<32x64xf32>, vector<2016x64xf32> -> vector<2048x64xf32>
    %add3A_209 = arith.addf %add3A_204, %concatenate3A_208 : vector<2048x64xf32>
    %broadcast_in_dim3A_210 = arith.constant 0.000000e+00 : f32
    %broadcast_in_dim3A_211 = vector.broadcast %broadcast_in_dim3A_210 : f32 to vector<64x64xf32>
    %slice3A_212 = vector.extract_strided_slice %add3A_209 {offsets = [0, 0], sizes = [1984, 64], strides = [1, 1]} : vector<2048x64xf32> to vector<1984x64xf32>
    %concatenate3A_213 = tpu.concatenate %broadcast_in_dim3A_211, %slice3A_212 in 0 : vector<64x64xf32>, vector<1984x64xf32> -> vector<2048x64xf32>
    %add3A_214 = arith.addf %add3A_209, %concatenate3A_213 : vector<2048x64xf32>
    %broadcast_in_dim3A_215 = arith.constant 0.000000e+00 : f32
    %broadcast_in_dim3A_216 = vector.broadcast %broadcast_in_dim3A_215 : f32 to vector<128x64xf32>
    %slice3A_217 = vector.extract_strided_slice %add3A_214 {offsets = [0, 0], sizes = [1920, 64], strides = [1, 1]} : vector<2048x64xf32> to vector<1920x64xf32>
    %concatenate3A_218 = tpu.concatenate %broadcast_in_dim3A_216, %slice3A_217 in 0 : vector<128x64xf32>, vector<1920x64xf32> -> vector<2048x64xf32>
    %add3A_219 = arith.addf %add3A_214, %concatenate3A_218 : vector<2048x64xf32>
    %broadcast_in_dim3A_220 = arith.constant 0.000000e+00 : f32
    %broadcast_in_dim3A_221 = vector.broadcast %broadcast_in_dim3A_220 : f32 to vector<256x64xf32>
    %slice3A_222 = vector.extract_strided_slice %add3A_219 {offsets = [0, 0], sizes = [1792, 64], strides = [1, 1]} : vector<2048x64xf32> to vector<1792x64xf32>
    %concatenate3A_223 = tpu.concatenate %broadcast_in_dim3A_221, %slice3A_222 in 0 : vector<256x64xf32>, vector<1792x64xf32> -> vector<2048x64xf32>
    %add3A_224 = arith.addf %add3A_219, %concatenate3A_223 : vector<2048x64xf32>
    %broadcast_in_dim3A_225 = arith.constant 0.000000e+00 : f32
    %broadcast_in_dim3A_226 = vector.broadcast %broadcast_in_dim3A_225 : f32 to vector<512x64xf32>
    %slice3A_227 = vector.extract_strided_slice %add3A_224 {offsets = [0, 0], sizes = [1536, 64], strides = [1, 1]} : vector<2048x64xf32> to vector<1536x64xf32>
    %concatenate3A_228 = tpu.concatenate %broadcast_in_dim3A_226, %slice3A_227 in 0 : vector<512x64xf32>, vector<1536x64xf32> -> vector<2048x64xf32>
    %add3A_229 = arith.addf %add3A_224, %concatenate3A_228 : vector<2048x64xf32>
    %broadcast_in_dim3A_230 = arith.constant 0.000000e+00 : f32
    %broadcast_in_dim3A_231 = vector.broadcast %broadcast_in_dim3A_230 : f32 to vector<1024x64xf32>
    %slice3A_232 = vector.extract_strided_slice %add3A_229 {offsets = [0, 0], sizes = [1024, 64], strides = [1, 1]} : vector<2048x64xf32> to vector<1024x64xf32>
    %concatenate3A_233 = tpu.concatenate %broadcast_in_dim3A_231, %slice3A_232 in 0 : vector<1024x64xf32>, vector<1024x64xf32> -> vector<2048x64xf32>
    %add3A_234 = arith.addf %add3A_229, %concatenate3A_233 : vector<2048x64xf32>
    %broadcast_in_dim3A_235 = arith.constant 0.000000e+00 : f32
    %broadcast_in_dim3A_236 = vector.broadcast %broadcast_in_dim3A_235 : f32 to vector<1x64xf32>
    %slice3A_237 = vector.extract_strided_slice %add3A_234 {offsets = [0, 0], sizes = [2047, 64], strides = [1, 1]} : vector<2048x64xf32> to vector<2047x64xf32>
    %concatenate3A_238 = tpu.concatenate %broadcast_in_dim3A_236, %slice3A_237 in 0 : vector<1x64xf32>, vector<2047x64xf32> -> vector<2048x64xf32>
    %slice3A_239 = vector.extract_strided_slice %add3A_234 {offsets = [2047, 0], sizes = [1, 64], strides = [1, 1]} : vector<2048x64xf32> to vector<1x64xf32>
    %convert_element_type3A_240 = arith.fptosi %slice3A_239 : vector<1x64xf32> to vector<1x64xi32>
    %add3A_241 = arith.constant 127 : i32
    %add3A_242 = vector.broadcast %add3A_241 : i32 to vector<1x64xi32>
    %add3A_243 = arith.addi %convert_element_type3A_240, %add3A_242 : vector<1x64xi32>
    %shift_right_arithmetic3A = arith.constant 7 : i32
    %shift_right_arithmetic3A_244 = vector.broadcast %shift_right_arithmetic3A : i32 to vector<1x64xi32>
    %shift_right_arithmetic3A_245 = arith.shrsi %add3A_243, %shift_right_arithmetic3A_244 : vector<1x64xi32>
    %broadcast_in_dim3A_246 = arith.constant 0 : i32
    %broadcast_in_dim3A_247 = vector.broadcast %broadcast_in_dim3A_246 : i32 to vector<1x1xi32>
    %slice3A_248 = vector.extract_strided_slice %shift_right_arithmetic3A_245 {offsets = [0, 0], sizes = [1, 63], strides = [1, 1]} : vector<1x64xi32> to vector<1x63xi32>
    %concatenate3A_249 = tpu.concatenate %broadcast_in_dim3A_247, %slice3A_248 in 1 : vector<1x1xi32>, vector<1x63xi32> -> vector<1x64xi32>
    %add3A_250 = arith.addi %shift_right_arithmetic3A_245, %concatenate3A_249 : vector<1x64xi32>
    %broadcast_in_dim3A_251 = arith.constant 0 : i32
    %broadcast_in_dim3A_252 = vector.broadcast %broadcast_in_dim3A_251 : i32 to vector<1x2xi32>
    %slice3A_253 = vector.extract_strided_slice %add3A_250 {offsets = [0, 0], sizes = [1, 62], strides = [1, 1]} : vector<1x64xi32> to vector<1x62xi32>
    %concatenate3A_254 = tpu.concatenate %broadcast_in_dim3A_252, %slice3A_253 in 1 : vector<1x2xi32>, vector<1x62xi32> -> vector<1x64xi32>
    %add3A_255 = arith.addi %add3A_250, %concatenate3A_254 : vector<1x64xi32>
    %broadcast_in_dim3A_256 = arith.constant 0 : i32
    %broadcast_in_dim3A_257 = vector.broadcast %broadcast_in_dim3A_256 : i32 to vector<1x4xi32>
    %slice3A_258 = vector.extract_strided_slice %add3A_255 {offsets = [0, 0], sizes = [1, 60], strides = [1, 1]} : vector<1x64xi32> to vector<1x60xi32>
    %concatenate3A_259 = tpu.concatenate %broadcast_in_dim3A_257, %slice3A_258 in 1 : vector<1x4xi32>, vector<1x60xi32> -> vector<1x64xi32>
    %add3A_260 = arith.addi %add3A_255, %concatenate3A_259 : vector<1x64xi32>
    %broadcast_in_dim3A_261 = arith.constant 0 : i32
    %broadcast_in_dim3A_262 = vector.broadcast %broadcast_in_dim3A_261 : i32 to vector<1x8xi32>
    %slice3A_263 = vector.extract_strided_slice %add3A_260 {offsets = [0, 0], sizes = [1, 56], strides = [1, 1]} : vector<1x64xi32> to vector<1x56xi32>
    %concatenate3A_264 = tpu.concatenate %broadcast_in_dim3A_262, %slice3A_263 in 1 : vector<1x8xi32>, vector<1x56xi32> -> vector<1x64xi32>
    %add3A_265 = arith.addi %add3A_260, %concatenate3A_264 : vector<1x64xi32>
    %broadcast_in_dim3A_266 = arith.constant 0 : i32
    %broadcast_in_dim3A_267 = vector.broadcast %broadcast_in_dim3A_266 : i32 to vector<1x16xi32>
    %slice3A_268 = vector.extract_strided_slice %add3A_265 {offsets = [0, 0], sizes = [1, 48], strides = [1, 1]} : vector<1x64xi32> to vector<1x48xi32>
    %concatenate3A_269 = tpu.concatenate %broadcast_in_dim3A_267, %slice3A_268 in 1 : vector<1x16xi32>, vector<1x48xi32> -> vector<1x64xi32>
    %add3A_270 = arith.addi %add3A_265, %concatenate3A_269 : vector<1x64xi32>
    %broadcast_in_dim3A_271 = arith.constant 0 : i32
    %broadcast_in_dim3A_272 = vector.broadcast %broadcast_in_dim3A_271 : i32 to vector<1x32xi32>
    %slice3A_273 = vector.extract_strided_slice %add3A_270 {offsets = [0, 0], sizes = [1, 32], strides = [1, 1]} : vector<1x64xi32> to vector<1x32xi32>
    %concatenate3A_274 = tpu.concatenate %broadcast_in_dim3A_272, %slice3A_273 in 1 : vector<1x32xi32>, vector<1x32xi32> -> vector<1x64xi32>
    %add3A_275 = arith.addi %add3A_270, %concatenate3A_274 : vector<1x64xi32>
    %sub3A = arith.subi %add3A_275, %shift_right_arithmetic3A_245 : vector<1x64xi32>
    %reduce_sum3A = arith.constant dense<0> : vector<1xi32>
    %reduce_sum3A_276 = vector.multi_reduction <add>, %shift_right_arithmetic3A_245, %reduce_sum3A [1] : vector<1x64xi32> to vector<1xi32>
    %broadcast_in_dim3A_277 = vector.shape_cast %reduce_sum3A_276 : vector<1xi32> to vector<1x1xi32>
    %mul3A_278 = arith.constant 128 : i32
    %mul3A_279 = vector.broadcast %mul3A_278 : i32 to vector<1x64xi32>
    %mul3A_280 = arith.muli %sub3A, %mul3A_279 : vector<1x64xi32>
    %convert_element_type3A_281 = arith.sitofp %mul3A_280 : vector<1x64xi32> to vector<1x64xf32>
    %mul3A_282 = arith.mulf %concatenate3A_238, %convert_element_type3A_154 : vector<2048x64xf32>
    %reduce_sum3A_283 = arith.constant dense<0.000000e+00> : vector<2048xf32>
    %reduce_sum3A_284 = vector.multi_reduction <add>, %mul3A_282, %reduce_sum3A_283 [1] : vector<2048x64xf32> to vector<2048xf32>
    %broadcast_in_dim3A_285 = vector.shape_cast %reduce_sum3A_284 : vector<2048xf32> to vector<2048x1xf32>
    %mul3A_286 = vector.broadcast %convert_element_type3A_281 : vector<1x64xf32> to vector<2048x64xf32>
    %mul3A_287 = arith.mulf %mul3A_286, %convert_element_type3A_154 : vector<2048x64xf32>
    %reduce_sum3A_288 = arith.constant dense<0.000000e+00> : vector<2048xf32>
    %reduce_sum3A_289 = vector.multi_reduction <add>, %mul3A_287, %reduce_sum3A_288 [1] : vector<2048x64xf32> to vector<2048xf32>
    %broadcast_in_dim3A_290 = vector.shape_cast %reduce_sum3A_289 : vector<2048xf32> to vector<2048x1xf32>
    %add3A_291 = arith.addf %broadcast_in_dim3A_290, %broadcast_in_dim3A_285 : vector<2048x1xf32>
    %convert_element_type3A_292 = arith.fptosi %add3A_291 : vector<2048x1xf32> to vector<2048x1xi32>
    %mul3A_293 = arith.mulf %concatenate3A_238, %convert_element_type3A_174 : vector<2048x64xf32>
    %reduce_sum3A_294 = arith.constant dense<0.000000e+00> : vector<2048xf32>
    %reduce_sum3A_295 = vector.multi_reduction <add>, %mul3A_293, %reduce_sum3A_294 [1] : vector<2048x64xf32> to vector<2048xf32>
    %broadcast_in_dim3A_296 = vector.shape_cast %reduce_sum3A_295 : vector<2048xf32> to vector<2048x1xf32>
    %mul3A_297 = vector.broadcast %convert_element_type3A_281 : vector<1x64xf32> to vector<2048x64xf32>
    %mul3A_298 = arith.mulf %mul3A_297, %convert_element_type3A_174 : vector<2048x64xf32>
    %reduce_sum3A_299 = arith.constant dense<0.000000e+00> : vector<2048xf32>
    %reduce_sum3A_300 = vector.multi_reduction <add>, %mul3A_298, %reduce_sum3A_299 [1] : vector<2048x64xf32> to vector<2048xf32>
    %broadcast_in_dim3A_301 = vector.shape_cast %reduce_sum3A_300 : vector<2048xf32> to vector<2048x1xf32>
    %add3A_302 = arith.addf %broadcast_in_dim3A_301, %broadcast_in_dim3A_296 : vector<2048x1xf32>
    %convert_element_type3A_303 = arith.fptosi %add3A_302 : vector<2048x1xf32> to vector<2048x1xi32>
    %swap3A = arith.constant 0 : index
    %swap3A_304 = arith.constant 0 : index
    %swap3A_305 = vector.load %arg3[%swap3A, %swap3A_304] : memref<2048x1xi32, #tpu.memory_space<vmem>>, vector<2048x1xi32>
    tpu.vector_store %arg3[%swap3A, %swap3A_304], %convert_element_type3A_292 {strides = array<i32>} : memref<2048x1xi32, #tpu.memory_space<vmem>>, vector<2048x1xi32>,
    %swap3A_306 = arith.constant 0 : index
    %swap3A_307 = arith.constant 0 : index
    %swap3A_308 = vector.load %arg4[%swap3A_306, %swap3A_307] : memref<2048x1xi32, #tpu.memory_space<vmem>>, vector<2048x1xi32>
    tpu.vector_store %arg4[%swap3A_306, %swap3A_307], %convert_element_type3A_303 {strides = array<i32>} : memref<2048x1xi32, #tpu.memory_space<vmem>>, vector<2048x1xi32>,
    %div3A = arith.divf %broadcast_in_dim3A_142, %add3A_178 : vector<2048x1xf32>
    %swap3A_309 = arith.constant 0 : index
    %swap3A_310 = arith.constant 0 : index
    %swap3A_311 = vector.load %arg5[%swap3A_309, %swap3A_310] : memref<2048x1xf32, #tpu.memory_space<vmem>>, vector<2048x1xf32>
    tpu.vector_store %arg5[%swap3A_309, %swap3A_310], %div3A {strides = array<i32>} : memref<2048x1xf32, #tpu.memory_space<vmem>>, vector<2048x1xf32>,
    %div3A_312 = arith.divf %broadcast_in_dim3A_162, %add3A_178 : vector<2048x1xf32>
    %swap3A_313 = arith.constant 0 : index
    %swap3A_314 = arith.constant 0 : index
    %swap3A_315 = vector.load %arg6[%swap3A_313, %swap3A_314] : memref<2048x1xf32, #tpu.memory_space<vmem>>, vector<2048x1xf32>
    tpu.vector_store %arg6[%swap3A_313, %swap3A_314], %div3A_312 {strides = array<i32>} : memref<2048x1xf32, #tpu.memory_space<vmem>>, vector<2048x1xf32>,
    %iota3A_316 = tpu.iota {dimensions = array<i32: 1>} : vector<1x128xi32>
    %sub3A_317 = arith.constant 1 : i32
    %sub3A_318 = vector.broadcast %sub3A_317 : i32 to vector<1x1xi32>
    %sub3A_319 = arith.subi %broadcast_in_dim3A_277, %sub3A_318 : vector<1x1xi32>
    %min3A = vector.broadcast %sub3A_319 : vector<1x1xi32> to vector<1x128xi32>
    %min3A_320 = arith.minsi %iota3A_316, %min3A : vector<1x128xi32>
    %iota3A_321 = tpu.iota {dimensions = array<i32: 0>} : vector<64x64xi32>
    %iota3A_322 = tpu.iota {dimensions = array<i32: 1>} : vector<64x64xi32>
    %eq3A_323 = arith.cmpi eq, %iota3A_321, %iota3A_322 : vector<64x64xi32>
    %convert_element_type3A_324 = arith.extui %eq3A_323 : vector<64x64xi1> to vector<64x64xi32>
    %mul3A_325 = vector.broadcast %sub3A : vector<1x64xi32> to vector<64x64xi32>
    %mul3A_326 = arith.muli %mul3A_325, %convert_element_type3A_324 : vector<64x64xi32>
    %reduce_sum3A_327 = arith.constant dense<0> : vector<64xi32>
    %reduce_sum3A_328 = vector.multi_reduction <add>, %mul3A_326, %reduce_sum3A_327 [1] : vector<64x64xi32> to vector<64xi32>
    %broadcast_in_dim3A_329 = vector.shape_cast %reduce_sum3A_328 : vector<64xi32> to vector<64x1xi32>
    %le3A = vector.broadcast %broadcast_in_dim3A_329 : vector<64x1xi32> to vector<64x128xi32>
    %le3A_330 = vector.broadcast %min3A_320 : vector<1x128xi32> to vector<64x128xi32>
    %le3A_331 = arith.cmpi sle, %le3A, %le3A_330 : vector<64x128xi32>
    %convert_element_type3A_332 = arith.extui %le3A_331 : vector<64x128xi1> to vector<64x128xi32>
    %reduce_sum3A_333 = arith.constant dense<0> : vector<128xi32>
    %reduce_sum3A_334 = vector.multi_reduction <add>, %convert_element_type3A_332, %reduce_sum3A_333 [0] : vector<64x128xi32> to vector<128xi32>
    %broadcast_in_dim3A_335 = vector.shape_cast %reduce_sum3A_334 : vector<128xi32> to vector<1x128xi32>
    %sub3A_336 = arith.constant 1 : i32
    %sub3A_337 = vector.broadcast %sub3A_336 : i32 to vector<1x128xi32>
    %sub3A_338 = arith.subi %broadcast_in_dim3A_335, %sub3A_337 : vector<1x128xi32>
    %swap3A_339 = arith.constant 0 : index
    %swap3A_340 = arith.constant 0 : index
    %swap3A_341 = vector.load %arg7[%swap3A_339, %swap3A_340] : memref<1x128xi32, #tpu.memory_space<vmem>>, vector<1x128xi32>
    tpu.vector_store %arg7[%swap3A_339, %swap3A_340], %sub3A_338 {strides = array<i32>} : memref<1x128xi32, #tpu.memory_space<vmem>>, vector<1x128xi32>,
    %swap3A_342 = arith.constant 0 : index
    %swap3A_343 = arith.constant 0 : index
    %swap3A_344 = vector.load %arg8[%swap3A_342, %swap3A_343] : memref<1x1xi32, #tpu.memory_space<vmem>>, vector<1x1xi32>
    tpu.vector_store %arg8[%swap3A_342, %swap3A_343], %broadcast_in_dim3A_277 {strides = array<i32>} : memref<1x1xi32, #tpu.memory_space<vmem>>, vector<1x1xi32>,
    return
  }
}

module attributes {stable_mosaic.version = 14 : i64} {
  func.func @_shared_kernel(%arg0: memref<2048x1024xf32, #tpu.memory_space<vmem>>, %arg1: memref<1024x512xf32, #tpu.memory_space<vmem>>, %arg2: memref<1024x512xf32, #tpu.memory_space<vmem>>, %arg3: memref<512x1024xf32, #tpu.memory_space<vmem>>, %arg4: memref<2048x1024xf32, #tpu.memory_space<vmem>>) attributes {dimension_semantics = [], scalar_prefetch = 0 : i64, scratch_operands = 0 : i64, tpu.core_type = #tpu.core_type<tc>} {
    %get3A = arith.constant 0 : index
    %get3A_0 = arith.constant 0 : index
    %get3A_1 = vector.load %arg0[%get3A, %get3A_0] : memref<2048x1024xf32, #tpu.memory_space<vmem>>, vector<2048x1024xf32>
    %convert_element_type3A = arith.truncf %get3A_1 : vector<2048x1024xf32> to vector<2048x1024xbf16>
    %get3A_2 = arith.constant 0 : index
    %get3A_3 = arith.constant 0 : index
    %get3A_4 = vector.load %arg1[%get3A_2, %get3A_3] : memref<1024x512xf32, #tpu.memory_space<vmem>>, vector<1024x512xf32>
    %convert_element_type3A_5 = arith.truncf %get3A_4 : vector<1024x512xf32> to vector<1024x512xbf16>
    %dot_general3A = arith.constant dense<0.000000e+00> : vector<2048x512xf32>
    %dot_general3A_6 = tpu.matmul %convert_element_type3A, %convert_element_type3A_5, %dot_general3A {dimension_numbers = #tpu.dot_dimension_numbers<[1], [0], [0], [1], [0, 0, 1, 1], [], []>, transpose_lhs_hint = false} : vector<2048x1024xbf16>, vector<1024x512xbf16>, vector<2048x512xf32> -> vector<2048x512xf32>
    %get3A_7 = arith.constant 0 : index
    %get3A_8 = arith.constant 0 : index
    %get3A_9 = vector.load %arg2[%get3A_7, %get3A_8] : memref<1024x512xf32, #tpu.memory_space<vmem>>, vector<1024x512xf32>
    %convert_element_type3A_10 = arith.truncf %get3A_9 : vector<1024x512xf32> to vector<1024x512xbf16>
    %dot_general3A_11 = arith.constant dense<0.000000e+00> : vector<2048x512xf32>
    %dot_general3A_12 = tpu.matmul %convert_element_type3A, %convert_element_type3A_10, %dot_general3A_11 {dimension_numbers = #tpu.dot_dimension_numbers<[1], [0], [0], [1], [0, 0, 1, 1], [], []>, transpose_lhs_hint = false} : vector<2048x1024xbf16>, vector<1024x512xbf16>, vector<2048x512xf32> -> vector<2048x512xf32>
    %logistic3A = arith.negf %dot_general3A_6 : vector<2048x512xf32>
    %logistic3A_13 = math.exp %logistic3A : vector<2048x512xf32>
    %logistic3A_14 = arith.constant 1.000000e+00 : f32
    %logistic3A_15 = vector.broadcast %logistic3A_14 : f32 to vector<2048x512xf32>
    %logistic3A_16 = arith.addf %logistic3A_15, %logistic3A_13 : vector<2048x512xf32>
    %logistic3A_17 = arith.divf %logistic3A_15, %logistic3A_16 : vector<2048x512xf32>
    %mul3A = arith.mulf %dot_general3A_6, %logistic3A_17 : vector<2048x512xf32>
    %mul3A_18 = arith.mulf %mul3A, %dot_general3A_12 : vector<2048x512xf32>
    %convert_element_type3A_19 = arith.truncf %mul3A_18 : vector<2048x512xf32> to vector<2048x512xbf16>
    %get3A_20 = arith.constant 0 : index
    %get3A_21 = arith.constant 0 : index
    %get3A_22 = vector.load %arg3[%get3A_20, %get3A_21] : memref<512x1024xf32, #tpu.memory_space<vmem>>, vector<512x1024xf32>
    %convert_element_type3A_23 = arith.truncf %get3A_22 : vector<512x1024xf32> to vector<512x1024xbf16>
    %dot_general3A_24 = arith.constant dense<0.000000e+00> : vector<2048x1024xf32>
    %dot_general3A_25 = tpu.matmul %convert_element_type3A_19, %convert_element_type3A_23, %dot_general3A_24 {dimension_numbers = #tpu.dot_dimension_numbers<[1], [0], [0], [1], [0, 0, 1, 1], [], []>, transpose_lhs_hint = false} : vector<2048x512xbf16>, vector<512x1024xbf16>, vector<2048x1024xf32> -> vector<2048x1024xf32>
    %swap3A = arith.constant 0 : index
    %swap3A_26 = arith.constant 0 : index
    %swap3A_27 = vector.load %arg4[%swap3A, %swap3A_26] : memref<2048x1024xf32, #tpu.memory_space<vmem>>, vector<2048x1024xf32>
    tpu.vector_store %arg4[%swap3A, %swap3A_26], %dot_general3A_25 {strides = array<i32>} : memref<2048x1024xf32, #tpu.memory_space<vmem>>, vector<2048x1024xf32>,
    return
  }
}

module attributes {stable_mosaic.version = 14 : i64} {
  func.func @_gemm_kernel(%arg0: i32, %arg1: memref<128xi32, #tpu.memory_space<smem>>, %arg2: memref<1xi32, #tpu.memory_space<smem>>, %arg3: memref<128x1024xf32, #tpu.memory_space<vmem>>, %arg4: memref<1x1024x256xf32, #tpu.memory_space<vmem>>, %arg5: memref<1x1024x256xf32, #tpu.memory_space<vmem>>, %arg6: memref<1x256x1024xf32, #tpu.memory_space<vmem>>, %arg7: memref<1x1x128xf32, #tpu.memory_space<vmem>>, %arg8: memref<128x1024xf32, #tpu.memory_space<vmem>>) attributes {dimension_semantics = [#tpu.dimension_semantics<arbitrary>], iteration_bounds = array<i64: 96>, scalar_prefetch = 2 : i64, scratch_operands = 0 : i64, tpu.core_type = #tpu.core_type<tc>, window_params = [{transform_indices = @transform_0, window_bounds = array<i64: 128, 1024>}, {transform_indices = @transform_1, window_bounds = array<i64: 1, 1024, 256>}, {transform_indices = @transform_2, window_bounds = array<i64: 1, 1024, 256>}, {transform_indices = @transform_3, window_bounds = array<i64: 1, 256, 1024>}, {transform_indices = @transform_4, window_bounds = array<i64: 1, 1, 128>}, {transform_indices = @transform_5, window_bounds = array<i64: 128, 1024>}]} {
    %get3A = arith.constant 0 : index
    %get3A_0 = memref.load %arg2[%get3A] : memref<1xi32, #tpu.memory_space<smem>>
    %lt3A = arith.cmpi slt, %arg0, %get3A_0 : i32
    %convert_element_type3A = arith.extui %lt3A : i1 to i32
    %cond3A = arith.constant 0 : i32
    %cond3A_1 = arith.cmpi ne, %convert_element_type3A, %cond3A : i32
    scf.if %cond3A_1 {
      %get3A_2 = arith.constant 0 : index
      %get3A_3 = arith.constant 0 : index
      %get3A_4 = vector.load %arg3[%get3A_2, %get3A_3] : memref<128x1024xf32, #tpu.memory_space<vmem>>, vector<128x1024xf32>
      %convert_element_type3A_5 = arith.truncf %get3A_4 : vector<128x1024xf32> to vector<128x1024xbf16>
      %get3A_6 = arith.constant 0 : index
      %get3A_7 = arith.constant 0 : index
      %get3A_8 = arith.constant 0 : index
      %get3A_9 = vector.load %arg4[%get3A_6, %get3A_7, %get3A_8] : memref<1x1024x256xf32, #tpu.memory_space<vmem>>, vector<1x1024x256xf32>
      %get3A_10 = vector.shape_cast %get3A_9 : vector<1x1024x256xf32> to vector<1024x256xf32>
      %convert_element_type3A_11 = arith.truncf %get3A_10 : vector<1024x256xf32> to vector<1024x256xbf16>
      %dot_general3A = arith.constant dense<0.000000e+00> : vector<128x256xf32>
      %dot_general3A_12 = tpu.matmul %convert_element_type3A_5, %convert_element_type3A_11, %dot_general3A {dimension_numbers = #tpu.dot_dimension_numbers<[1], [0], [0], [1], [0, 0, 1, 1], [], []>, transpose_lhs_hint = false} : vector<128x1024xbf16>, vector<1024x256xbf16>, vector<128x256xf32> -> vector<128x256xf32>
      %get3A_13 = arith.constant 0 : index
      %get3A_14 = arith.constant 0 : index
      %get3A_15 = arith.constant 0 : index
      %get3A_16 = vector.load %arg5[%get3A_13, %get3A_14, %get3A_15] : memref<1x1024x256xf32, #tpu.memory_space<vmem>>, vector<1x1024x256xf32>
      %get3A_17 = vector.shape_cast %get3A_16 : vector<1x1024x256xf32> to vector<1024x256xf32>
      %convert_element_type3A_18 = arith.truncf %get3A_17 : vector<1024x256xf32> to vector<1024x256xbf16>
      %dot_general3A_19 = arith.constant dense<0.000000e+00> : vector<128x256xf32>
      %dot_general3A_20 = tpu.matmul %convert_element_type3A_5, %convert_element_type3A_18, %dot_general3A_19 {dimension_numbers = #tpu.dot_dimension_numbers<[1], [0], [0], [1], [0, 0, 1, 1], [], []>, transpose_lhs_hint = false} : vector<128x1024xbf16>, vector<1024x256xbf16>, vector<128x256xf32> -> vector<128x256xf32>
      %logistic3A = arith.negf %dot_general3A_12 : vector<128x256xf32>
      %logistic3A_21 = math.exp %logistic3A : vector<128x256xf32>
      %logistic3A_22 = arith.constant 1.000000e+00 : f32
      %logistic3A_23 = vector.broadcast %logistic3A_22 : f32 to vector<128x256xf32>
      %logistic3A_24 = arith.addf %logistic3A_23, %logistic3A_21 : vector<128x256xf32>
      %logistic3A_25 = arith.divf %logistic3A_23, %logistic3A_24 : vector<128x256xf32>
      %mul3A = arith.mulf %dot_general3A_12, %logistic3A_25 : vector<128x256xf32>
      %mul3A_26 = arith.mulf %mul3A, %dot_general3A_20 : vector<128x256xf32>
      %convert_element_type3A_27 = arith.truncf %mul3A_26 : vector<128x256xf32> to vector<128x256xbf16>
      %get3A_28 = arith.constant 0 : index
      %get3A_29 = arith.constant 0 : index
      %get3A_30 = arith.constant 0 : index
      %get3A_31 = vector.load %arg6[%get3A_28, %get3A_29, %get3A_30] : memref<1x256x1024xf32, #tpu.memory_space<vmem>>, vector<1x256x1024xf32>
      %get3A_32 = vector.shape_cast %get3A_31 : vector<1x256x1024xf32> to vector<256x1024xf32>
      %convert_element_type3A_33 = arith.truncf %get3A_32 : vector<256x1024xf32> to vector<256x1024xbf16>
      %dot_general3A_34 = arith.constant dense<0.000000e+00> : vector<128x1024xf32>
      %dot_general3A_35 = tpu.matmul %convert_element_type3A_27, %convert_element_type3A_33, %dot_general3A_34 {dimension_numbers = #tpu.dot_dimension_numbers<[1], [0], [0], [1], [0, 0, 1, 1], [], []>, transpose_lhs_hint = false} : vector<128x256xbf16>, vector<256x1024xbf16>, vector<128x1024xf32> -> vector<128x1024xf32>
      %iota3A = tpu.iota {dimensions = array<i32: 0>} : vector<128x128xi32>
      %iota3A_36 = tpu.iota {dimensions = array<i32: 1>} : vector<128x128xi32>
      %eq3A = arith.cmpi eq, %iota3A, %iota3A_36 : vector<128x128xi32>
      %convert_element_type3A_37 = arith.extui %eq3A : vector<128x128xi1> to vector<128x128xi32>
      %convert_element_type3A_38 = arith.sitofp %convert_element_type3A_37 : vector<128x128xi32> to vector<128x128xf32>
      %get3A_39 = arith.constant 0 : index
      %get3A_40 = arith.constant 0 : index
      %get3A_41 = arith.constant 0 : index
      %get3A_42 = vector.load %arg7[%get3A_39, %get3A_40, %get3A_41] : memref<1x1x128xf32, #tpu.memory_space<vmem>>, vector<1x1x128xf32>
      %get3A_43 = vector.shape_cast %get3A_42 : vector<1x1x128xf32> to vector<1x128xf32>
      %mul3A_44 = vector.broadcast %get3A_43 : vector<1x128xf32> to vector<128x128xf32>
      %mul3A_45 = arith.mulf %mul3A_44, %convert_element_type3A_38 : vector<128x128xf32>
      %reduce_sum3A = arith.constant dense<0.000000e+00> : vector<128xf32>
      %reduce_sum3A_46 = vector.multi_reduction <add>, %mul3A_45, %reduce_sum3A [1] : vector<128x128xf32> to vector<128xf32>
      %broadcast_in_dim3A = vector.shape_cast %reduce_sum3A_46 : vector<128xf32> to vector<128x1xf32>
      %mul3A_47 = vector.broadcast %broadcast_in_dim3A : vector<128x1xf32> to vector<128x1024xf32>
      %mul3A_48 = arith.mulf %dot_general3A_35, %mul3A_47 : vector<128x1024xf32>
      %swap3A = arith.constant 0 : index
      %swap3A_49 = arith.constant 0 : index
      %swap3A_50 = vector.load %arg8[%swap3A, %swap3A_49] : memref<128x1024xf32, #tpu.memory_space<vmem>>, vector<128x1024xf32>
      tpu.vector_store %arg8[%swap3A, %swap3A_49], %mul3A_48 {strides = array<i32>} : memref<128x1024xf32, #tpu.memory_space<vmem>>, vector<128x1024xf32>,
    } else {
    }
    return
  }
  func.func @transform_0(%arg0: i32, %arg1: memref<128xi32, #tpu.memory_space<smem>>, %arg2: memref<1xi32, #tpu.memory_space<smem>>) -> (i32, i32) {
    %get3A = arith.constant 0 : index
    %get3A_0 = memref.load %arg2[%get3A] : memref<1xi32, #tpu.memory_space<smem>>
    %sub3A = arith.constant 1 : i32
    %sub3A_1 = arith.subi %get3A_0, %sub3A : i32
    %min3A = arith.minsi %arg0, %sub3A_1 : i32
    %c0_i32 = arith.constant 0 : i32
    %c0_i32_2 = arith.constant 0 : i32
    return %min3A, %c0_i32 : i32, i32
  }
  func.func @transform_1(%arg0: i32, %arg1: memref<128xi32, #tpu.memory_space<smem>>, %arg2: memref<1xi32, #tpu.memory_space<smem>>) -> (i32, i32, i32) {
    %get3A = arith.index_cast %arg0 : i32 to index
    %get3A_0 = memref.load %arg1[%get3A] : memref<128xi32, #tpu.memory_space<smem>>
    %c0_i32 = arith.constant 0 : i32
    %c0_i32_1 = arith.constant 0 : i32
    %c0_i32_2 = arith.constant 0 : i32
    return %get3A_0, %c0_i32, %c0_i32_1 : i32, i32, i32
  }
  func.func @transform_2(%arg0: i32, %arg1: memref<128xi32, #tpu.memory_space<smem>>, %arg2: memref<1xi32, #tpu.memory_space<smem>>) -> (i32, i32, i32) {
    %get3A = arith.index_cast %arg0 : i32 to index
    %get3A_0 = memref.load %arg1[%get3A] : memref<128xi32, #tpu.memory_space<smem>>
    %c0_i32 = arith.constant 0 : i32
    %c0_i32_1 = arith.constant 0 : i32
    %c0_i32_2 = arith.constant 0 : i32
    return %get3A_0, %c0_i32, %c0_i32_1 : i32, i32, i32
  }
  func.func @transform_3(%arg0: i32, %arg1: memref<128xi32, #tpu.memory_space<smem>>, %arg2: memref<1xi32, #tpu.memory_space<smem>>) -> (i32, i32, i32) {
    %get3A = arith.index_cast %arg0 : i32 to index
    %get3A_0 = memref.load %arg1[%get3A] : memref<128xi32, #tpu.memory_space<smem>>
    %c0_i32 = arith.constant 0 : i32
    %c0_i32_1 = arith.constant 0 : i32
    %c0_i32_2 = arith.constant 0 : i32
    return %get3A_0, %c0_i32, %c0_i32_1 : i32, i32, i32
  }
  func.func @transform_4(%arg0: i32, %arg1: memref<128xi32, #tpu.memory_space<smem>>, %arg2: memref<1xi32, #tpu.memory_space<smem>>) -> (i32, i32, i32) {
    %get3A = arith.constant 0 : index
    %get3A_0 = memref.load %arg2[%get3A] : memref<1xi32, #tpu.memory_space<smem>>
    %sub3A = arith.constant 1 : i32
    %sub3A_1 = arith.subi %get3A_0, %sub3A : i32
    %min3A = arith.minsi %arg0, %sub3A_1 : i32
    %c0_i32 = arith.constant 0 : i32
    %c0_i32_2 = arith.constant 0 : i32
    %c0_i32_3 = arith.constant 0 : i32
    return %min3A, %c0_i32, %c0_i32_2 : i32, i32, i32
  }
  func.func @transform_5(%arg0: i32, %arg1: memref<128xi32, #tpu.memory_space<smem>>, %arg2: memref<1xi32, #tpu.memory_space<smem>>) -> (i32, i32) {
    %get3A = arith.constant 0 : index
    %get3A_0 = memref.load %arg2[%get3A] : memref<1xi32, #tpu.memory_space<smem>>
    %lt3A = arith.cmpi slt, %arg0, %get3A_0 : i32
    %jit3A = arith.constant 95 : i32
    %select_n3A = arith.select %lt3A, %arg0, %jit3A : i32
    %c0_i32 = arith.constant 0 : i32
    %c0_i32_1 = arith.constant 0 : i32
    return %select_n3A, %c0_i32 : i32, i32
  }
}

</mosaic_0001>

<sc_bundles>
// kernel: kernel.10.cloned.1.call-start
scs
__scs_entry_jumppad:
0x0: {  	(pc) =	sbr.rel $0x88, $3  }
0x1: {  	(tag) =	ssettag $0x0;
	lr =	simm.s32 $0x1  }
0x2: {  	[smem:$0x3F98] =	sst lr;
	_ =	strace $0xD0000000  }
0x3: {  	_ = 	snop  }
0x4: {  	_ = 	snop  }
0x5: {  	_ = 	snop  }
0x6: {  	_ = 	snop  }
0x7: {  	_ = 	snop  }
__scs_overlays_trampoline_lowered:
0x8: {  	[smem:$0x3FA7] =	sst s0  }
0x9: {  	[smem:$0x3FA8] =	sst s1  }
0xa: {  	[smem:$0x3FA9] =	sst s2  }
0xb: {  	[smem:$0x3FAA] =	sst s3  }
0xc: {  	[smem:$0x3FAB] =	sst s4  }
0xd: {  	[smem:$0x3FAC] =	sst s5  }
0xe: {  	[smem:$0x3FAD] =	sst s6  }
0xf: {  	[smem:$0x3FAE] =	sst s7  }
0x10: {  	[smem:$0x3FAF] =	sst s8  }
0x11: {  	[smem:$0x3FB0] =	sst s9;
	s0 =	simm.s32 @!p0 $0x0  }
0x12: {  	s1 =	sld [smem:$0x3F96];
	s0 =	simm.s32 @p0 $0x1  }
0x13: {  	[smem:$0x3FB1] =	sst s0;
	s0 =	simm.s32 @!p1 $0x0  }
0x14: {  	s2 =	sld [smem:$0x3F95];
	s0 =	simm.s32 @p1 $0x1  }
0x15: {  	[smem:$0x3FB2] =	sst s0;
	s0 =	simm.s32 @!p2 $0x0  }
0x16: {  	s3 =	sld [smem:$0x3FDB];
	s0 =	simm.s32 @p2 $0x1  }
0x17: {  	s4 =	simm.s32 $0x1BF5;
	[smem:$0x3FB4] =	sst s0  }
0x18: {  	s0 =	sld [smem:$0x3F97];
	_ =	swait.ge [sflag:s4], $0x0  }
0x19: {  	s7 =	sld [smem:$0x3F98]  }
0x1a: {  	s8 =	sadd.s32 $0xFFFFE003, lr  }
0x1b: {  	s9 =	sadd.s32 $0xFFFFFEF7, lr;
	s5 =	simm.s32 $0xFFFFFFFF;
	p2 =	slt.u32 s8, $0xFFFFF086  }
0x1c: {  	p1 =	slt.u32 s9, $0xF7A;
	s5 =	simm.s32 @!p2 $0x0  }
0x1d: {  	s5 =	simm.s32 @p1 $0x1;
	p0 =	seq.s32 s7, s2  }
0x1e: {  	s7 =	smul.u32 @!p0 $0xF7A, s2;
	p2 =	seq.s32 @!p0 s5, $0x0  }
0x1f: {  	s9 =	smul.u32 $0xF7A, s1;
	s8 =	simm.s32 @!p0 $0x1BF5;
	p2 =	por !p2, p0  }
0x20: {  	[sflag:s8] =	ssyncset.s32 @!p0 $0xFFFFF086;
	s6 =	sadd.s32 @!p0 s3, s7;
	s7 =	simm.s32 @!p0 $0x108  }
0x21: {  	s3 =	sadd.s32 s3, s9;
	s6 =	sadd.s32 @!p0 $0x88, s6;
	s7 =	simm.s32 @p2 $0x1082  }
0x22: {  	[simem:s7], [sflag:s8] =	dma.local @!p0 [hbm:s6], $0xF7A  }
0x23: {  	s9 =	sor.u32 $0xD0000000, s2;
	s6 =	simm.s32 $0x108;
	_ =	swait.ge @!p0 [sflag:s8], $0x0  }
0x24: {  	s3 =	sadd.s32 $0x88, s3;
	s6 =	simm.s32 @!p1 $0x1082;
	[sflag:s4] =	ssyncset.s32 $0xFFFFF086  }
0x25: {  	[simem:s6], [sflag:s4] =	dma.local [hbm:s3], $0xF7A  }
0x26: {  	[smem:$0x3F98] =	sst s1;
	(tag) =	ssettag s2;
	_ =	strace s9  }
0x27: {  	s1 =	sld [smem:$0x3FA8]  }
0x28: {  	s2 =	sld [smem:$0x3FA9]  }
0x29: {  	s4 =	sld [smem:$0x3FAB]  }
0x2a: {  	p0 =	seq.s32 s5, $0x0;
	s5 =	sld [smem:$0x3FAC]  }
0x2b: {  	s6 =	sld [smem:$0x3FAD]  }
0x2c: {  	s7 =	sld [smem:$0x3FAE]  }
0x2d: {  	s3 =	simm.s32 $0x108;
	s8 =	sld [smem:$0x3FAF]  }
0x2e: {  	s3 =	simm.s32 @!p0 $0x1082;
	s9 =	sld [smem:$0x3FB0]  }
0x2f: {  	lr =	sadd.s32 s0, s3;
	s0 =	sld [smem:$0x3FA7]  }
0x30: {  	s3 =	sld [smem:$0x3FAA]  }
0x31: {  	[smem:$0x3FB3] =	sst s10  }
0x32: {  	s10 =	sld [smem:$0x3FB1];
	_ =	sdelay $0x3  }
0x33: {  	p0 =	seq.s32 s10, $0x1;
	s10 =	sld [smem:$0x3FB3];
	_ =	sdelay $0x3  }
0x34: {  	[smem:$0x3FB3] =	sst s10  }
0x35: {  	s10 =	sld [smem:$0x3FB2];
	_ =	sdelay $0x3  }
0x36: {  	p1 =	seq.s32 s10, $0x1;
	s10 =	sld [smem:$0x3FB3];
	_ =	sdelay $0x3  }
0x37: {  	[smem:$0x3FB3] =	sst s10  }
0x38: {  	s10 =	sld [smem:$0x3FB4]  }
0x39: {  	_ = 	snop;
	(pc) =	sbr.ind lr, $3  }
0x3a: {  	_ = 	snop  }
0x3b: {  	_ = 	snop  }
0x3c: {  	p2 =	seq.s32 s10, $0x1;
	s10 =	sld [smem:$0x3FB3]  }
0x3d: {  	_ =	shalt  }
0x3e: {  	_ =	shalt  }
0x3f: {  	_ =	shalt  }
0x40: {  	_ =	shalt  }
0x41: {  	_ =	shalt  }
0x42: {  	_ =	shalt  }
0x43: {  	_ =	shalt  }
0x44: {  	_ =	shalt  }
0x45: {  	_ =	shalt  }
0x46: {  	_ =	shalt  }
0x47: {  	_ =	shalt  }
0x48: {  	_ =	shalt  }
0x49: {  	_ =	shalt  }
0x4a: {  	_ =	shalt  }
0x4b: {  	_ =	shalt  }
0x4c: {  	_ =	shalt  }
0x4d: {  	_ =	shalt  }
0x4e: {  	_ =	shalt  }
0x4f: {  	_ =	shalt  }
0x50: {  	_ =	shalt  }
0x51: {  	_ =	shalt  }
0x52: {  	_ =	shalt  }
0x53: {  	_ =	shalt  }
0x54: {  	_ =	shalt  }
0x55: {  	_ =	shalt  }
0x56: {  	_ =	shalt  }
0x57: {  	_ =	shalt  }
0x58: {  	_ =	shalt  }
0x59: {  	_ =	shalt  }
0x5a: {  	_ =	shalt  }
0x5b: {  	_ =	shalt  }
0x5c: {  	_ =	shalt  }
0x5d: {  	_ =	shalt  }
0x5e: {  	_ =	shalt  }
0x5f: {  	_ =	shalt  }
0x60: {  	_ =	shalt  }
0x61: {  	_ =	shalt  }
0x62: {  	_ =	shalt  }
0x63: {  	_ =	shalt  }
0x64: {  	_ =	shalt  }
0x65: {  	_ =	shalt  }
0x66: {  	_ =	shalt  }
0x67: {  	_ =	shalt  }
0x68: {  	_ =	shalt  }
0x69: {  	_ =	shalt  }
0x6a: {  	_ =	shalt  }
0x6b: {  	_ =	shalt  }
0x6c: {  	_ =	shalt  }
0x6d: {  	_ =	shalt  }
0x6e: {  	_ =	shalt  }
0x6f: {  	_ =	shalt  }
0x70: {  	_ =	shalt  }
0x71: {  	_ =	shalt  }
0x72: {  	_ =	shalt  }
0x73: {  	_ =	shalt  }
0x74: {  	_ =	shalt  }
0x75: {  	_ =	shalt  }
0x76: {  	_ =	shalt  }
0x77: {  	_ =	shalt  }
0x78: {  	_ =	shalt  }
0x79: {  	_ =	shalt  }
0x7a: {  	_ =	shalt  }
0x7b: {  	_ =	shalt  }
0x7c: {  	_ =	shalt  }
0x7d: {  	_ =	shalt  }
0x7e: {  	_ =	shalt  }
0x7f: {  	_ =	shalt  }
0x80: {  	_ =	shalt  }
0x81: {  	_ =	shalt  }
0x82: {  	_ =	shalt  }
0x83: {  	_ =	shalt  }
0x84: {  	_ =	shalt  }
0x85: {  	_ =	shalt  }
0x86: {  	_ =	shalt  }
0x87: {  	_ =	shalt  }
.Lfunc_end0:
.L_simem_size_0:
called_computation.1_lowered:
.L_overlay_start_0:
0x88: {  	s2 =	sld [smem:$0x3FD9]  }
0x89: {  	s3 =	sld [smem:$0x3FFE];
	_ =	sdelay $0x1  }
0x8a: {  	s1 =	srdreg.scid  }
0x8b: {  	s0 =	sand.u32 $0x1, s1  }
0x8c: {  	s17 =	sshll.u32 s0, $0xA;
	s2 =	sadd.s32 s3, s2  }
0x8d: {  	s2 =	sadd.s32 s2, s17  }
0x8e: {  	[smem:$0x3FBF] =	sst s2  }
0x8f: {  	_ = 	snop  }
0x90: {  	s2 =	sld [smem:$0x3FD0];
	(tm) =	ssettm $0x1  }
0x91: {  	s18 =	sld [smem:$0x3FFB];
	_ =	sdelay $0x3  }
0x92: {  	_ =	strace s18  }
0x93: {  	s3 =	sld [smem:$0x3FFC];
	_ =	sdelay $0x3  }
0x94: {  	_ =	strace s3  }
0x95: {  	s3 =	sld [smem:$0x3FFD];
	_ =	sdelay $0x3  }
0x96: {  	_ =	strace s3  }
0x97: {  	_ =	strace $0x8FFFFFFF  }
0x98: {  	s19 =	sld [smem:$0x3FDB];
	_ =	sdelay $0x1  }
0x99: {  	s4 =	simm.s32 $_scs_section_size  }
0x9a: {  	s5 =	simm.s32 $_size__tile_overlayer_lowered;
	s6 =	simm.s32 $_tile_overlayer_lowered  }
0x9b: {  	s22 =	simm.s32 $0x1BFF;
	s21 =	sshll.u32 s6, $0x1;
	s3 =	sadd.s32 s4, s19  }
0x9c: {  	s7 =	simm.s32 $0x0;
	s20 =	sshll.u32 s5, $0x1;
	s5 =	sadd.s32 s21, s3  }
0x9d: {  	[timem:s7], [sflag:s22] =	dma.local [hbm:s5], s20  }
0x9e: {  	_ =	swait.ge [sflag:s22], s20  }
0x9f: {  	s4 =	ssub.s32 $0x0, s20;
	[sflag:s22] =	ssyncset.done $0x0  }
0xa0: {  	[sflag:s22] =	ssyncadd.s32 s4;
	_ =	sdelay $0x1  }
0xa1: {  	s23 =	simm.s32 $0x1B8B  }
0xa2: {  	_ =	swait.ge [sflag:s23], $0x1  }
0xa3: {  	[sflag:s23] =	ssyncset.done $0x0  }
0xa4: {  	s25 =	simm.s32 $0x1B8E;
	s24 =	sld [smem:$0x3FFE];
	[sflag:s23] =	ssyncadd.s32 $0xFFFFFFFF  }
0xa5: {  	s26 =	simm.s32 $execute0_lowered;
	[smem:$0x3FD2] =	sst s25  }
0xa6: {  	s5 =	sshll.u32 s26, $0x1;
	_ =	strace $0x80000049;
	[dreg:$0x1] =	wrdreg $0xFFFFFFFF  }
0xa7: {  	s28 =	simm.s32 $_size_execute0_lowered;
	s3 =	sadd.s32 s3, s5;
	[dreg:$0x0] =	wrdreg $0x0  }
0xa8: {  	s5 =	sshll.u32 s28, $0x1;
	[dreg:$0x2] =	wrdreg s3  }
0xa9: {  	[dreg:$0x3] =	wrdreg s5  }
0xaa: {  	[dreg:$0x4] =	wrdreg $0xC0  }
0xab: {  	_ =	task [dreg:s7], $0x5FFFF  }
0xac: {  	[dreg:$0x1] =	wrdreg $0xFFFFFFFF  }
0xad: {  	[dreg:$0x0] =	wrdreg $0x60  }
0xae: {  	[dreg:$0x2] =	wrdreg s24  }
0xaf: {  	[dreg:$0x3] =	wrdreg s2  }
0xb0: {  	[dreg:$0x4] =	wrdreg $0x9  }
0xb1: {  	_ =	task.clear_ibuf [dreg:s7], $0x5FFFF;
	_ =	strace $0x90000049  }
0xb2: {  	s29 =	simm.s32 $0x9;
	_ =	strace $0x8000004B  }
0xb3: {  	_ =	swait.ge [sflag:s29], $0x1  }
0xb4: {  	[sflag:s29] =	ssyncadd.s32 $0xFFFFFFFF  }
0xb5: {  	_ =	strace $0x9000004B  }
0xb6: {  	_ =	sfence  }
0xb7: {  	s30 =	sld [smem:$0x0];
	_ =	sdelay $0x2  }
0xb8: {  	s31 =	sshll.u32 s1, $0xD;
	s1 =	sshrl.u32 s1, $0x2  }
0xb9: {  	s3 =	sand.u32 $0x4000, s31;
	s1 =	sadd.s32 s1, s30  }
0xba: {  	s0 =	sor.u32 s3, s0;
	s1 =	sshll.u32 s1, $0x11  }
0xbb: {  	s0 =	sor.u32 s1, s0  }
0xbc: {  	s0 =	sadd.s32 $0x8F2B, s0  }
0xbd: {  	[sflag:s0] =	ssyncadd.remote.s32 $0x1  }
0xbe: {  	_ =	sfence.sel $0xFFFF  }
0xbf: {  	[dreg:$0x0] =	wrdreg $0xFFFFFFFF;
	(pc) =	sbr.abs _section_cstart, $3  }
0xc0: {  	[dreg:$0x1] =	wrdreg $0xFFFFFFFF  }
0xc1: {  	_ =	task.clear_ibuf [dreg:s7], $0x2FFFF;
	_ =	strace $0x9FFFFFFF  }
0xc2: {  	(tm) =	ssettm $0x7FFFFFFF  }
0xc3: {  	_ =	shalt  }
tec
execute0_lowered:
.L_overlay_start_1:
0x0: {  	(tag) =	ssettag $0x1  }
0x1: {  	s0 =	rddreg [dreg:$0x0]  }
0x2: {  	s1 =	rddreg [dreg:$0x1]  }
0x3: {  	s2 =	srdreg.scid;
	s5 =	stileid.u32;
	s14 =	simm.s32 $0x2  }
0x4: {  	s15 =	simm.s32 $0x8900;
	s16 =	simm.s32 $0x9900;
	s17 =	simm.s32 $0xA900  }
0x5: {  	s18 =	simm.s32 $0xB100;
	s19 =	simm.s32 $0xB900;
	s20 =	simm.s32 $0xC900  }
0x6: {  	s21 =	simm.s32 $0xD900;
	s11 =	simm.s32 $0xE100;
	s22 =	simm.s32 $0xE900  }
0x7: {  	s12 =	simm.s32 $0xF100;
	s23 =	simm.s32 $0xF900;
	s13 =	simm.s32 $0x10100  }
0x8: {  	s24 =	simm.s32 $0x1;
	s3 =	sand.u32 $0x1, s2;
	s2 =	simm.s32 $0x0  }
0x9: {  	s5 =	sshll.u32 s5, $0x6;
	s9 =	sadd.s32 $0x181000, s0;
	s8 =	sadd.s32 $0x1C1300, s0  }
0xa: {  	s4 =	sshll.u32 s3, $0xA;
	[smem:$0x7FF] =	sst s2;
	s6 =	ssub.s32 $0x2, s3  }
0xb: {  	s3 =	sadd.s32 $0x1C1000, s0;
	s4 =	sor.u32 s5, s4;
	_ =	strace $0x8000004A  }
0xc: {  	s25 =	sshrl.u32 s6, $0x1;
	s5 =	sshrl.u32 s4, $0x3;
	s4 =	sshll.u32 s4, $0x7  }
0xd: {  	s10 =	ssub.s32 s6, s25;
	s6 =	sadd.s32 $0x1C1200, s0;
	s29 =	sadd.s32 s9, s4  }
0xe: {  	s28 =	sor.u32 $0x1000, s4;
	s4 =	sadd.s32 s1, s4;
	[dreg:$0x5] =	wrdreg s29  }
0xf: {  	s7 =	sadd.s32 s5, s0;
	s31 =	smax.u32 s10, $0x1;
	[dreg:$0x6] =	wrdreg s4  }
0x10: {  	s25 =	simm.s32 $0x0;
	s26 =	sadd.s32 $0x800, s7;
	[dreg:$0x9] =	wrdreg s31  }
0x11: {  	s5 =	sadd.s32 $0x1C1100, s0;
	s7 =	sadd.s32 $0xA00, s7;
	[dreg:$0x3] =	wrdreg s26  }
0x12: {  	v2 =	vlaneseq.u32;
	s10 =	simm.s32 $0xD100;
	s30 =	sadd.s32 s9, s28;
	[dreg:$0x4] =	wrdreg s7  }
0x13: {  	vm0 =	vmmov $0xffff;
	v1 =	vshrl.u32 v2, $0x3;
	s0 =	sadd.s32 s1, s28;
	s4 =	simm.s32 $0x9100;
	[dreg:$0x7] =	wrdreg s30  }
0x14: {  	v0 =	vand.u32 $0x7, v2;
	v2 =	vor.u32 $0x8, v2;
	v1 =	vmul.u32 $0x8, v1;
	s9 =	simm.s32 $0xC100;
	[dreg:$0x8] =	wrdreg s0;
	s7 =	simm.s32 $0xA100  }
.LBB2_1:
0x15: {  	s0 =	rddreg [dreg:$0x3]  }
0x16: {  	[tilespmem:s2], [sflag:$0x2] =	stream.linear.gather [hbm4b:s0+s2], $0x40, $0x38;
	[tilespmem:$0x18100] =	vst v63  }
0x17: {  	_ =	swait.ge [sflag:s14], $0x40  }
0x18: {  	[sflag:s14] =	ssyncset.done $0x0  }
0x19: {  	s1 =	simm.s32 $0x80;
	s26 =	rddreg [dreg:$0x4];
	[sflag:s14] =	ssyncadd.s32 $0xFFFFFFC0  }
0x1a: {  	[tilespmem:s1], [sflag:$0x2] =	stream.linear.gather [hbm4b:s26+s2], $0x40, $0x38;
	[tilespmem:$0x18100] =	vst v63  }
0x1b: {  	_ =	swait.ge [sflag:s14], $0x40  }
0x1c: {  	[sflag:s14] =	ssyncset.done $0x0  }
0x1d: {  	[sflag:s14] =	ssyncadd.s32 $0xFFFFFFC0  }
0x1e: {  	v3 =	vld [tilespmem:$0x0];
	_ =	sdelay $0x4  }
0x1f: {  	v4 =	vshll.u32 v3, $0x3  }
0x20: {  	v3 =	vand.u32 $0x7, v3;
	v4 =	vand.u32 $0xFFFFFFC0, v4  }
0x21: {  	v3 =	vor.u32 v3, v4  }
0x22: {  	v4 =	vperm.xlane v3, v0;
	_ =	sdelay $0x1  }
0x23: {  	v4 =	vadd.s32 v1, v4;
	_ =	sdelay $0x3  }
0x24: {  	s30 =	simm.s32 $0x100  }
0x25: {  	[tilespmem:s30], [sflag:$0x1] =	stream.indirect_vreg.gather [hbm4b:s3+s2], $0x80, v4, vm0, $0xb8;
	[tilespmem:$0x18100] =	vst v63  }
0x26: {  	s31 =	simm.s32 $0x900;
	v3 =	vperm.xlane v3, v2  }
0x27: {  	[tilespmem:s31], [sflag:$0x1] =	stream.indirect_vreg.gather [hbm4b:s5+s2], $0x80, v4, vm0, $0xb8;
	[tilespmem:$0x18100] =	vst v63  }
0x28: {  	s1 =	simm.s32 $0x1100;
	v3 =	vadd.s32 v1, v3  }
0x29: {  	[tilespmem:s1], [sflag:$0x1] =	stream.indirect_vreg.gather [hbm4b:s6+s2], $0x80, v4, vm0, $0xb8;
	[tilespmem:$0x18100] =	vst v63  }
0x2a: {  	s26 =	simm.s32 $0x1900  }
0x2b: {  	[tilespmem:s26], [sflag:$0x1] =	stream.indirect_vreg.gather [hbm4b:s8+s2], $0x80, v4, vm0, $0xb8;
	[tilespmem:$0x18100] =	vst v63  }
0x2c: {  	s30 =	simm.s32 $0x2100  }
0x2d: {  	[tilespmem:s30], [sflag:$0x1] =	stream.indirect_vreg.gather [hbm4b:s3+s2], $0x80, v3, vm0, $0xb8;
	[tilespmem:$0x18100] =	vst v63  }
0x2e: {  	s31 =	simm.s32 $0x2900  }
0x2f: {  	[tilespmem:s31], [sflag:$0x1] =	stream.indirect_vreg.gather [hbm4b:s5+s2], $0x80, v3, vm0, $0xb8;
	[tilespmem:$0x18100] =	vst v63  }
0x30: {  	s1 =	simm.s32 $0x3100  }
0x31: {  	[tilespmem:s1], [sflag:$0x1] =	stream.indirect_vreg.gather [hbm4b:s6+s2], $0x80, v3, vm0, $0xb8;
	[tilespmem:$0x18100] =	vst v63  }
0x32: {  	s26 =	simm.s32 $0x3900  }
0x33: {  	[tilespmem:s26], [sflag:$0x1] =	stream.indirect_vreg.gather [hbm4b:s8+s2], $0x80, v3, vm0, $0xb8;
	[tilespmem:$0x18100] =	vst v63  }
0x34: {  	v3 =	vld [tilespmem:$0x10];
	_ =	sdelay $0x4  }
0x35: {  	v61 =	vshll.u32 v3, $0x3  }
0x36: {  	v3 =	vand.u32 $0x7, v3;
	v4 =	vand.u32 $0xFFFFFFC0, v61  }
0x37: {  	v3 =	vor.u32 v3, v4  }
0x38: {  	v4 =	vperm.xlane v3, v0;
	_ =	sdelay $0x1  }
0x39: {  	v4 =	vadd.s32 v1, v4;
	_ =	sdelay $0x3  }
0x3a: {  	s30 =	simm.s32 $0x4100  }
0x3b: {  	[tilespmem:s30], [sflag:$0x1] =	stream.indirect_vreg.gather [hbm4b:s3+s2], $0x80, v4, vm0, $0xb8;
	[tilespmem:$0x18100] =	vst v63  }
0x3c: {  	s31 =	simm.s32 $0x4900;
	v3 =	vperm.xlane v3, v2  }
0x3d: {  	[tilespmem:s31], [sflag:$0x1] =	stream.indirect_vreg.gather [hbm4b:s5+s2], $0x80, v4, vm0, $0xb8;
	[tilespmem:$0x18100] =	vst v63  }
0x3e: {  	s1 =	simm.s32 $0x5100;
	v3 =	vadd.s32 v1, v3  }
0x3f: {  	[tilespmem:s1], [sflag:$0x1] =	stream.indirect_vreg.gather [hbm4b:s6+s2], $0x80, v4, vm0, $0xb8;
	[tilespmem:$0x18100] =	vst v63  }
0x40: {  	s26 =	simm.s32 $0x5900  }
0x41: {  	[tilespmem:s26], [sflag:$0x1] =	stream.indirect_vreg.gather [hbm4b:s8+s2], $0x80, v4, vm0, $0xb8;
	[tilespmem:$0x18100] =	vst v63  }
0x42: {  	s30 =	simm.s32 $0x6100  }
0x43: {  	[tilespmem:s30], [sflag:$0x1] =	stream.indirect_vreg.gather [hbm4b:s3+s2], $0x80, v3, vm0, $0xb8;
	[tilespmem:$0x18100] =	vst v63  }
0x44: {  	s31 =	simm.s32 $0x6900  }
0x45: {  	[tilespmem:s31], [sflag:$0x1] =	stream.indirect_vreg.gather [hbm4b:s5+s2], $0x80, v3, vm0, $0xb8;
	[tilespmem:$0x18100] =	vst v63  }
0x46: {  	s1 =	simm.s32 $0x7100  }
0x47: {  	[tilespmem:s1], [sflag:$0x1] =	stream.indirect_vreg.gather [hbm4b:s6+s2], $0x80, v3, vm0, $0xb8;
	[tilespmem:$0x18100] =	vst v63  }
0x48: {  	s26 =	simm.s32 $0x7900  }
0x49: {  	[tilespmem:s26], [sflag:$0x1] =	stream.indirect_vreg.gather [hbm4b:s8+s2], $0x80, v3, vm0, $0xb8;
	[tilespmem:$0x18100] =	vst v63  }
0x4a: {  	v3 =	vld [tilespmem:$0x80];
	_ =	sdelay $0x4  }
0x4b: {  	v62 =	vshll.u32 v3, $0x3  }
0x4c: {  	v3 =	vand.u32 $0x7, v3;
	v4 =	vand.u32 $0xFFFFFFC0, v62  }
0x4d: {  	v3 =	vor.u32 v3, v4  }
0x4e: {  	v4 =	vperm.xlane v3, v0;
	_ =	sdelay $0x1  }
0x4f: {  	v4 =	vadd.s32 v1, v4;
	_ =	sdelay $0x3  }
0x50: {  	s30 =	simm.s32 $0x8100  }
0x51: {  	[tilespmem:s30], [sflag:$0x1] =	stream.indirect_vreg.gather [hbm4b:s3+s2], $0x80, v4, vm0, $0xb8;
	[tilespmem:$0x18100] =	vst v63  }
0x52: {  	v3 =	vperm.xlane v3, v2  }
0x53: {  	[tilespmem:s15], [sflag:$0x1] =	stream.indirect_vreg.gather [hbm4b:s5+s2], $0x80, v4, vm0, $0xb8;
	[tilespmem:$0x18100] =	vst v63  }
0x54: {  	v3 =	vadd.s32 v1, v3  }
0x55: {  	[tilespmem:s4], [sflag:$0x1] =	stream.indirect_vreg.gather [hbm4b:s6+s2], $0x80, v4, vm0, $0xb8;
	[tilespmem:$0x18100] =	vst v63  }
0x56: {  	_ = 	snop  }
0x57: {  	[tilespmem:s16], [sflag:$0x1] =	stream.indirect_vreg.gather [hbm4b:s8+s2], $0x80, v4, vm0, $0xb8;
	[tilespmem:$0x18100] =	vst v63  }
0x58: {  	_ = 	snop  }
0x59: {  	[tilespmem:s7], [sflag:$0x1] =	stream.indirect_vreg.gather [hbm4b:s3+s2], $0x80, v3, vm0, $0xb8;
	[tilespmem:$0x18100] =	vst v63  }
0x5a: {  	_ = 	snop  }
0x5b: {  	[tilespmem:s17], [sflag:$0x1] =	stream.indirect_vreg.gather [hbm4b:s5+s2], $0x80, v3, vm0, $0xb8;
	[tilespmem:$0x18100] =	vst v63  }
0x5c: {  	_ = 	snop  }
0x5d: {  	[tilespmem:s18], [sflag:$0x1] =	stream.indirect_vreg.gather [hbm4b:s6+s2], $0x80, v3, vm0, $0xb8;
	[tilespmem:$0x18100] =	vst v63  }
0x5e: {  	_ = 	snop  }
0x5f: {  	[tilespmem:s19], [sflag:$0x1] =	stream.indirect_vreg.gather [hbm4b:s8+s2], $0x80, v3, vm0, $0xb8;
	[tilespmem:$0x18100] =	vst v63  }
0x60: {  	v3 =	vld [tilespmem:$0x90];
	_ =	sdelay $0x4  }
0x61: {  	v63 =	vshll.u32 v3, $0x3  }
0x62: {  	v3 =	vand.u32 $0x7, v3;
	v4 =	vand.u32 $0xFFFFFFC0, v63  }
0x63: {  	v3 =	vor.u32 v3, v4  }
0x64: {  	v4 =	vperm.xlane v3, v0;
	_ =	sdelay $0x1  }
0x65: {  	v4 =	vadd.s32 v1, v4;
	_ =	sdelay $0x4  }
0x66: {  	[tilespmem:s9], [sflag:$0x1] =	stream.indirect_vreg.gather [hbm4b:s3+s2], $0x80, v4, vm0, $0xb8;
	[tilespmem:$0x18100] =	vst v63  }
0x67: {  	v3 =	vperm.xlane v3, v2  }
0x68: {  	[tilespmem:s20], [sflag:$0x1] =	stream.indirect_vreg.gather [hbm4b:s5+s2], $0x80, v4, vm0, $0xb8;
	[tilespmem:$0x18100] =	vst v63  }
0x69: {  	v3 =	vadd.s32 v1, v3  }
0x6a: {  	[tilespmem:s10], [sflag:$0x1] =	stream.indirect_vreg.gather [hbm4b:s6+s2], $0x80, v4, vm0, $0xb8;
	[tilespmem:$0x18100] =	vst v63  }
0x6b: {  	_ = 	snop  }
0x6c: {  	[tilespmem:s21], [sflag:$0x1] =	stream.indirect_vreg.gather [hbm4b:s8+s2], $0x80, v4, vm0, $0xb8;
	[tilespmem:$0x18100] =	vst v63  }
0x6d: {  	_ = 	snop  }
0x6e: {  	[tilespmem:s11], [sflag:$0x1] =	stream.indirect_vreg.gather [hbm4b:s3+s2], $0x80, v3, vm0, $0xb8;
	[tilespmem:$0x18100] =	vst v63  }
0x6f: {  	_ = 	snop  }
0x70: {  	[tilespmem:s22], [sflag:$0x1] =	stream.indirect_vreg.gather [hbm4b:s5+s2], $0x80, v3, vm0, $0xb8;
	[tilespmem:$0x18100] =	vst v63  }
0x71: {  	_ = 	snop  }
0x72: {  	[tilespmem:s12], [sflag:$0x1] =	stream.indirect_vreg.gather [hbm4b:s6+s2], $0x80, v3, vm0, $0xb8;
	[tilespmem:$0x18100] =	vst v63  }
0x73: {  	_ = 	snop  }
0x74: {  	[tilespmem:s23], [sflag:$0x1] =	stream.indirect_vreg.gather [hbm4b:s8+s2], $0x80, v3, vm0, $0xb8;
	[tilespmem:$0x18100] =	vst v63  }
0x75: {  	s31 =	rddreg [dreg:$0x5]  }
0x76: {  	[tilespmem:s13], [sflag:$0x2] =	stream.linear.gather [hbm4b:s31+s2], $0x8000, $0x38;
	[tilespmem:$0x18100] =	vst v63  }
0x77: {  	_ =	swait.ge [sflag:s14], $0x8000  }
0x78: {  	[sflag:s14] =	ssyncset.done $0x0  }
0x79: {  	[sflag:s14] =	ssyncadd.s32 $0xFFFF8000  }
0x7a: {  	_ =	swait.ge [sflag:s24], $0x8000  }
0x7b: {  	[sflag:s24] =	ssyncset.done $0x0  }
0x7c: {  	[sflag:s24] =	ssyncadd.s32 $0xFFFF8000  }
0x7d: {  	_ =	swait.ge [sflag:s24], $0x8000  }
0x7e: {  	s28 =	simm.s32 $0x0;
	[sflag:s24] =	ssyncset.done $0x0  }
0x7f: {  	s29 =	simm.s32 $0x0;
	s26 =	simm.s32 $0x0;
	[sflag:s24] =	ssyncadd.s32 $0xFFFF8000  }
.LBB2_2:
0x80: {  	s0 =	sand.u32 $0x7, s28  }
0x81: {  	s0 =	sshll.u32 s0, $0x9  }
0x82: {  	s0 =	sshrl.u32 s0, $0x2  }
0x83: {  	v3 =	vmov s0;
	_ =	sdelay $0x2  }
0x84: {  	s1 =	sand.u32 $0x3FFFE000, s26  }
0x85: {  	s30 =	sor.u32 $0x100, s1  }
0x86: {  	s31 =	sadd.s32 $0x10140, s1;
	v4 =	vld.idx.msk [tilespmem:v3+s30+$0x0 ss:$0x1], $0xffff  }
0x87: {  	v5 =	vld.idx.msk [tilespmem:v3+s31+$0xFFFFFFC0 ss:$0x1], $0xffff;
	_ =	sdelay $0x1  }
0x88: {  	v6 =	vld.idx.msk [tilespmem:v3+s30+$0x8000 ss:$0x1], $0xffff;
	_ =	sdelay $0x2  }
0x89: {  	v4 =	vadd.f32 v4, v5;
	_ =	sdelay $0x1  }
0x8a: {  	v4 =	vadd.f32 v6, v4;
	_ =	sdelay $0x1  }
0x8b: {  	[tilespmem:v3+s31+$0xFFFFFFC0 ss:$0x1] =	vst.idx.msk $0xffff, v4  }
0x8c: {  	v4 =	vld.idx.msk [tilespmem:v3+s31+$0xFFFFFFD0 ss:$0x1], $0xffff  }
0x8d: {  	v5 =	vld.idx.msk [tilespmem:v3+s30+$0x10 ss:$0x1], $0xffff;
	_ =	sdelay $0x1  }
0x8e: {  	v6 =	vld.idx.msk [tilespmem:v3+s30+$0x8010 ss:$0x1], $0xffff;
	_ =	sdelay $0x2  }
0x8f: {  	v4 =	vadd.f32 v5, v4;
	_ =	sdelay $0x1  }
0x90: {  	v4 =	vadd.f32 v6, v4;
	_ =	sdelay $0x1  }
0x91: {  	[tilespmem:v3+s31+$0xFFFFFFD0 ss:$0x1] =	vst.idx.msk $0xffff, v4  }
0x92: {  	v4 =	vld.idx.msk [tilespmem:v3+s31+$0xFFFFFFE0 ss:$0x1], $0xffff  }
0x93: {  	v5 =	vld.idx.msk [tilespmem:v3+s30+$0x20 ss:$0x1], $0xffff;
	_ =	sdelay $0x1  }
0x94: {  	v6 =	vld.idx.msk [tilespmem:v3+s30+$0x8020 ss:$0x1], $0xffff;
	_ =	sdelay $0x2  }
0x95: {  	v4 =	vadd.f32 v5, v4;
	_ =	sdelay $0x1  }
0x96: {  	v4 =	vadd.f32 v6, v4;
	_ =	sdelay $0x1  }
0x97: {  	[tilespmem:v3+s31+$0xFFFFFFE0 ss:$0x1] =	vst.idx.msk $0xffff, v4  }
0x98: {  	v4 =	vld.idx.msk [tilespmem:v3+s31+$0xFFFFFFF0 ss:$0x1], $0xffff  }
0x99: {  	v5 =	vld.idx.msk [tilespmem:v3+s30+$0x30 ss:$0x1], $0xffff;
	_ =	sdelay $0x1  }
0x9a: {  	v6 =	vld.idx.msk [tilespmem:v3+s30+$0x8030 ss:$0x1], $0xffff;
	_ =	sdelay $0x2  }
0x9b: {  	v4 =	vadd.f32 v5, v4;
	_ =	sdelay $0x1  }
0x9c: {  	v4 =	vadd.f32 v6, v4;
	_ =	sdelay $0x1  }
0x9d: {  	[tilespmem:v3+s31+$0xFFFFFFF0 ss:$0x1] =	vst.idx.msk $0xffff, v4  }
0x9e: {  	v4 =	vld.idx.msk [tilespmem:v3+s31+$0x0 ss:$0x1], $0xffff  }
0x9f: {  	v5 =	vld.idx.msk [tilespmem:v3+s30+$0x40 ss:$0x1], $0xffff;
	_ =	sdelay $0x1  }
0xa0: {  	v6 =	vld.idx.msk [tilespmem:v3+s30+$0x8040 ss:$0x1], $0xffff;
	_ =	sdelay $0x2  }
0xa1: {  	v4 =	vadd.f32 v5, v4;
	_ =	sdelay $0x1  }
0xa2: {  	v4 =	vadd.f32 v6, v4;
	_ =	sdelay $0x1  }
0xa3: {  	[tilespmem:v3+s31+$0x0 ss:$0x1] =	vst.idx.msk $0xffff, v4  }
0xa4: {  	v4 =	vld.idx.msk [tilespmem:v3+s31+$0x10 ss:$0x1], $0xffff  }
0xa5: {  	v5 =	vld.idx.msk [tilespmem:v3+s30+$0x50 ss:$0x1], $0xffff;
	_ =	sdelay $0x1  }
0xa6: {  	v6 =	vld.idx.msk [tilespmem:v3+s30+$0x8050 ss:$0x1], $0xffff;
	_ =	sdelay $0x2  }
0xa7: {  	v4 =	vadd.f32 v5, v4;
	_ =	sdelay $0x1  }
0xa8: {  	v4 =	vadd.f32 v6, v4;
	_ =	sdelay $0x1  }
0xa9: {  	[tilespmem:v3+s31+$0x10 ss:$0x1] =	vst.idx.msk $0xffff, v4  }
0xaa: {  	v4 =	vld.idx.msk [tilespmem:v3+s31+$0x20 ss:$0x1], $0xffff  }
0xab: {  	v5 =	vld.idx.msk [tilespmem:v3+s30+$0x60 ss:$0x1], $0xffff;
	_ =	sdelay $0x1  }
0xac: {  	v6 =	vld.idx.msk [tilespmem:v3+s30+$0x8060 ss:$0x1], $0xffff;
	_ =	sdelay $0x2  }
0xad: {  	v4 =	vadd.f32 v5, v4;
	_ =	sdelay $0x1  }
0xae: {  	v4 =	vadd.f32 v6, v4;
	_ =	sdelay $0x1  }
0xaf: {  	[tilespmem:v3+s31+$0x20 ss:$0x1] =	vst.idx.msk $0xffff, v4  }
0xb0: {  	v4 =	vld.idx.msk [tilespmem:v3+s31+$0x30 ss:$0x1], $0xffff  }
0xb1: {  	v5 =	vld.idx.msk [tilespmem:v3+s30+$0x70 ss:$0x1], $0xffff  }
0xb2: {  	s1 =	simm.s32 $0x0;
	s0 =	smov.u32 s31;
	v6 =	vld.idx.msk [tilespmem:v3+s30+$0x8070 ss:$0x1], $0xffff  }
.LBB2_3:
0xb3: {  	s1 =	sadd.s32 $0x8, s1;
	s30 =	sadd.s32 $0x400, s30;
	s31 =	sadd.s32 $0x400, s31  }
0xb4: {  	p0 =	slt.u32 s1, $0x38;
	_ =	sdelay $0x2  }
0xb5: {  	v4 =	vadd.f32 v5, v4;
	_ =	sdelay $0x1  }
0xb6: {  	v4 =	vadd.f32 v6, v4;
	_ =	sdelay $0x1  }
0xb7: {  	[tilespmem:v3+s0+$0x30 ss:$0x1] =	vst.idx.msk $0xffff, v4;
	s0 =	smov.u32 s31  }
0xb8: {  	v4 =	vld.idx.msk [tilespmem:v3+s30+$0x0 ss:$0x1], $0xffff  }
0xb9: {  	v5 =	vld.idx.msk [tilespmem:v3+s31+$0xFFFFFFC0 ss:$0x1], $0xffff  }
0xba: {  	v6 =	vld.idx.msk [tilespmem:v3+s30+$0x8000 ss:$0x1], $0xffff;
	_ =	sdelay $0x4  }
0xbb: {  	v4 =	vadd.f32 v4, v5;
	_ =	sdelay $0x1  }
0xbc: {  	v4 =	vadd.f32 v6, v4;
	_ =	sdelay $0x1  }
0xbd: {  	[tilespmem:v3+s31+$0xFFFFFFC0 ss:$0x1] =	vst.idx.msk $0xffff, v4  }
0xbe: {  	v4 =	vld.idx.msk [tilespmem:v3+s31+$0xFFFFFFD0 ss:$0x1], $0xffff  }
0xbf: {  	v5 =	vld.idx.msk [tilespmem:v3+s30+$0x10 ss:$0x1], $0xffff;
	_ =	sdelay $0x1  }
0xc0: {  	v6 =	vld.idx.msk [tilespmem:v3+s30+$0x8010 ss:$0x1], $0xffff;
	_ =	sdelay $0x3  }
0xc1: {  	v4 =	vadd.f32 v5, v4;
	_ =	sdelay $0x1  }
0xc2: {  	v4 =	vadd.f32 v6, v4;
	_ =	sdelay $0x1  }
0xc3: {  	[tilespmem:v3+s31+$0xFFFFFFD0 ss:$0x1] =	vst.idx.msk $0xffff, v4  }
0xc4: {  	v4 =	vld.idx.msk [tilespmem:v3+s31+$0xFFFFFFE0 ss:$0x1], $0xffff  }
0xc5: {  	v5 =	vld.idx.msk [tilespmem:v3+s30+$0x20 ss:$0x1], $0xffff;
	_ =	sdelay $0x1  }
0xc6: {  	v6 =	vld.idx.msk [tilespmem:v3+s30+$0x8020 ss:$0x1], $0xffff;
	_ =	sdelay $0x3  }
0xc7: {  	v4 =	vadd.f32 v5, v4;
	_ =	sdelay $0x1  }
0xc8: {  	v4 =	vadd.f32 v6, v4;
	_ =	sdelay $0x1  }
0xc9: {  	[tilespmem:v3+s31+$0xFFFFFFE0 ss:$0x1] =	vst.idx.msk $0xffff, v4  }
0xca: {  	v4 =	vld.idx.msk [tilespmem:v3+s31+$0xFFFFFFF0 ss:$0x1], $0xffff  }
0xcb: {  	v5 =	vld.idx.msk [tilespmem:v3+s30+$0x30 ss:$0x1], $0xffff  }
0xcc: {  	v6 =	vld.idx.msk [tilespmem:v3+s30+$0x8030 ss:$0x1], $0xffff;
	_ =	sdelay $0x4  }
0xcd: {  	v4 =	vadd.f32 v5, v4;
	_ =	sdelay $0x1  }
0xce: {  	v4 =	vadd.f32 v6, v4;
	_ =	sdelay $0x1  }
0xcf: {  	[tilespmem:v3+s31+$0xFFFFFFF0 ss:$0x1] =	vst.idx.msk $0xffff, v4  }
0xd0: {  	v4 =	vld.idx.msk [tilespmem:v3+s31+$0x0 ss:$0x1], $0xffff  }
0xd1: {  	v5 =	vld.idx.msk [tilespmem:v3+s30+$0x40 ss:$0x1], $0xffff  }
0xd2: {  	v6 =	vld.idx.msk [tilespmem:v3+s30+$0x8040 ss:$0x1], $0xffff;
	_ =	sdelay $0x4  }
0xd3: {  	v4 =	vadd.f32 v5, v4;
	_ =	sdelay $0x1  }
0xd4: {  	v4 =	vadd.f32 v6, v4;
	_ =	sdelay $0x1  }
0xd5: {  	[tilespmem:v3+s31+$0x0 ss:$0x1] =	vst.idx.msk $0xffff, v4  }
0xd6: {  	v4 =	vld.idx.msk [tilespmem:v3+s31+$0x10 ss:$0x1], $0xffff  }
0xd7: {  	v5 =	vld.idx.msk [tilespmem:v3+s30+$0x50 ss:$0x1], $0xffff  }
0xd8: {  	v6 =	vld.idx.msk [tilespmem:v3+s30+$0x8050 ss:$0x1], $0xffff;
	_ =	sdelay $0x4  }
0xd9: {  	v4 =	vadd.f32 v5, v4;
	_ =	sdelay $0x1  }
0xda: {  	v4 =	vadd.f32 v6, v4;
	_ =	sdelay $0x1  }
0xdb: {  	[tilespmem:v3+s31+$0x10 ss:$0x1] =	vst.idx.msk $0xffff, v4  }
0xdc: {  	v4 =	vld.idx.msk [tilespmem:v3+s31+$0x20 ss:$0x1], $0xffff  }
0xdd: {  	v5 =	vld.idx.msk [tilespmem:v3+s30+$0x60 ss:$0x1], $0xffff  }
0xde: {  	v6 =	vld.idx.msk [tilespmem:v3+s30+$0x8060 ss:$0x1], $0xffff;
	_ =	sdelay $0x4  }
0xdf: {  	v4 =	vadd.f32 v5, v4;
	_ =	sdelay $0x1  }
0xe0: {  	v4 =	vadd.f32 v6, v4  }
.Ltmp0:
0xe1: {  	(pc) =	sbr.rel @p0 .LBB2_3-.Ltmp0, $4  }
0xe2: {  	[tilespmem:v3+s31+$0x20 ss:$0x1] =	vst.idx.msk $0xffff, v4  }
0xe3: {  	v4 =	vld.idx.msk [tilespmem:v3+s31+$0x30 ss:$0x1], $0xffff  }
0xe4: {  	v5 =	vld.idx.msk [tilespmem:v3+s30+$0x70 ss:$0x1], $0xffff  }
0xe5: {  	v6 =	vld.idx.msk [tilespmem:v3+s30+$0x8070 ss:$0x1], $0xffff  }
0xe6: {  	_ = 	snop  }
0xe7: {  	s29 =	sadd.s32 $0x1, s29  }
0xe8: {  	p0 =	sne.s32 s29, $0x20  }
.Ltmp1:
0xe9: {  	v4 =	vadd.f32 v5, v4;
	(pc) =	sbr.rel @p0 .LBB2_2-.Ltmp1, $3  }
0xea: {  	_ = 	snop  }
0xeb: {  	v4 =	vadd.f32 v6, v4;
	_ =	sdelay $0x1  }
0xec: {  	s28 =	sadd.s32 $0x1, s28;
	s26 =	sadd.s32 $0x400, s26;
	[tilespmem:v3+s0+$0x30 ss:$0x1] =	vst.idx.msk $0xffff, v4  }
0xed: {  	s26 =	simm.s32 $0x0;
	s0 =	rddreg [dreg:$0x6]  }
0xee: {  	[hbm4b:s0+s26] =	stream.linear.scatter [tilespmem:s13], [sflag:$0x2], $0x8000, $0x38;
	[tilespmem:$0x18100] =	vst v63  }
0xef: {  	_ =	swait.ge [sflag:s14], $0x8000  }
0xf0: {  	[sflag:s14] =	ssyncset.done $0x0  }
0xf1: {  	[sflag:s14] =	ssyncadd.s32 $0xFFFF8000  }
0xf2: {  	v3 =	vld [tilespmem:$0x20];
	_ =	sdelay $0x4  }
0xf3: {  	v4 =	vshll.u32 v3, $0x3  }
0xf4: {  	v3 =	vand.u32 $0x7, v3;
	v4 =	vand.u32 $0xFFFFFFC0, v4  }
0xf5: {  	v3 =	vor.u32 v3, v4  }
0xf6: {  	v4 =	vperm.xlane v3, v0;
	_ =	sdelay $0x1  }
0xf7: {  	v4 =	vadd.s32 v1, v4;
	_ =	sdelay $0x3  }
0xf8: {  	s1 =	simm.s32 $0x100  }
0xf9: {  	[tilespmem:s1], [sflag:$0x1] =	stream.indirect_vreg.gather [hbm4b:s3+s26], $0x80, v4, vm0, $0xb8;
	[tilespmem:$0x18100] =	vst v63  }
0xfa: {  	s30 =	simm.s32 $0x900;
	v3 =	vperm.xlane v3, v2  }
0xfb: {  	[tilespmem:s30], [sflag:$0x1] =	stream.indirect_vreg.gather [hbm4b:s5+s26], $0x80, v4, vm0, $0xb8;
	[tilespmem:$0x18100] =	vst v63  }
0xfc: {  	s31 =	simm.s32 $0x1100;
	v3 =	vadd.s32 v1, v3  }
0xfd: {  	[tilespmem:s31], [sflag:$0x1] =	stream.indirect_vreg.gather [hbm4b:s6+s26], $0x80, v4, vm0, $0xb8;
	[tilespmem:$0x18100] =	vst v63  }
0xfe: {  	s1 =	simm.s32 $0x1900  }
0xff: {  	[tilespmem:s1], [sflag:$0x1] =	stream.indirect_vreg.gather [hbm4b:s8+s26], $0x80, v4, vm0, $0xb8;
	[tilespmem:$0x18100] =	vst v63  }
0x100: {  	s30 =	simm.s32 $0x2100  }
0x101: {  	[tilespmem:s30], [sflag:$0x1] =	stream.indirect_vreg.gather [hbm4b:s3+s26], $0x80, v3, vm0, $0xb8;
	[tilespmem:$0x18100] =	vst v63  }
0x102: {  	s31 =	simm.s32 $0x2900  }
0x103: {  	[tilespmem:s31], [sflag:$0x1] =	stream.indirect_vreg.gather [hbm4b:s5+s26], $0x80, v3, vm0, $0xb8;
	[tilespmem:$0x18100] =	vst v63  }
0x104: {  	s1 =	simm.s32 $0x3100  }
0x105: {  	[tilespmem:s1], [sflag:$0x1] =	stream.indirect_vreg.gather [hbm4b:s6+s26], $0x80, v3, vm0, $0xb8;
	[tilespmem:$0x18100] =	vst v63  }
0x106: {  	s30 =	simm.s32 $0x3900  }
0x107: {  	[tilespmem:s30], [sflag:$0x1] =	stream.indirect_vreg.gather [hbm4b:s8+s26], $0x80, v3, vm0, $0xb8;
	[tilespmem:$0x18100] =	vst v63  }
0x108: {  	v3 =	vld [tilespmem:$0x30];
	_ =	sdelay $0x4  }
0x109: {  	v61 =	vshll.u32 v3, $0x3  }
0x10a: {  	v3 =	vand.u32 $0x7, v3;
	v4 =	vand.u32 $0xFFFFFFC0, v61  }
0x10b: {  	v3 =	vor.u32 v3, v4  }
0x10c: {  	v4 =	vperm.xlane v3, v0;
	_ =	sdelay $0x1  }
0x10d: {  	v4 =	vadd.s32 v1, v4;
	_ =	sdelay $0x3  }
0x10e: {  	s31 =	simm.s32 $0x4100  }
0x10f: {  	[tilespmem:s31], [sflag:$0x1] =	stream.indirect_vreg.gather [hbm4b:s3+s26], $0x80, v4, vm0, $0xb8;
	[tilespmem:$0x18100] =	vst v63  }
0x110: {  	s1 =	simm.s32 $0x4900;
	v3 =	vperm.xlane v3, v2  }
0x111: {  	[tilespmem:s1], [sflag:$0x1] =	stream.indirect_vreg.gather [hbm4b:s5+s26], $0x80, v4, vm0, $0xb8;
	[tilespmem:$0x18100] =	vst v63  }
0x112: {  	s30 =	simm.s32 $0x5100;
	v3 =	vadd.s32 v1, v3  }
0x113: {  	[tilespmem:s30], [sflag:$0x1] =	stream.indirect_vreg.gather [hbm4b:s6+s26], $0x80, v4, vm0, $0xb8;
	[tilespmem:$0x18100] =	vst v63  }
0x114: {  	s31 =	simm.s32 $0x5900  }
0x115: {  	[tilespmem:s31], [sflag:$0x1] =	stream.indirect_vreg.gather [hbm4b:s8+s26], $0x80, v4, vm0, $0xb8;
	[tilespmem:$0x18100] =	vst v63  }
0x116: {  	s1 =	simm.s32 $0x6100  }
0x117: {  	[tilespmem:s1], [sflag:$0x1] =	stream.indirect_vreg.gather [hbm4b:s3+s26], $0x80, v3, vm0, $0xb8;
	[tilespmem:$0x18100] =	vst v63  }
0x118: {  	s30 =	simm.s32 $0x6900  }
0x119: {  	[tilespmem:s30], [sflag:$0x1] =	stream.indirect_vreg.gather [hbm4b:s5+s26], $0x80, v3, vm0, $0xb8;
	[tilespmem:$0x18100] =	vst v63  }
0x11a: {  	s31 =	simm.s32 $0x7100  }
0x11b: {  	[tilespmem:s31], [sflag:$0x1] =	stream.indirect_vreg.gather [hbm4b:s6+s26], $0x80, v3, vm0, $0xb8;
	[tilespmem:$0x18100] =	vst v63  }
0x11c: {  	s1 =	simm.s32 $0x7900  }
0x11d: {  	[tilespmem:s1], [sflag:$0x1] =	stream.indirect_vreg.gather [hbm4b:s8+s26], $0x80, v3, vm0, $0xb8;
	[tilespmem:$0x18100] =	vst v63  }
0x11e: {  	v3 =	vld [tilespmem:$0xA0];
	_ =	sdelay $0x4  }
0x11f: {  	v62 =	vshll.u32 v3, $0x3  }
0x120: {  	v3 =	vand.u32 $0x7, v3;
	v4 =	vand.u32 $0xFFFFFFC0, v62  }
0x121: {  	v3 =	vor.u32 v3, v4  }
0x122: {  	v4 =	vperm.xlane v3, v0;
	_ =	sdelay $0x1  }
0x123: {  	v4 =	vadd.s32 v1, v4;
	_ =	sdelay $0x3  }
0x124: {  	s30 =	simm.s32 $0x8100  }
0x125: {  	[tilespmem:s30], [sflag:$0x1] =	stream.indirect_vreg.gather [hbm4b:s3+s26], $0x80, v4, vm0, $0xb8;
	[tilespmem:$0x18100] =	vst v63  }
0x126: {  	v3 =	vperm.xlane v3, v2  }
0x127: {  	[tilespmem:s15], [sflag:$0x1] =	stream.indirect_vreg.gather [hbm4b:s5+s26], $0x80, v4, vm0, $0xb8;
	[tilespmem:$0x18100] =	vst v63  }
0x128: {  	v3 =	vadd.s32 v1, v3  }
0x129: {  	[tilespmem:s4], [sflag:$0x1] =	stream.indirect_vreg.gather [hbm4b:s6+s26], $0x80, v4, vm0, $0xb8;
	[tilespmem:$0x18100] =	vst v63  }
0x12a: {  	_ = 	snop  }
0x12b: {  	[tilespmem:s16], [sflag:$0x1] =	stream.indirect_vreg.gather [hbm4b:s8+s26], $0x80, v4, vm0, $0xb8;
	[tilespmem:$0x18100] =	vst v63  }
0x12c: {  	_ = 	snop  }
0x12d: {  	[tilespmem:s7], [sflag:$0x1] =	stream.indirect_vreg.gather [hbm4b:s3+s26], $0x80, v3, vm0, $0xb8;
	[tilespmem:$0x18100] =	vst v63  }
0x12e: {  	_ = 	snop  }
0x12f: {  	[tilespmem:s17], [sflag:$0x1] =	stream.indirect_vreg.gather [hbm4b:s5+s26], $0x80, v3, vm0, $0xb8;
	[tilespmem:$0x18100] =	vst v63  }
0x130: {  	_ = 	snop  }
0x131: {  	[tilespmem:s18], [sflag:$0x1] =	stream.indirect_vreg.gather [hbm4b:s6+s26], $0x80, v3, vm0, $0xb8;
	[tilespmem:$0x18100] =	vst v63  }
0x132: {  	_ = 	snop  }
0x133: {  	[tilespmem:s19], [sflag:$0x1] =	stream.indirect_vreg.gather [hbm4b:s8+s26], $0x80, v3, vm0, $0xb8;
	[tilespmem:$0x18100] =	vst v63  }
0x134: {  	v3 =	vld [tilespmem:$0xB0];
	_ =	sdelay $0x4  }
0x135: {  	v63 =	vshll.u32 v3, $0x3  }
0x136: {  	v3 =	vand.u32 $0x7, v3;
	v4 =	vand.u32 $0xFFFFFFC0, v63  }
0x137: {  	v3 =	vor.u32 v3, v4  }
0x138: {  	v4 =	vperm.xlane v3, v0;
	_ =	sdelay $0x1  }
0x139: {  	v4 =	vadd.s32 v1, v4;
	_ =	sdelay $0x4  }
0x13a: {  	[tilespmem:s9], [sflag:$0x1] =	stream.indirect_vreg.gather [hbm4b:s3+s26], $0x80, v4, vm0, $0xb8;
	[tilespmem:$0x18100] =	vst v63  }
0x13b: {  	v3 =	vperm.xlane v3, v2  }
0x13c: {  	[tilespmem:s20], [sflag:$0x1] =	stream.indirect_vreg.gather [hbm4b:s5+s26], $0x80, v4, vm0, $0xb8;
	[tilespmem:$0x18100] =	vst v63  }
0x13d: {  	v3 =	vadd.s32 v1, v3  }
0x13e: {  	[tilespmem:s10], [sflag:$0x1] =	stream.indirect_vreg.gather [hbm4b:s6+s26], $0x80, v4, vm0, $0xb8;
	[tilespmem:$0x18100] =	vst v63  }
0x13f: {  	_ = 	snop  }
0x140: {  	[tilespmem:s21], [sflag:$0x1] =	stream.indirect_vreg.gather [hbm4b:s8+s26], $0x80, v4, vm0, $0xb8;
	[tilespmem:$0x18100] =	vst v63  }
0x141: {  	_ = 	snop  }
0x142: {  	[tilespmem:s11], [sflag:$0x1] =	stream.indirect_vreg.gather [hbm4b:s3+s26], $0x80, v3, vm0, $0xb8;
	[tilespmem:$0x18100] =	vst v63  }
0x143: {  	_ = 	snop  }
0x144: {  	[tilespmem:s22], [sflag:$0x1] =	stream.indirect_vreg.gather [hbm4b:s5+s26], $0x80, v3, vm0, $0xb8;
	[tilespmem:$0x18100] =	vst v63  }
0x145: {  	_ = 	snop  }
0x146: {  	[tilespmem:s12], [sflag:$0x1] =	stream.indirect_vreg.gather [hbm4b:s6+s26], $0x80, v3, vm0, $0xb8;
	[tilespmem:$0x18100] =	vst v63  }
0x147: {  	_ = 	snop  }
0x148: {  	[tilespmem:s23], [sflag:$0x1] =	stream.indirect_vreg.gather [hbm4b:s8+s26], $0x80, v3, vm0, $0xb8;
	[tilespmem:$0x18100] =	vst v63  }
0x149: {  	s31 =	rddreg [dreg:$0x7]  }
0x14a: {  	[tilespmem:s13], [sflag:$0x2] =	stream.linear.gather [hbm4b:s31+s26], $0x8000, $0x38;
	[tilespmem:$0x18100] =	vst v63  }
0x14b: {  	_ =	swait.ge [sflag:s14], $0x8000  }
0x14c: {  	[sflag:s14] =	ssyncset.done $0x0  }
0x14d: {  	[sflag:s14] =	ssyncadd.s32 $0xFFFF8000  }
0x14e: {  	_ =	swait.ge [sflag:s24], $0x8000  }
0x14f: {  	[sflag:s24] =	ssyncset.done $0x0  }
0x150: {  	[sflag:s24] =	ssyncadd.s32 $0xFFFF8000  }
0x151: {  	_ =	swait.ge [sflag:s24], $0x8000  }
0x152: {  	[sflag:s24] =	ssyncset.done $0x0  }
0x153: {  	s28 =	simm.s32 $0x0;
	s29 =	simm.s32 $0x0;
	[sflag:s24] =	ssyncadd.s32 $0xFFFF8000  }
.LBB2_6:
0x154: {  	s0 =	sand.u32 $0x7, s28  }
0x155: {  	s0 =	sshll.u32 s0, $0x9  }
0x156: {  	s0 =	sshrl.u32 s0, $0x2  }
0x157: {  	v3 =	vmov s0;
	_ =	sdelay $0x2  }
0x158: {  	s1 =	sand.u32 $0x3FFFE000, s26  }
0x159: {  	s30 =	sor.u32 $0x100, s1  }
0x15a: {  	s31 =	sadd.s32 $0x10140, s1;
	v4 =	vld.idx.msk [tilespmem:v3+s30+$0x0 ss:$0x1], $0xffff  }
0x15b: {  	v5 =	vld.idx.msk [tilespmem:v3+s31+$0xFFFFFFC0 ss:$0x1], $0xffff;
	_ =	sdelay $0x1  }
0x15c: {  	v6 =	vld.idx.msk [tilespmem:v3+s30+$0x8000 ss:$0x1], $0xffff;
	_ =	sdelay $0x2  }
0x15d: {  	v4 =	vadd.f32 v4, v5;
	_ =	sdelay $0x1  }
0x15e: {  	v4 =	vadd.f32 v6, v4;
	_ =	sdelay $0x1  }
0x15f: {  	[tilespmem:v3+s31+$0xFFFFFFC0 ss:$0x1] =	vst.idx.msk $0xffff, v4  }
0x160: {  	v4 =	vld.idx.msk [tilespmem:v3+s31+$0xFFFFFFD0 ss:$0x1], $0xffff  }
0x161: {  	v5 =	vld.idx.msk [tilespmem:v3+s30+$0x10 ss:$0x1], $0xffff;
	_ =	sdelay $0x1  }
0x162: {  	v6 =	vld.idx.msk [tilespmem:v3+s30+$0x8010 ss:$0x1], $0xffff;
	_ =	sdelay $0x2  }
0x163: {  	v4 =	vadd.f32 v5, v4;
	_ =	sdelay $0x1  }
0x164: {  	v4 =	vadd.f32 v6, v4;
	_ =	sdelay $0x1  }
0x165: {  	[tilespmem:v3+s31+$0xFFFFFFD0 ss:$0x1] =	vst.idx.msk $0xffff, v4  }
0x166: {  	v4 =	vld.idx.msk [tilespmem:v3+s31+$0xFFFFFFE0 ss:$0x1], $0xffff  }
0x167: {  	v5 =	vld.idx.msk [tilespmem:v3+s30+$0x20 ss:$0x1], $0xffff;
	_ =	sdelay $0x1  }
0x168: {  	v6 =	vld.idx.msk [tilespmem:v3+s30+$0x8020 ss:$0x1], $0xffff;
	_ =	sdelay $0x2  }
0x169: {  	v4 =	vadd.f32 v5, v4;
	_ =	sdelay $0x1  }
0x16a: {  	v4 =	vadd.f32 v6, v4;
	_ =	sdelay $0x1  }
0x16b: {  	[tilespmem:v3+s31+$0xFFFFFFE0 ss:$0x1] =	vst.idx.msk $0xffff, v4  }
0x16c: {  	v4 =	vld.idx.msk [tilespmem:v3+s31+$0xFFFFFFF0 ss:$0x1], $0xffff  }
0x16d: {  	v5 =	vld.idx.msk [tilespmem:v3+s30+$0x30 ss:$0x1], $0xffff;
	_ =	sdelay $0x1  }
0x16e: {  	v6 =	vld.idx.msk [tilespmem:v3+s30+$0x8030 ss:$0x1], $0xffff;
	_ =	sdelay $0x2  }
0x16f: {  	v4 =	vadd.f32 v5, v4;
	_ =	sdelay $0x1  }
0x170: {  	v4 =	vadd.f32 v6, v4;
	_ =	sdelay $0x1  }
0x171: {  	[tilespmem:v3+s31+$0xFFFFFFF0 ss:$0x1] =	vst.idx.msk $0xffff, v4  }
0x172: {  	v4 =	vld.idx.msk [tilespmem:v3+s31+$0x0 ss:$0x1], $0xffff  }
0x173: {  	v5 =	vld.idx.msk [tilespmem:v3+s30+$0x40 ss:$0x1], $0xffff;
	_ =	sdelay $0x1  }
0x174: {  	v6 =	vld.idx.msk [tilespmem:v3+s30+$0x8040 ss:$0x1], $0xffff;
	_ =	sdelay $0x2  }
0x175: {  	v4 =	vadd.f32 v5, v4;
	_ =	sdelay $0x1  }
0x176: {  	v4 =	vadd.f32 v6, v4;
	_ =	sdelay $0x1  }
0x177: {  	[tilespmem:v3+s31+$0x0 ss:$0x1] =	vst.idx.msk $0xffff, v4  }
0x178: {  	v4 =	vld.idx.msk [tilespmem:v3+s31+$0x10 ss:$0x1], $0xffff  }
0x179: {  	v5 =	vld.idx.msk [tilespmem:v3+s30+$0x50 ss:$0x1], $0xffff;
	_ =	sdelay $0x1  }
0x17a: {  	v6 =	vld.idx.msk [tilespmem:v3+s30+$0x8050 ss:$0x1], $0xffff;
	_ =	sdelay $0x2  }
0x17b: {  	v4 =	vadd.f32 v5, v4;
	_ =	sdelay $0x1  }
0x17c: {  	v4 =	vadd.f32 v6, v4;
	_ =	sdelay $0x1  }
0x17d: {  	[tilespmem:v3+s31+$0x10 ss:$0x1] =	vst.idx.msk $0xffff, v4  }
0x17e: {  	v4 =	vld.idx.msk [tilespmem:v3+s31+$0x20 ss:$0x1], $0xffff  }
0x17f: {  	v5 =	vld.idx.msk [tilespmem:v3+s30+$0x60 ss:$0x1], $0xffff;
	_ =	sdelay $0x1  }
0x180: {  	v6 =	vld.idx.msk [tilespmem:v3+s30+$0x8060 ss:$0x1], $0xffff;
	_ =	sdelay $0x2  }
0x181: {  	v4 =	vadd.f32 v5, v4;
	_ =	sdelay $0x1  }
0x182: {  	v4 =	vadd.f32 v6, v4;
	_ =	sdelay $0x1  }
0x183: {  	[tilespmem:v3+s31+$0x20 ss:$0x1] =	vst.idx.msk $0xffff, v4  }
0x184: {  	v4 =	vld.idx.msk [tilespmem:v3+s31+$0x30 ss:$0x1], $0xffff  }
0x185: {  	v5 =	vld.idx.msk [tilespmem:v3+s30+$0x70 ss:$0x1], $0xffff  }
0x186: {  	s1 =	simm.s32 $0x0;
	s0 =	smov.u32 s31;
	v6 =	vld.idx.msk [tilespmem:v3+s30+$0x8070 ss:$0x1], $0xffff  }
.LBB2_7:
0x187: {  	s1 =	sadd.s32 $0x8, s1;
	s30 =	sadd.s32 $0x400, s30;
	s31 =	sadd.s32 $0x400, s31  }
0x188: {  	p0 =	slt.u32 s1, $0x38;
	_ =	sdelay $0x2  }
0x189: {  	v4 =	vadd.f32 v5, v4;
	_ =	sdelay $0x1  }
0x18a: {  	v4 =	vadd.f32 v6, v4;
	_ =	sdelay $0x1  }
0x18b: {  	[tilespmem:v3+s0+$0x30 ss:$0x1] =	vst.idx.msk $0xffff, v4;
	s0 =	smov.u32 s31  }
0x18c: {  	v4 =	vld.idx.msk [tilespmem:v3+s30+$0x0 ss:$0x1], $0xffff  }
0x18d: {  	v5 =	vld.idx.msk [tilespmem:v3+s31+$0xFFFFFFC0 ss:$0x1], $0xffff  }
0x18e: {  	v6 =	vld.idx.msk [tilespmem:v3+s30+$0x8000 ss:$0x1], $0xffff;
	_ =	sdelay $0x4  }
0x18f: {  	v4 =	vadd.f32 v4, v5;
	_ =	sdelay $0x1  }
0x190: {  	v4 =	vadd.f32 v6, v4;
	_ =	sdelay $0x1  }
0x191: {  	[tilespmem:v3+s31+$0xFFFFFFC0 ss:$0x1] =	vst.idx.msk $0xffff, v4  }
0x192: {  	v4 =	vld.idx.msk [tilespmem:v3+s31+$0xFFFFFFD0 ss:$0x1], $0xffff  }
0x193: {  	v5 =	vld.idx.msk [tilespmem:v3+s30+$0x10 ss:$0x1], $0xffff;
	_ =	sdelay $0x1  }
0x194: {  	v6 =	vld.idx.msk [tilespmem:v3+s30+$0x8010 ss:$0x1], $0xffff;
	_ =	sdelay $0x3  }
0x195: {  	v4 =	vadd.f32 v5, v4;
	_ =	sdelay $0x1  }
0x196: {  	v4 =	vadd.f32 v6, v4;
	_ =	sdelay $0x1  }
0x197: {  	[tilespmem:v3+s31+$0xFFFFFFD0 ss:$0x1] =	vst.idx.msk $0xffff, v4  }
0x198: {  	v4 =	vld.idx.msk [tilespmem:v3+s31+$0xFFFFFFE0 ss:$0x1], $0xffff  }
0x199: {  	v5 =	vld.idx.msk [tilespmem:v3+s30+$0x20 ss:$0x1], $0xffff;
	_ =	sdelay $0x1  }
0x19a: {  	v6 =	vld.idx.msk [tilespmem:v3+s30+$0x8020 ss:$0x1], $0xffff;
	_ =	sdelay $0x3  }
0x19b: {  	v4 =	vadd.f32 v5, v4;
	_ =	sdelay $0x1  }
0x19c: {  	v4 =	vadd.f32 v6, v4;
	_ =	sdelay $0x1  }
0x19d: {  	[tilespmem:v3+s31+$0xFFFFFFE0 ss:$0x1] =	vst.idx.msk $0xffff, v4  }
0x19e: {  	v4 =	vld.idx.msk [tilespmem:v3+s31+$0xFFFFFFF0 ss:$0x1], $0xffff  }
0x19f: {  	v5 =	vld.idx.msk [tilespmem:v3+s30+$0x30 ss:$0x1], $0xffff  }
0x1a0: {  	v6 =	vld.idx.msk [tilespmem:v3+s30+$0x8030 ss:$0x1], $0xffff;
	_ =	sdelay $0x4  }
0x1a1: {  	v4 =	vadd.f32 v5, v4;
	_ =	sdelay $0x1  }
0x1a2: {  	v4 =	vadd.f32 v6, v4;
	_ =	sdelay $0x1  }
0x1a3: {  	[tilespmem:v3+s31+$0xFFFFFFF0 ss:$0x1] =	vst.idx.msk $0xffff, v4  }
0x1a4: {  	v4 =	vld.idx.msk [tilespmem:v3+s31+$0x0 ss:$0x1], $0xffff  }
0x1a5: {  	v5 =	vld.idx.msk [tilespmem:v3+s30+$0x40 ss:$0x1], $0xffff  }
0x1a6: {  	v6 =	vld.idx.msk [tilespmem:v3+s30+$0x8040 ss:$0x1], $0xffff;
	_ =	sdelay $0x4  }
0x1a7: {  	v4 =	vadd.f32 v5, v4;
	_ =	sdelay $0x1  }
0x1a8: {  	v4 =	vadd.f32 v6, v4;
	_ =	sdelay $0x1  }
0x1a9: {  	[tilespmem:v3+s31+$0x0 ss:$0x1] =	vst.idx.msk $0xffff, v4  }
0x1aa: {  	v4 =	vld.idx.msk [tilespmem:v3+s31+$0x10 ss:$0x1], $0xffff  }
0x1ab: {  	v5 =	vld.idx.msk [tilespmem:v3+s30+$0x50 ss:$0x1], $0xffff  }
0x1ac: {  	v6 =	vld.idx.msk [tilespmem:v3+s30+$0x8050 ss:$0x1], $0xffff;
	_ =	sdelay $0x4  }
0x1ad: {  	v4 =	vadd.f32 v5, v4;
	_ =	sdelay $0x1  }
0x1ae: {  	v4 =	vadd.f32 v6, v4;
	_ =	sdelay $0x1  }
0x1af: {  	[tilespmem:v3+s31+$0x10 ss:$0x1] =	vst.idx.msk $0xffff, v4  }
0x1b0: {  	v4 =	vld.idx.msk [tilespmem:v3+s31+$0x20 ss:$0x1], $0xffff  }
0x1b1: {  	v5 =	vld.idx.msk [tilespmem:v3+s30+$0x60 ss:$0x1], $0xffff  }
0x1b2: {  	v6 =	vld.idx.msk [tilespmem:v3+s30+$0x8060 ss:$0x1], $0xffff;
	_ =	sdelay $0x4  }
0x1b3: {  	v4 =	vadd.f32 v5, v4;
	_ =	sdelay $0x1  }
0x1b4: {  	v4 =	vadd.f32 v6, v4  }
.Ltmp2:
0x1b5: {  	(pc) =	sbr.rel @p0 .LBB2_7-.Ltmp2, $4  }
0x1b6: {  	[tilespmem:v3+s31+$0x20 ss:$0x1] =	vst.idx.msk $0xffff, v4  }
0x1b7: {  	v4 =	vld.idx.msk [tilespmem:v3+s31+$0x30 ss:$0x1], $0xffff  }
0x1b8: {  	v5 =	vld.idx.msk [tilespmem:v3+s30+$0x70 ss:$0x1], $0xffff  }
0x1b9: {  	v6 =	vld.idx.msk [tilespmem:v3+s30+$0x8070 ss:$0x1], $0xffff  }
0x1ba: {  	_ = 	snop  }
0x1bb: {  	s29 =	sadd.s32 $0x1, s29  }
0x1bc: {  	p0 =	sne.s32 s29, $0x20  }
.Ltmp3:
0x1bd: {  	v4 =	vadd.f32 v5, v4;
	(pc) =	sbr.rel @p0 .LBB2_6-.Ltmp3, $3  }
0x1be: {  	_ = 	snop  }
0x1bf: {  	v4 =	vadd.f32 v6, v4;
	_ =	sdelay $0x1  }
0x1c0: {  	s28 =	sadd.s32 $0x1, s28;
	s26 =	sadd.s32 $0x400, s26;
	[tilespmem:v3+s0+$0x30 ss:$0x1] =	vst.idx.msk $0xffff, v4  }
0x1c1: {  	s0 =	rddreg [dreg:$0x8]  }
0x1c2: {  	[hbm4b:s0+s2] =	stream.linear.scatter [tilespmem:s13], [sflag:$0x2], $0x8000, $0x38;
	[tilespmem:$0x18100] =	vst v63  }
0x1c3: {  	_ =	swait.ge [sflag:s14], $0x8000  }
0x1c4: {  	s25 =	sadd.s32 $0x1, s25;
	s31 =	rddreg [dreg:$0x9]  }
0x1c5: {  	p0 =	sne.s32 s25, s31  }
.Ltmp4:
0x1c6: {  	_ = 	snop;
	(pc) =	sbr.rel @p0 .LBB2_1-.Ltmp4, $3  }
0x1c7: {  	_ =	sdelay $0x1  }
0x1c8: {  	[sflag:s14] =	ssyncset.done $0x0  }
0x1c9: {  	[sflag:s14] =	ssyncadd.s32 $0xFFFF8000  }
0x1ca: {  	_ =	sfence.sel $0x180000  }
0x1cb: {  	[bflag:$0x0] =	sbarrier.arrive $0xFFFF  }
0x1cc: {  	_ =	strace $0x9000004A  }
0x1cd: {  	s0 =	stileid.u32;
	[bflag:$0x2] =	sbarrier.arrive $0xFFFF  }
0x1ce: {  	p0 =	sne.s32 s0, $0x0;
	s0 =	rddreg [dreg:$0x2]  }
0x1cf: {  	s0 =	sadd.s32 @!p0 $0x100000, s0  }
0x1d0: {  	[sflag:s0] =	ssyncadd.tile.s32 @!p0 $0x1;
	_ =	shalt  }
.Lfunc_end2:
_tile_overlayer_lowered:
.L_overlay_start_2:
0x1d1: {  	(tag) =	ssettag $0x2  }
0x1d2: {  	s0 =	rddreg [dreg:$0x0];
	s2 =	stileid.u32  }
0x1d3: {  	s1 =	rddreg [dreg:$0x1];
	p0 =	sne.s32 s2, $0x0  }
0x1d4: {  	s3 =	rddreg [dreg:$0x2];
	[bflag:$0x3] =	sbarrier.arrive $0xFFFF;
	s2 =	simm.s32 @!p0 $0x1C02  }
0x1d5: {  	[timem:s3], [sflag:s2] =	dma.local @!p0 [hbm:s0], s1  }
0x1d6: {  	s0 =	simm.s32 @!p0 $0x2  }
0x1d7: {  	_ =	swait.ge @!p0 [sflag:s0], s1  }
0x1d8: {  	s1 =	ssub.s32 @!p0 $0x0, s1;
	[sflag:s0] =	ssyncset.done @!p0 $0x0  }
0x1d9: {  	[sflag:s0] =	ssyncadd.s32 @!p0 s1  }
0x1da: {  	[bflag:$0x3] =	sbarrier.arrive $0xFFFF  }
0x1db: {  	_ =	shalt  }

// kernel: kernel.7.cloned.1.call-start
scs
__scs_entry_jumppad:
0x0: {  	(pc) =	sbr.rel $0x88, $3  }
0x1: {  	(tag) =	ssettag $0x0;
	lr =	simm.s32 $0x1  }
0x2: {  	[smem:$0x3F98] =	sst lr;
	_ =	strace $0xD0000000  }
0x3: {  	_ = 	snop  }
0x4: {  	_ = 	snop  }
0x5: {  	_ = 	snop  }
0x6: {  	_ = 	snop  }
0x7: {  	_ = 	snop  }
__scs_overlays_trampoline_lowered:
0x8: {  	[smem:$0x3FA7] =	sst s0  }
0x9: {  	[smem:$0x3FA8] =	sst s1  }
0xa: {  	[smem:$0x3FA9] =	sst s2  }
0xb: {  	[smem:$0x3FAA] =	sst s3  }
0xc: {  	[smem:$0x3FAB] =	sst s4  }
0xd: {  	[smem:$0x3FAC] =	sst s5  }
0xe: {  	[smem:$0x3FAD] =	sst s6  }
0xf: {  	[smem:$0x3FAE] =	sst s7  }
0x10: {  	[smem:$0x3FAF] =	sst s8  }
0x11: {  	[smem:$0x3FB0] =	sst s9;
	s0 =	simm.s32 @!p0 $0x0  }
0x12: {  	s1 =	sld [smem:$0x3F96];
	s0 =	simm.s32 @p0 $0x1  }
0x13: {  	[smem:$0x3FB1] =	sst s0;
	s0 =	simm.s32 @!p1 $0x0  }
0x14: {  	s2 =	sld [smem:$0x3F95];
	s0 =	simm.s32 @p1 $0x1  }
0x15: {  	[smem:$0x3FB2] =	sst s0;
	s0 =	simm.s32 @!p2 $0x0  }
0x16: {  	s3 =	sld [smem:$0x3FDB];
	s0 =	simm.s32 @p2 $0x1  }
0x17: {  	s4 =	simm.s32 $0x1BF5;
	[smem:$0x3FB4] =	sst s0  }
0x18: {  	s0 =	sld [smem:$0x3F97];
	_ =	swait.ge [sflag:s4], $0x0  }
0x19: {  	s7 =	sld [smem:$0x3F98]  }
0x1a: {  	s8 =	sadd.s32 $0xFFFFE003, lr  }
0x1b: {  	s9 =	sadd.s32 $0xFFFFFEF7, lr;
	s5 =	simm.s32 $0xFFFFFFFF;
	p2 =	slt.u32 s8, $0xFFFFF086  }
0x1c: {  	p1 =	slt.u32 s9, $0xF7A;
	s5 =	simm.s32 @!p2 $0x0  }
0x1d: {  	s5 =	simm.s32 @p1 $0x1;
	p0 =	seq.s32 s7, s2  }
0x1e: {  	s7 =	smul.u32 @!p0 $0xF7A, s2;
	p2 =	seq.s32 @!p0 s5, $0x0  }
0x1f: {  	s9 =	smul.u32 $0xF7A, s1;
	s8 =	simm.s32 @!p0 $0x1BF5;
	p2 =	por !p2, p0  }
0x20: {  	[sflag:s8] =	ssyncset.s32 @!p0 $0xFFFFF086;
	s6 =	sadd.s32 @!p0 s3, s7;
	s7 =	simm.s32 @!p0 $0x108  }
0x21: {  	s3 =	sadd.s32 s3, s9;
	s6 =	sadd.s32 @!p0 $0x88, s6;
	s7 =	simm.s32 @p2 $0x1082  }
0x22: {  	[simem:s7], [sflag:s8] =	dma.local @!p0 [hbm:s6], $0xF7A  }
0x23: {  	s9 =	sor.u32 $0xD0000000, s2;
	s6 =	simm.s32 $0x108;
	_ =	swait.ge @!p0 [sflag:s8], $0x0  }
0x24: {  	s3 =	sadd.s32 $0x88, s3;
	s6 =	simm.s32 @!p1 $0x1082;
	[sflag:s4] =	ssyncset.s32 $0xFFFFF086  }
0x25: {  	[simem:s6], [sflag:s4] =	dma.local [hbm:s3], $0xF7A  }
0x26: {  	[smem:$0x3F98] =	sst s1;
	(tag) =	ssettag s2;
	_ =	strace s9  }
0x27: {  	s1 =	sld [smem:$0x3FA8]  }
0x28: {  	s2 =	sld [smem:$0x3FA9]  }
0x29: {  	s4 =	sld [smem:$0x3FAB]  }
0x2a: {  	p0 =	seq.s32 s5, $0x0;
	s5 =	sld [smem:$0x3FAC]  }
0x2b: {  	s6 =	sld [smem:$0x3FAD]  }
0x2c: {  	s7 =	sld [smem:$0x3FAE]  }
0x2d: {  	s3 =	simm.s32 $0x108;
	s8 =	sld [smem:$0x3FAF]  }
0x2e: {  	s3 =	simm.s32 @!p0 $0x1082;
	s9 =	sld [smem:$0x3FB0]  }
0x2f: {  	lr =	sadd.s32 s0, s3;
	s0 =	sld [smem:$0x3FA7]  }
0x30: {  	s3 =	sld [smem:$0x3FAA]  }
0x31: {  	[smem:$0x3FB3] =	sst s10  }
0x32: {  	s10 =	sld [smem:$0x3FB1];
	_ =	sdelay $0x3  }
0x33: {  	p0 =	seq.s32 s10, $0x1;
	s10 =	sld [smem:$0x3FB3];
	_ =	sdelay $0x3  }
0x34: {  	[smem:$0x3FB3] =	sst s10  }
0x35: {  	s10 =	sld [smem:$0x3FB2];
	_ =	sdelay $0x3  }
0x36: {  	p1 =	seq.s32 s10, $0x1;
	s10 =	sld [smem:$0x3FB3];
	_ =	sdelay $0x3  }
0x37: {  	[smem:$0x3FB3] =	sst s10  }
0x38: {  	s10 =	sld [smem:$0x3FB4]  }
0x39: {  	_ = 	snop;
	(pc) =	sbr.ind lr, $3  }
0x3a: {  	_ = 	snop  }
0x3b: {  	_ = 	snop  }
0x3c: {  	p2 =	seq.s32 s10, $0x1;
	s10 =	sld [smem:$0x3FB3]  }
0x3d: {  	_ =	shalt  }
0x3e: {  	_ =	shalt  }
0x3f: {  	_ =	shalt  }
0x40: {  	_ =	shalt  }
0x41: {  	_ =	shalt  }
0x42: {  	_ =	shalt  }
0x43: {  	_ =	shalt  }
0x44: {  	_ =	shalt  }
0x45: {  	_ =	shalt  }
0x46: {  	_ =	shalt  }
0x47: {  	_ =	shalt  }
0x48: {  	_ =	shalt  }
0x49: {  	_ =	shalt  }
0x4a: {  	_ =	shalt  }
0x4b: {  	_ =	shalt  }
0x4c: {  	_ =	shalt  }
0x4d: {  	_ =	shalt  }
0x4e: {  	_ =	shalt  }
0x4f: {  	_ =	shalt  }
0x50: {  	_ =	shalt  }
0x51: {  	_ =	shalt  }
0x52: {  	_ =	shalt  }
0x53: {  	_ =	shalt  }
0x54: {  	_ =	shalt  }
0x55: {  	_ =	shalt  }
0x56: {  	_ =	shalt  }
0x57: {  	_ =	shalt  }
0x58: {  	_ =	shalt  }
0x59: {  	_ =	shalt  }
0x5a: {  	_ =	shalt  }
0x5b: {  	_ =	shalt  }
0x5c: {  	_ =	shalt  }
0x5d: {  	_ =	shalt  }
0x5e: {  	_ =	shalt  }
0x5f: {  	_ =	shalt  }
0x60: {  	_ =	shalt  }
0x61: {  	_ =	shalt  }
0x62: {  	_ =	shalt  }
0x63: {  	_ =	shalt  }
0x64: {  	_ =	shalt  }
0x65: {  	_ =	shalt  }
0x66: {  	_ =	shalt  }
0x67: {  	_ =	shalt  }
0x68: {  	_ =	shalt  }
0x69: {  	_ =	shalt  }
0x6a: {  	_ =	shalt  }
0x6b: {  	_ =	shalt  }
0x6c: {  	_ =	shalt  }
0x6d: {  	_ =	shalt  }
0x6e: {  	_ =	shalt  }
0x6f: {  	_ =	shalt  }
0x70: {  	_ =	shalt  }
0x71: {  	_ =	shalt  }
0x72: {  	_ =	shalt  }
0x73: {  	_ =	shalt  }
0x74: {  	_ =	shalt  }
0x75: {  	_ =	shalt  }
0x76: {  	_ =	shalt  }
0x77: {  	_ =	shalt  }
0x78: {  	_ =	shalt  }
0x79: {  	_ =	shalt  }
0x7a: {  	_ =	shalt  }
0x7b: {  	_ =	shalt  }
0x7c: {  	_ =	shalt  }
0x7d: {  	_ =	shalt  }
0x7e: {  	_ =	shalt  }
0x7f: {  	_ =	shalt  }
0x80: {  	_ =	shalt  }
0x81: {  	_ =	shalt  }
0x82: {  	_ =	shalt  }
0x83: {  	_ =	shalt  }
0x84: {  	_ =	shalt  }
0x85: {  	_ =	shalt  }
0x86: {  	_ =	shalt  }
0x87: {  	_ =	shalt  }
.Lfunc_end0:
.L_simem_size_0:
called_computation_lowered:
.L_overlay_start_0:
0x88: {  	s2 =	sld [smem:$0x3FD9]  }
0x89: {  	s3 =	sld [smem:$0x3FFE];
	_ =	sdelay $0x1  }
0x8a: {  	s1 =	srdreg.scid  }
0x8b: {  	s0 =	sand.u32 $0x1, s1  }
0x8c: {  	s17 =	sshll.u32 s0, $0xA;
	s2 =	sadd.s32 s3, s2  }
0x8d: {  	s2 =	sadd.s32 s2, s17  }
0x8e: {  	[smem:$0x3FBF] =	sst s2  }
0x8f: {  	_ = 	snop  }
0x90: {  	s2 =	sld [smem:$0x3FC9]  }
0x91: {  	s18 =	sld [smem:$0x3FD0];
	(tm) =	ssettm $0x1  }
0x92: {  	s4 =	sld [smem:$0x3FFB];
	_ =	sdelay $0x3  }
0x93: {  	_ =	strace s4  }
0x94: {  	s4 =	sld [smem:$0x3FFC];
	_ =	sdelay $0x3  }
0x95: {  	_ =	strace s4  }
0x96: {  	s4 =	sld [smem:$0x3FFD];
	_ =	sdelay $0x3  }
0x97: {  	_ =	strace s4  }
0x98: {  	_ =	strace $0x8FFFFFFF  }
0x99: {  	s19 =	sld [smem:$0x3FDB];
	_ =	sdelay $0x1  }
0x9a: {  	s5 =	simm.s32 $_scs_section_size  }
0x9b: {  	s6 =	simm.s32 $_size__tile_overlayer_lowered;
	s7 =	simm.s32 $_tile_overlayer_lowered  }
0x9c: {  	s22 =	simm.s32 $0x1BFF;
	s21 =	sshll.u32 s7, $0x1;
	s4 =	sadd.s32 s5, s19  }
0x9d: {  	s8 =	simm.s32 $0x0;
	s20 =	sshll.u32 s6, $0x1;
	s6 =	sadd.s32 s21, s4  }
0x9e: {  	[timem:s8], [sflag:s22] =	dma.local [hbm:s6], s20  }
0x9f: {  	_ =	swait.ge [sflag:s22], s20  }
0xa0: {  	s5 =	ssub.s32 $0x0, s20;
	[sflag:s22] =	ssyncset.done $0x0  }
0xa1: {  	[sflag:s22] =	ssyncadd.s32 s5;
	_ =	sdelay $0x1  }
0xa2: {  	s23 =	simm.s32 $0x1B8B  }
0xa3: {  	_ =	swait.ge [sflag:s23], $0x1  }
0xa4: {  	[sflag:s23] =	ssyncset.done $0x0  }
0xa5: {  	s25 =	simm.s32 $0x1B8E;
	s24 =	sld [smem:$0x3FFE];
	[sflag:s23] =	ssyncadd.s32 $0xFFFFFFFF  }
0xa6: {  	s26 =	simm.s32 $execute0_lowered;
	[smem:$0x3FD2] =	sst s25  }
0xa7: {  	s6 =	sshll.u32 s26, $0x1;
	_ =	strace $0x80000046;
	[dreg:$0x1] =	wrdreg $0xFFFFFFFF  }
0xa8: {  	s28 =	simm.s32 $_size_execute0_lowered;
	s4 =	sadd.s32 s4, s6;
	[dreg:$0x0] =	wrdreg $0x0  }
0xa9: {  	s6 =	sshll.u32 s28, $0x1;
	[dreg:$0x2] =	wrdreg s4  }
0xaa: {  	[dreg:$0x3] =	wrdreg s6  }
0xab: {  	[dreg:$0x4] =	wrdreg $0xC0  }
0xac: {  	_ =	task [dreg:s8], $0x5FFFF  }
0xad: {  	[dreg:$0x1] =	wrdreg $0xFFFFFFFF  }
0xae: {  	[dreg:$0x0] =	wrdreg $0x60  }
0xaf: {  	[dreg:$0x2] =	wrdreg s2  }
0xb0: {  	[dreg:$0x3] =	wrdreg s24  }
0xb1: {  	[dreg:$0x4] =	wrdreg s18  }
0xb2: {  	[dreg:$0x5] =	wrdreg $0x9  }
0xb3: {  	_ =	task.clear_ibuf [dreg:s8], $0x6FFFF;
	_ =	strace $0x90000046  }
0xb4: {  	s29 =	simm.s32 $0x9;
	_ =	strace $0x80000048  }
0xb5: {  	_ =	swait.ge [sflag:s29], $0x1  }
0xb6: {  	[sflag:s29] =	ssyncadd.s32 $0xFFFFFFFF  }
0xb7: {  	_ =	strace $0x90000048  }
0xb8: {  	_ =	sfence  }
0xb9: {  	s30 =	sld [smem:$0x0];
	_ =	sdelay $0x2  }
0xba: {  	s31 =	sshll.u32 s1, $0xD;
	s1 =	sshrl.u32 s1, $0x2  }
0xbb: {  	s3 =	sand.u32 $0x4000, s31;
	s1 =	sadd.s32 s1, s30  }
0xbc: {  	s0 =	sor.u32 s3, s0;
	s1 =	sshll.u32 s1, $0x11  }
0xbd: {  	s0 =	sor.u32 s1, s0  }
0xbe: {  	s0 =	sadd.s32 $0x8F2B, s0  }
0xbf: {  	[sflag:s0] =	ssyncadd.remote.s32 $0x1  }
0xc0: {  	_ =	sfence.sel $0xFFFF  }
0xc1: {  	[dreg:$0x0] =	wrdreg $0xFFFFFFFF;
	(pc) =	sbr.abs _section_cstart, $3  }
0xc2: {  	[dreg:$0x1] =	wrdreg $0xFFFFFFFF  }
0xc3: {  	_ =	task.clear_ibuf [dreg:s8], $0x2FFFF;
	_ =	strace $0x9FFFFFFF  }
0xc4: {  	(tm) =	ssettm $0x7FFFFFFF  }
0xc5: {  	_ =	shalt  }
tec
execute0_lowered:
.L_overlay_start_1:
0x0: {  	(tag) =	ssettag $0x1  }
0x1: {  	s0 =	rddreg [dreg:$0x0]  }
0x2: {  	s1 =	rddreg [dreg:$0x1];
	s2 =	simm.s32 $0x0;
	s3 =	srdreg.scid  }
0x3: {  	s9 =	stileid.u32;
	s16 =	simm.s32 $0x2;
	s20 =	simm.s32 $0x2000  }
0x4: {  	s15 =	simm.s32 $0x8900;
	s28 =	simm.s32 $0xA900;
	s29 =	simm.s32 $0xB100  }
0x5: {  	s30 =	simm.s32 $0xB900;
	s31 =	simm.s32 $0xC100;
	s21 =	simm.s32 $0x12100  }
0x6: {  	s22 =	simm.s32 $0x12900;
	[smem:$0x7FF] =	sst s2;
	s10 =	sadd.s32 $0x800, s1  }
0x7: {  	s11 =	sadd.s32 $0xA00, s1;
	s4 =	sadd.s32 $0xC00, s1;
	s3 =	sand.u32 $0x1, s3  }
0x8: {  	s6 =	sshll.u32 s9, $0x6;
	s7 =	sadd.s32 $0xE00, s1;
	s8 =	sadd.s32 $0x1000, s1  }
0x9: {  	s12 =	sadd.s32 $0x1100, s1;
	_ =	strace $0x80000047;
	[dreg:$0x6] =	wrdreg s4  }
0xa: {  	s13 =	sadd.s32 $0x1200, s1;
	s14 =	sadd.s32 $0x1300, s1;
	[dreg:$0x7] =	wrdreg s7  }
0xb: {  	s1 =	simm.s32 $0x0;
	s23 =	ssub.s32 $0x2, s3;
	[dreg:$0x4] =	wrdreg s10  }
0xc: {  	s5 =	sshll.u32 s3, $0xA;
	s3 =	sor.u32 s3, s9;
	[dreg:$0x5] =	wrdreg s11  }
0xd: {  	s24 =	sshrl.u32 s23, $0x1;
	s5 =	sor.u32 s6, s5;
	p0 =	sne.s32 s3, $0x0  }
0xe: {  	s4 =	ssub.s32 s23, s24;
	s6 =	sshrl.u32 s5, $0x3;
	s5 =	sshll.u32 s5, $0x7  }
.Ltmp0:
0xf: {  	s24 =	simm.s32 $0x9100;
	s25 =	sadd.s32 s10, s6;
	(pc) =	sbr.rel .LBB2_1-.Ltmp0, $4  }
0x10: {  	s23 =	simm.s32 $0xD100;
	s6 =	sadd.s32 s11, s6;
	[dreg:$0x8] =	wrdreg s25  }
0x11: {  	v3 =	vlaneseq.u32;
	s0 =	sadd.s32 s0, s5;
	s26 =	smax.u32 s4, $0x1;
	[dreg:$0x9] =	wrdreg s6  }
0x12: {  	v0 =	vimm.f32 $0.0e+00;
	vm0 =	vmmov $0xffff;
	v2 =	vshrl.u32 v3, $0x3;
	s11 =	simm.s32 $0x8100;
	s10 =	simm.s32 $0xD900;
	[dreg:$0xa] =	wrdreg s0  }
0x13: {  	v1 =	vand.u32 $0x7, v3;
	v3 =	vor.u32 $0x8, v3;
	v2 =	vmul.u32 $0x8, v2;
	[dreg:$0xb] =	wrdreg s26;
	s25 =	simm.s32 $0x9900;
	s26 =	simm.s32 $0xA100  }
.LBB2_7:
0x14: {  	s0 =	rddreg [dreg:$0x8];
	s3 =	simm.s32 $0x5000  }
0x15: {  	[tilespmem:s3], [sflag:$0x2] =	stream.linear.gather [hbm4b:s0+s2], $0x40, $0x38;
	[tilespmem:$0x15100] =	vst v63  }
0x16: {  	_ =	swait.ge [sflag:s16], $0x40  }
0x17: {  	[sflag:s16] =	ssyncset.done $0x0  }
0x18: {  	s9 =	simm.s32 $0x5080;
	s7 =	rddreg [dreg:$0x9];
	[sflag:s16] =	ssyncadd.s32 $0xFFFFFFC0  }
0x19: {  	[tilespmem:s9], [sflag:$0x2] =	stream.linear.gather [hbm4b:s7+s2], $0x40, $0x38;
	[tilespmem:$0x15100] =	vst v63  }
0x1a: {  	_ =	swait.ge [sflag:s16], $0x40  }
0x1b: {  	[sflag:s16] =	ssyncset.done $0x0  }
0x1c: {  	s9 =	simm.s32 $0x5100;
	s17 =	rddreg [dreg:$0xa];
	[sflag:s16] =	ssyncadd.s32 $0xFFFFFFC0  }
0x1d: {  	[tilespmem:s9], [sflag:$0x2] =	stream.linear.gather [hbm4b:s17+s2], $0x10000, $0x38;
	[tilespmem:$0x15100] =	vst v63  }
0x1e: {  	_ =	swait.ge [sflag:s16], $0x10000  }
0x1f: {  	[sflag:s16] =	ssyncset.done $0x0  }
0x20: {  	[sflag:s16] =	ssyncadd.s32 $0xFFFF0000  }
0x21: {  	v4 =	vld [tilespmem:$0x5000];
	_ =	sdelay $0x4  }
0x22: {  	v5 =	vshll.u32 v4, $0x3  }
0x23: {  	v4 =	vand.u32 $0x7, v4;
	v5 =	vand.u32 $0xFFFFFFC0, v5  }
0x24: {  	v4 =	vor.u32 v4, v5  }
0x25: {  	v5 =	vperm.xlane v4, v1;
	_ =	sdelay $0x1  }
0x26: {  	v5 =	vadd.s32 v2, v5;
	_ =	sdelay $0x4  }
0x27: {  	[hbm4b:s8+s2] =	stream.indirect_vreg.scatter [tilespmem:s9], [sflag:$0x1], $0x80, v5, vm0, $0xb8;
	[tilespmem:$0x15100] =	vst v63  }
0x28: {  	s18 =	simm.s32 $0x5900;
	v4 =	vperm.xlane v4, v3  }
0x29: {  	[hbm4b:s12+s2] =	stream.indirect_vreg.scatter [tilespmem:s18], [sflag:$0x1], $0x80, v5, vm0, $0xb8;
	[tilespmem:$0x15100] =	vst v63  }
0x2a: {  	s19 =	simm.s32 $0x6100;
	v4 =	vadd.s32 v2, v4  }
0x2b: {  	[hbm4b:s13+s2] =	stream.indirect_vreg.scatter [tilespmem:s19], [sflag:$0x1], $0x80, v5, vm0, $0xb8;
	[tilespmem:$0x15100] =	vst v63  }
0x2c: {  	s3 =	simm.s32 $0x6900  }
0x2d: {  	[hbm4b:s14+s2] =	stream.indirect_vreg.scatter [tilespmem:s3], [sflag:$0x1], $0x80, v5, vm0, $0xb8;
	[tilespmem:$0x15100] =	vst v63  }
0x2e: {  	s4 =	simm.s32 $0x7100  }
0x2f: {  	[hbm4b:s8+s2] =	stream.indirect_vreg.scatter [tilespmem:s4], [sflag:$0x1], $0x80, v4, vm0, $0xb8;
	[tilespmem:$0x15100] =	vst v63  }
0x30: {  	s5 =	simm.s32 $0x7900  }
0x31: {  	[hbm4b:s12+s2] =	stream.indirect_vreg.scatter [tilespmem:s5], [sflag:$0x1], $0x80, v4, vm0, $0xb8;
	[tilespmem:$0x15100] =	vst v63  }
0x32: {  	_ = 	snop  }
0x33: {  	[hbm4b:s13+s2] =	stream.indirect_vreg.scatter [tilespmem:s11], [sflag:$0x1], $0x80, v4, vm0, $0xb8;
	[tilespmem:$0x15100] =	vst v63  }
0x34: {  	_ = 	snop  }
0x35: {  	[hbm4b:s14+s2] =	stream.indirect_vreg.scatter [tilespmem:s15], [sflag:$0x1], $0x80, v4, vm0, $0xb8;
	[tilespmem:$0x15100] =	vst v63  }
0x36: {  	v4 =	vld [tilespmem:$0x5010];
	_ =	sdelay $0x4  }
0x37: {  	v5 =	vshll.u32 v4, $0x3  }
0x38: {  	v4 =	vand.u32 $0x7, v4;
	v5 =	vand.u32 $0xFFFFFFC0, v5  }
0x39: {  	v4 =	vor.u32 v4, v5  }
0x3a: {  	v5 =	vperm.xlane v4, v1;
	_ =	sdelay $0x1  }
0x3b: {  	v5 =	vadd.s32 v2, v5;
	_ =	sdelay $0x4  }
0x3c: {  	[hbm4b:s8+s2] =	stream.indirect_vreg.scatter [tilespmem:s24], [sflag:$0x1], $0x80, v5, vm0, $0xb8;
	[tilespmem:$0x15100] =	vst v63  }
0x3d: {  	v4 =	vperm.xlane v4, v3  }
0x3e: {  	[hbm4b:s12+s2] =	stream.indirect_vreg.scatter [tilespmem:s25], [sflag:$0x1], $0x80, v5, vm0, $0xb8;
	[tilespmem:$0x15100] =	vst v63  }
0x3f: {  	v4 =	vadd.s32 v2, v4  }
0x40: {  	[hbm4b:s13+s2] =	stream.indirect_vreg.scatter [tilespmem:s26], [sflag:$0x1], $0x80, v5, vm0, $0xb8;
	[tilespmem:$0x15100] =	vst v63  }
0x41: {  	_ = 	snop  }
0x42: {  	[hbm4b:s14+s2] =	stream.indirect_vreg.scatter [tilespmem:s28], [sflag:$0x1], $0x80, v5, vm0, $0xb8;
	[tilespmem:$0x15100] =	vst v63  }
0x43: {  	_ = 	snop  }
0x44: {  	[hbm4b:s8+s2] =	stream.indirect_vreg.scatter [tilespmem:s29], [sflag:$0x1], $0x80, v4, vm0, $0xb8;
	[tilespmem:$0x15100] =	vst v63  }
0x45: {  	_ = 	snop  }
0x46: {  	[hbm4b:s12+s2] =	stream.indirect_vreg.scatter [tilespmem:s30], [sflag:$0x1], $0x80, v4, vm0, $0xb8;
	[tilespmem:$0x15100] =	vst v63  }
0x47: {  	_ = 	snop  }
0x48: {  	[hbm4b:s13+s2] =	stream.indirect_vreg.scatter [tilespmem:s31], [sflag:$0x1], $0x80, v4, vm0, $0xb8;
	[tilespmem:$0x15100] =	vst v63  }
0x49: {  	s6 =	simm.s32 $0xC900  }
0x4a: {  	[hbm4b:s14+s2] =	stream.indirect_vreg.scatter [tilespmem:s6], [sflag:$0x1], $0x80, v4, vm0, $0xb8;
	[tilespmem:$0x15100] =	vst v63  }
0x4b: {  	v4 =	vld [tilespmem:$0x5020];
	_ =	sdelay $0x4  }
0x4c: {  	v5 =	vshll.u32 v4, $0x3  }
0x4d: {  	v4 =	vand.u32 $0x7, v4;
	v5 =	vand.u32 $0xFFFFFFC0, v5  }
0x4e: {  	v4 =	vor.u32 v4, v5  }
0x4f: {  	v5 =	vperm.xlane v4, v1;
	_ =	sdelay $0x1  }
0x50: {  	v5 =	vadd.s32 v2, v5;
	_ =	sdelay $0x4  }
0x51: {  	[hbm4b:s8+s2] =	stream.indirect_vreg.scatter [tilespmem:s23], [sflag:$0x1], $0x80, v5, vm0, $0xb8;
	[tilespmem:$0x15100] =	vst v63  }
0x52: {  	v4 =	vperm.xlane v4, v3  }
0x53: {  	[hbm4b:s12+s2] =	stream.indirect_vreg.scatter [tilespmem:s10], [sflag:$0x1], $0x80, v5, vm0, $0xb8;
	[tilespmem:$0x15100] =	vst v63  }
0x54: {  	s7 =	simm.s32 $0xE100;
	v4 =	vadd.s32 v2, v4  }
0x55: {  	[hbm4b:s13+s2] =	stream.indirect_vreg.scatter [tilespmem:s7], [sflag:$0x1], $0x80, v5, vm0, $0xb8;
	[tilespmem:$0x15100] =	vst v63  }
0x56: {  	s6 =	simm.s32 $0xE900  }
0x57: {  	[hbm4b:s14+s2] =	stream.indirect_vreg.scatter [tilespmem:s6], [sflag:$0x1], $0x80, v5, vm0, $0xb8;
	[tilespmem:$0x15100] =	vst v63  }
0x58: {  	s5 =	simm.s32 $0xF100  }
0x59: {  	[hbm4b:s8+s2] =	stream.indirect_vreg.scatter [tilespmem:s5], [sflag:$0x1], $0x80, v4, vm0, $0xb8;
	[tilespmem:$0x15100] =	vst v63  }
0x5a: {  	s4 =	simm.s32 $0xF900  }
0x5b: {  	[hbm4b:s12+s2] =	stream.indirect_vreg.scatter [tilespmem:s4], [sflag:$0x1], $0x80, v4, vm0, $0xb8;
	[tilespmem:$0x15100] =	vst v63  }
0x5c: {  	s3 =	simm.s32 $0x10100  }
0x5d: {  	[hbm4b:s13+s2] =	stream.indirect_vreg.scatter [tilespmem:s3], [sflag:$0x1], $0x80, v4, vm0, $0xb8;
	[tilespmem:$0x15100] =	vst v63  }
0x5e: {  	s17 =	simm.s32 $0x10900  }
0x5f: {  	[hbm4b:s14+s2] =	stream.indirect_vreg.scatter [tilespmem:s17], [sflag:$0x1], $0x80, v4, vm0, $0xb8;
	[tilespmem:$0x15100] =	vst v63  }
0x60: {  	v4 =	vld [tilespmem:$0x5030];
	_ =	sdelay $0x4  }
0x61: {  	v5 =	vshll.u32 v4, $0x3  }
0x62: {  	v4 =	vand.u32 $0x7, v4;
	v5 =	vand.u32 $0xFFFFFFC0, v5  }
0x63: {  	v4 =	vor.u32 v4, v5  }
0x64: {  	v5 =	vperm.xlane v4, v1;
	_ =	sdelay $0x1  }
0x65: {  	v5 =	vadd.s32 v2, v5;
	_ =	sdelay $0x3  }
0x66: {  	s18 =	simm.s32 $0x11100  }
0x67: {  	[hbm4b:s8+s2] =	stream.indirect_vreg.scatter [tilespmem:s18], [sflag:$0x1], $0x80, v5, vm0, $0xb8;
	[tilespmem:$0x15100] =	vst v63  }
0x68: {  	s19 =	simm.s32 $0x11900;
	v4 =	vperm.xlane v4, v3  }
0x69: {  	[hbm4b:s12+s2] =	stream.indirect_vreg.scatter [tilespmem:s19], [sflag:$0x1], $0x80, v5, vm0, $0xb8;
	[tilespmem:$0x15100] =	vst v63  }
0x6a: {  	v4 =	vadd.s32 v2, v4  }
0x6b: {  	[hbm4b:s13+s2] =	stream.indirect_vreg.scatter [tilespmem:s21], [sflag:$0x1], $0x80, v5, vm0, $0xb8;
	[tilespmem:$0x15100] =	vst v63  }
0x6c: {  	_ = 	snop  }
0x6d: {  	[hbm4b:s14+s2] =	stream.indirect_vreg.scatter [tilespmem:s22], [sflag:$0x1], $0x80, v5, vm0, $0xb8;
	[tilespmem:$0x15100] =	vst v63  }
0x6e: {  	s0 =	simm.s32 $0x13100  }
0x6f: {  	[hbm4b:s8+s2] =	stream.indirect_vreg.scatter [tilespmem:s0], [sflag:$0x1], $0x80, v4, vm0, $0xb8;
	[tilespmem:$0x15100] =	vst v63  }
0x70: {  	s0 =	simm.s32 $0x13900  }
0x71: {  	[hbm4b:s12+s2] =	stream.indirect_vreg.scatter [tilespmem:s0], [sflag:$0x1], $0x80, v4, vm0, $0xb8;
	[tilespmem:$0x15100] =	vst v63  }
0x72: {  	s0 =	simm.s32 $0x14100  }
0x73: {  	[hbm4b:s13+s2] =	stream.indirect_vreg.scatter [tilespmem:s0], [sflag:$0x1], $0x80, v4, vm0, $0xb8;
	[tilespmem:$0x15100] =	vst v63  }
0x74: {  	s0 =	simm.s32 $0x14900  }
0x75: {  	[hbm4b:s14+s2] =	stream.indirect_vreg.scatter [tilespmem:s0], [sflag:$0x1], $0x80, v4, vm0, $0xb8;
	[tilespmem:$0x15100] =	vst v63  }
0x76: {  	v4 =	vld [tilespmem:$0x5080];
	_ =	sdelay $0x4  }
0x77: {  	v5 =	vshll.u32 v4, $0x3  }
0x78: {  	v4 =	vand.u32 $0x7, v4;
	v5 =	vand.u32 $0xFFFFFFC0, v5  }
0x79: {  	v4 =	vor.u32 v4, v5  }
0x7a: {  	v5 =	vperm.xlane v4, v1;
	_ =	sdelay $0x1  }
0x7b: {  	v5 =	vadd.s32 v2, v5;
	_ =	sdelay $0x4  }
0x7c: {  	[hbm4b:s8+s2] =	stream.indirect_vreg.scatter [tilespmem:s9], [sflag:$0x1], $0x80, v5, vm0, $0xb8;
	[tilespmem:$0x15100] =	vst v63  }
0x7d: {  	v4 =	vperm.xlane v4, v3;
	s9 =	simm.s32 $0x5900  }
0x7e: {  	[hbm4b:s12+s2] =	stream.indirect_vreg.scatter [tilespmem:s9], [sflag:$0x1], $0x80, v5, vm0, $0xb8;
	[tilespmem:$0x15100] =	vst v63  }
0x7f: {  	v4 =	vadd.s32 v2, v4;
	s9 =	simm.s32 $0x6100  }
0x80: {  	[hbm4b:s13+s2] =	stream.indirect_vreg.scatter [tilespmem:s9], [sflag:$0x1], $0x80, v5, vm0, $0xb8;
	[tilespmem:$0x15100] =	vst v63  }
0x81: {  	s9 =	simm.s32 $0x6900  }
0x82: {  	[hbm4b:s14+s2] =	stream.indirect_vreg.scatter [tilespmem:s9], [sflag:$0x1], $0x80, v5, vm0, $0xb8;
	[tilespmem:$0x15100] =	vst v63  }
0x83: {  	s9 =	simm.s32 $0x7100  }
0x84: {  	[hbm4b:s8+s2] =	stream.indirect_vreg.scatter [tilespmem:s9], [sflag:$0x1], $0x80, v4, vm0, $0xb8;
	[tilespmem:$0x15100] =	vst v63  }
0x85: {  	s9 =	simm.s32 $0x7900  }
0x86: {  	[hbm4b:s12+s2] =	stream.indirect_vreg.scatter [tilespmem:s9], [sflag:$0x1], $0x80, v4, vm0, $0xb8;
	[tilespmem:$0x15100] =	vst v63  }
0x87: {  	_ = 	snop  }
0x88: {  	[hbm4b:s13+s2] =	stream.indirect_vreg.scatter [tilespmem:s11], [sflag:$0x1], $0x80, v4, vm0, $0xb8;
	[tilespmem:$0x15100] =	vst v63  }
0x89: {  	_ = 	snop  }
0x8a: {  	[hbm4b:s14+s2] =	stream.indirect_vreg.scatter [tilespmem:s15], [sflag:$0x1], $0x80, v4, vm0, $0xb8;
	[tilespmem:$0x15100] =	vst v63  }
0x8b: {  	v4 =	vld [tilespmem:$0x5090];
	_ =	sdelay $0x4  }
0x8c: {  	v5 =	vshll.u32 v4, $0x3  }
0x8d: {  	v4 =	vand.u32 $0x7, v4;
	v5 =	vand.u32 $0xFFFFFFC0, v5  }
0x8e: {  	v4 =	vor.u32 v4, v5  }
0x8f: {  	v5 =	vperm.xlane v4, v1;
	_ =	sdelay $0x1  }
0x90: {  	v5 =	vadd.s32 v2, v5;
	_ =	sdelay $0x4  }
0x91: {  	[hbm4b:s8+s2] =	stream.indirect_vreg.scatter [tilespmem:s24], [sflag:$0x1], $0x80, v5, vm0, $0xb8;
	[tilespmem:$0x15100] =	vst v63  }
0x92: {  	v4 =	vperm.xlane v4, v3  }
0x93: {  	[hbm4b:s12+s2] =	stream.indirect_vreg.scatter [tilespmem:s25], [sflag:$0x1], $0x80, v5, vm0, $0xb8;
	[tilespmem:$0x15100] =	vst v63  }
0x94: {  	v4 =	vadd.s32 v2, v4  }
0x95: {  	[hbm4b:s13+s2] =	stream.indirect_vreg.scatter [tilespmem:s26], [sflag:$0x1], $0x80, v5, vm0, $0xb8;
	[tilespmem:$0x15100] =	vst v63  }
0x96: {  	_ = 	snop  }
0x97: {  	[hbm4b:s14+s2] =	stream.indirect_vreg.scatter [tilespmem:s28], [sflag:$0x1], $0x80, v5, vm0, $0xb8;
	[tilespmem:$0x15100] =	vst v63  }
0x98: {  	_ = 	snop  }
0x99: {  	[hbm4b:s8+s2] =	stream.indirect_vreg.scatter [tilespmem:s29], [sflag:$0x1], $0x80, v4, vm0, $0xb8;
	[tilespmem:$0x15100] =	vst v63  }
0x9a: {  	_ = 	snop  }
0x9b: {  	[hbm4b:s12+s2] =	stream.indirect_vreg.scatter [tilespmem:s30], [sflag:$0x1], $0x80, v4, vm0, $0xb8;
	[tilespmem:$0x15100] =	vst v63  }
0x9c: {  	_ = 	snop  }
0x9d: {  	[hbm4b:s13+s2] =	stream.indirect_vreg.scatter [tilespmem:s31], [sflag:$0x1], $0x80, v4, vm0, $0xb8;
	[tilespmem:$0x15100] =	vst v63  }
0x9e: {  	s9 =	simm.s32 $0xC900  }
0x9f: {  	[hbm4b:s14+s2] =	stream.indirect_vreg.scatter [tilespmem:s9], [sflag:$0x1], $0x80, v4, vm0, $0xb8;
	[tilespmem:$0x15100] =	vst v63  }
0xa0: {  	v4 =	vld [tilespmem:$0x50A0];
	_ =	sdelay $0x4  }
0xa1: {  	v5 =	vshll.u32 v4, $0x3  }
0xa2: {  	v4 =	vand.u32 $0x7, v4;
	v5 =	vand.u32 $0xFFFFFFC0, v5  }
0xa3: {  	v4 =	vor.u32 v4, v5  }
0xa4: {  	v5 =	vperm.xlane v4, v1;
	_ =	sdelay $0x1  }
0xa5: {  	v5 =	vadd.s32 v2, v5;
	_ =	sdelay $0x4  }
0xa6: {  	[hbm4b:s8+s2] =	stream.indirect_vreg.scatter [tilespmem:s23], [sflag:$0x1], $0x80, v5, vm0, $0xb8;
	[tilespmem:$0x15100] =	vst v63  }
0xa7: {  	v4 =	vperm.xlane v4, v3  }
0xa8: {  	[hbm4b:s12+s2] =	stream.indirect_vreg.scatter [tilespmem:s10], [sflag:$0x1], $0x80, v5, vm0, $0xb8;
	[tilespmem:$0x15100] =	vst v63  }
0xa9: {  	v4 =	vadd.s32 v2, v4  }
0xaa: {  	[hbm4b:s13+s2] =	stream.indirect_vreg.scatter [tilespmem:s7], [sflag:$0x1], $0x80, v5, vm0, $0xb8;
	[tilespmem:$0x15100] =	vst v63  }
0xab: {  	_ = 	snop  }
0xac: {  	[hbm4b:s14+s2] =	stream.indirect_vreg.scatter [tilespmem:s6], [sflag:$0x1], $0x80, v5, vm0, $0xb8;
	[tilespmem:$0x15100] =	vst v63  }
0xad: {  	_ = 	snop  }
0xae: {  	[hbm4b:s8+s2] =	stream.indirect_vreg.scatter [tilespmem:s5], [sflag:$0x1], $0x80, v4, vm0, $0xb8;
	[tilespmem:$0x15100] =	vst v63  }
0xaf: {  	_ = 	snop  }
0xb0: {  	[hbm4b:s12+s2] =	stream.indirect_vreg.scatter [tilespmem:s4], [sflag:$0x1], $0x80, v4, vm0, $0xb8;
	[tilespmem:$0x15100] =	vst v63  }
0xb1: {  	_ = 	snop  }
0xb2: {  	[hbm4b:s13+s2] =	stream.indirect_vreg.scatter [tilespmem:s3], [sflag:$0x1], $0x80, v4, vm0, $0xb8;
	[tilespmem:$0x15100] =	vst v63  }
0xb3: {  	_ = 	snop  }
0xb4: {  	[hbm4b:s14+s2] =	stream.indirect_vreg.scatter [tilespmem:s17], [sflag:$0x1], $0x80, v4, vm0, $0xb8;
	[tilespmem:$0x15100] =	vst v63  }
0xb5: {  	v4 =	vld [tilespmem:$0x50B0];
	_ =	sdelay $0x4  }
0xb6: {  	v5 =	vshll.u32 v4, $0x3  }
0xb7: {  	v4 =	vand.u32 $0x7, v4;
	v5 =	vand.u32 $0xFFFFFFC0, v5  }
0xb8: {  	v4 =	vor.u32 v4, v5  }
0xb9: {  	v5 =	vperm.xlane v4, v1;
	_ =	sdelay $0x1  }
0xba: {  	v5 =	vadd.s32 v2, v5;
	_ =	sdelay $0x4  }
0xbb: {  	[hbm4b:s8+s2] =	stream.indirect_vreg.scatter [tilespmem:s18], [sflag:$0x1], $0x80, v5, vm0, $0xb8;
	[tilespmem:$0x15100] =	vst v63  }
0xbc: {  	v4 =	vperm.xlane v4, v3  }
0xbd: {  	[hbm4b:s12+s2] =	stream.indirect_vreg.scatter [tilespmem:s19], [sflag:$0x1], $0x80, v5, vm0, $0xb8;
	[tilespmem:$0x15100] =	vst v63  }
0xbe: {  	v4 =	vadd.s32 v2, v4  }
0xbf: {  	[hbm4b:s13+s2] =	stream.indirect_vreg.scatter [tilespmem:s21], [sflag:$0x1], $0x80, v5, vm0, $0xb8;
	[tilespmem:$0x15100] =	vst v63  }
0xc0: {  	_ = 	snop  }
0xc1: {  	[hbm4b:s14+s2] =	stream.indirect_vreg.scatter [tilespmem:s22], [sflag:$0x1], $0x80, v5, vm0, $0xb8;
	[tilespmem:$0x15100] =	vst v63  }
0xc2: {  	s7 =	simm.s32 $0x13100  }
0xc3: {  	[hbm4b:s8+s2] =	stream.indirect_vreg.scatter [tilespmem:s7], [sflag:$0x1], $0x80, v4, vm0, $0xb8;
	[tilespmem:$0x15100] =	vst v63  }
0xc4: {  	s9 =	simm.s32 $0x13900  }
0xc5: {  	[hbm4b:s12+s2] =	stream.indirect_vreg.scatter [tilespmem:s9], [sflag:$0x1], $0x80, v4, vm0, $0xb8;
	[tilespmem:$0x15100] =	vst v63  }
0xc6: {  	s17 =	simm.s32 $0x14100  }
0xc7: {  	[hbm4b:s13+s2] =	stream.indirect_vreg.scatter [tilespmem:s17], [sflag:$0x1], $0x80, v4, vm0, $0xb8;
	[tilespmem:$0x15100] =	vst v63  }
0xc8: {  	s18 =	simm.s32 $0x1  }
0xc9: {  	[hbm4b:s14+s2] =	stream.indirect_vreg.scatter [tilespmem:s0], [sflag:$0x1], $0x80, v4, vm0, $0xb8;
	[tilespmem:$0x15100] =	vst v63  }
0xca: {  	_ =	swait.ge [sflag:s18], $0x10000  }
0xcb: {  	[sflag:s18] =	ssyncset.done $0x0  }
0xcc: {  	[sflag:s18] =	ssyncadd.s32 $0xFFFF0000  }
0xcd: {  	_ =	swait.ge [sflag:s18], $0x10000  }
0xce: {  	s1 =	sadd.s32 $0x1, s1;
	s19 =	rddreg [dreg:$0xb]  }
0xcf: {  	p1 =	sne.s32 s1, s19  }
.Ltmp1:
0xd0: {  	_ = 	snop;
	(pc) =	sbr.rel @!p1 .LBB2_8-.Ltmp1, $3  }
0xd1: {  	_ =	sdelay $0x1  }
0xd2: {  	[sflag:s18] =	ssyncset.done $0x0  }
0xd3: {  	[sflag:s18] =	ssyncadd.s32 $0xFFFF0000  }
.LBB2_1:
.Ltmp2:
0xd4: {  	(pc) =	sbr.rel @p0 .LBB2_7-.Ltmp2, $1  }
0xd5: {  	_ =	sdelay $0x3  }
0xd6: {  	s4 =	rddreg [dreg:$0x4]  }
0xd7: {  	[tilespmem:s2], [sflag:$0x2] =	stream.linear.gather [hbm4b:s4+s2], $0x800, $0x38;
	[tilespmem:$0x15100] =	vst v63  }
0xd8: {  	_ =	swait.ge [sflag:s16], $0x800  }
0xd9: {  	[sflag:s16] =	ssyncset.done $0x0  }
0xda: {  	s5 =	simm.s32 $0x800;
	s7 =	rddreg [dreg:$0x5];
	[sflag:s16] =	ssyncadd.s32 $0xFFFFF800  }
0xdb: {  	[tilespmem:s5], [sflag:$0x2] =	stream.linear.gather [hbm4b:s7+s2], $0x800, $0x38;
	[tilespmem:$0x15100] =	vst v63  }
0xdc: {  	_ =	swait.ge [sflag:s16], $0x800  }
0xdd: {  	[sflag:s16] =	ssyncset.done $0x0  }
0xde: {  	s17 =	simm.s32 $0x1000;
	s9 =	rddreg [dreg:$0x6];
	[sflag:s16] =	ssyncadd.s32 $0xFFFFF800  }
0xdf: {  	[tilespmem:s17], [sflag:$0x2] =	stream.linear.gather [hbm4b:s9+s2], $0x800, $0x38;
	[tilespmem:$0x15100] =	vst v63  }
0xe0: {  	_ =	swait.ge [sflag:s16], $0x800  }
0xe1: {  	[sflag:s16] =	ssyncset.done $0x0  }
0xe2: {  	s19 =	simm.s32 $0x1800;
	s18 =	rddreg [dreg:$0x7];
	[sflag:s16] =	ssyncadd.s32 $0xFFFFF800  }
0xe3: {  	[tilespmem:s19], [sflag:$0x2] =	stream.linear.gather [hbm4b:s18+s2], $0x800, $0x38;
	[tilespmem:$0x15100] =	vst v63  }
0xe4: {  	_ =	swait.ge [sflag:s16], $0x800  }
0xe5: {  	[sflag:s16] =	ssyncset.done $0x0  }
0xe6: {  	s4 =	simm.s32 $0x2040;
	[sflag:s16] =	ssyncadd.s32 $0xFFFFF800  }
0xe7: {  	[tilespmem:s4+$0xFFFFFFC0] =	vst v0  }
0xe8: {  	[tilespmem:s4+$0x30] =	vst v0  }
0xe9: {  	[tilespmem:s4+$0x20] =	vst v0  }
0xea: {  	[tilespmem:s4+$0x10] =	vst v0  }
0xeb: {  	[tilespmem:s4+$0x0] =	vst v0  }
0xec: {  	s6 =	simm.s32 $0x1020;
	s5 =	simm.s32 $0x0;
	[tilespmem:s4+$0xFFFFFFF0] =	vst v0  }
0xed: {  	s17 =	simm.s32 $0x20;
	s18 =	simm.s32 $0x1820;
	s19 =	simm.s32 $0x820;
	[tilespmem:s4+$0xFFFFFFE0] =	vst v0  }
.LBB2_3:
0xee: {  	s5 =	sadd.s32 $0x8, s5;
	[tilespmem:s4+$0xFFFFFFD0] =	vst v0;
	s4 =	sadd.s32 $0x80, s4;
	s7 =	simm.s32 $0xFFFFFFFC  }
0xef: {  	[tilespmem:s4+$0xFFFFFFC0] =	vst v0;
	p1 =	slt.u32 s5, $0x2F8  }
0xf0: {  	[tilespmem:s4+$0x30] =	vst v0  }
.Ltmp3:
0xf1: {  	[tilespmem:s4+$0x20] =	vst v0;
	(pc) =	sbr.rel @p1 .LBB2_3-.Ltmp3, $4  }
0xf2: {  	[tilespmem:s4+$0x10] =	vst v0  }
0xf3: {  	[tilespmem:s4+$0x0] =	vst v0  }
0xf4: {  	[tilespmem:s4+$0xFFFFFFF0] =	vst v0  }
0xf5: {  	[tilespmem:s4+$0xFFFFFFE0] =	vst v0  }
0xf6: {  	[tilespmem:s4+$0xFFFFFFD0] =	vst v0  }
.LBB2_5:
0xf7: {  	v4 =	vld [tilespmem:s17+$0xFFFFFFE0];
	_ =	sdelay $0x2  }
0xf8: {  	v5 =	vld [tilespmem:s6+$0xFFFFFFE0];
	_ =	sdelay $0x4  }
0xf9: {  	[tilespmem:v4+s20+$0x0] =	vst.idx.msk $0xffff, v5  }
0xfa: {  	v4 =	vld [tilespmem:s19+$0xFFFFFFE0];
	_ =	sdelay $0x2  }
0xfb: {  	v5 =	vld [tilespmem:s18+$0xFFFFFFE0];
	_ =	sdelay $0x4  }
0xfc: {  	[tilespmem:v4+s20+$0x0] =	vst.idx.msk $0xffff, v5  }
0xfd: {  	v4 =	vld [tilespmem:s17+$0xFFFFFFF0];
	_ =	sdelay $0x2  }
0xfe: {  	v5 =	vld [tilespmem:s6+$0xFFFFFFF0];
	_ =	sdelay $0x4  }
0xff: {  	[tilespmem:v4+s20+$0x0] =	vst.idx.msk $0xffff, v5  }
0x100: {  	v4 =	vld [tilespmem:s19+$0xFFFFFFF0];
	_ =	sdelay $0x2  }
0x101: {  	v5 =	vld [tilespmem:s18+$0xFFFFFFF0];
	_ =	sdelay $0x4  }
0x102: {  	[tilespmem:v4+s20+$0x0] =	vst.idx.msk $0xffff, v5  }
0x103: {  	v4 =	vld [tilespmem:s17+$0x0];
	_ =	sdelay $0x2  }
0x104: {  	v5 =	vld [tilespmem:s6+$0x0];
	_ =	sdelay $0x4  }
0x105: {  	[tilespmem:v4+s20+$0x0] =	vst.idx.msk $0xffff, v5  }
0x106: {  	v4 =	vld [tilespmem:s19+$0x0];
	_ =	sdelay $0x2  }
0x107: {  	v5 =	vld [tilespmem:s18+$0x0];
	_ =	sdelay $0x4  }
0x108: {  	[tilespmem:v4+s20+$0x0] =	vst.idx.msk $0xffff, v5  }
0x109: {  	v4 =	vld [tilespmem:s17+$0x10];
	_ =	sdelay $0x2  }
0x10a: {  	v5 =	vld [tilespmem:s6+$0x10];
	_ =	sdelay $0x4  }
0x10b: {  	[tilespmem:v4+s20+$0x0] =	vst.idx.msk $0xffff, v5  }
0x10c: {  	v4 =	vld [tilespmem:s19+$0x10];
	_ =	sdelay $0x1  }
0x10d: {  	s7 =	sadd.s32 $0x4, s7  }
0x10e: {  	p1 =	slt.u32 s7, $0x7C;
	v5 =	vld [tilespmem:s18+$0x10]  }
.Ltmp4:
0x10f: {  	_ = 	snop;
	(pc) =	sbr.rel @p1 .LBB2_5-.Ltmp4, $3  }
0x110: {  	_ =	sdelay $0x1  }
0x111: {  	s6 =	sadd.s32 $0x40, s6  }
0x112: {  	s17 =	sadd.s32 $0x40, s17;
	s18 =	sadd.s32 $0x40, s18;
	s19 =	sadd.s32 $0x40, s19;
	[tilespmem:v4+s20+$0x0] =	vst.idx.msk $0xffff, v5  }
.Ltmp5:
0x113: {  	s4 =	rddreg [dreg:$0x2];
	(pc) =	sbr.rel .LBB2_7-.Ltmp5, $4  }
0x114: {  	[hbm4b:s4+s2] =	stream.linear.scatter [tilespmem:s20], [sflag:$0x2], $0x3000, $0x38;
	[tilespmem:$0x15100] =	vst v63  }
0x115: {  	_ =	swait.ge [sflag:s16], $0x3000  }
0x116: {  	[sflag:s16] =	ssyncset.done $0x0  }
0x117: {  	[sflag:s16] =	ssyncadd.s32 $0xFFFFD000  }
.LBB2_8:
0x118: {  	_ =	sfence.sel $0x180000  }
0x119: {  	[bflag:$0x0] =	sbarrier.arrive $0xFFFF  }
0x11a: {  	_ =	strace $0x90000047  }
0x11b: {  	s0 =	stileid.u32;
	[bflag:$0x2] =	sbarrier.arrive $0xFFFF  }
0x11c: {  	p0 =	sne.s32 s0, $0x0;
	s0 =	rddreg [dreg:$0x3]  }
0x11d: {  	s0 =	sadd.s32 @!p0 $0x100000, s0  }
0x11e: {  	[sflag:s0] =	ssyncadd.tile.s32 @!p0 $0x1;
	_ =	shalt  }
.Lfunc_end2:
_tile_overlayer_lowered:
.L_overlay_start_2:
0x11f: {  	(tag) =	ssettag $0x2  }
0x120: {  	s0 =	rddreg [dreg:$0x0];
	s2 =	stileid.u32  }
0x121: {  	s1 =	rddreg [dreg:$0x1];
	p0 =	sne.s32 s2, $0x0  }
0x122: {  	s3 =	rddreg [dreg:$0x2];
	[bflag:$0x3] =	sbarrier.arrive $0xFFFF;
	s2 =	simm.s32 @!p0 $0x1C02  }
0x123: {  	[timem:s3], [sflag:s2] =	dma.local @!p0 [hbm:s0], s1  }
0x124: {  	s0 =	simm.s32 @!p0 $0x2  }
0x125: {  	_ =	swait.ge @!p0 [sflag:s0], s1  }
0x126: {  	s1 =	ssub.s32 @!p0 $0x0, s1;
	[sflag:s0] =	ssyncset.done @!p0 $0x0  }
0x127: {  	[sflag:s0] =	ssyncadd.s32 @!p0 s1  }
0x128: {  	[bflag:$0x3] =	sbarrier.arrive $0xFFFF  }
0x129: {  	_ =	shalt  }

</sc_bundles>
